<compile_context>
chip_gen: v7x
topology: tpu7x:2x2x1
jax: 0.10.2.dev20260603
libtpu: 0.0.44.dev20260713+nightly
codegen_flags: <defaults>
</compile_context>

<pallas_src>
import functools

import jax
import jax.numpy as jnp
from jax.experimental import pallas as pl
from jax.experimental.pallas import tpu as pltpu
from jax.experimental.pallas import tpu_sc as plsc

_BM = 256
_W = 128
_CH = 32


def _prepare_body(ids_ref, pos_ref, meta_ref, *, n_exp, bm):
    ids = ids_ref[...]
    rows, cols = ids.shape
    ci = jax.lax.broadcasted_iota(jnp.int32, (cols, cols), 0)
    cj = jax.lax.broadcasted_iota(jnp.int32, (cols, cols), 1)
    upper_inc = (ci <= cj).astype(jnp.float32)
    ri = jax.lax.broadcasted_iota(jnp.int32, (rows, rows), 0)
    rj = jax.lax.broadcasted_iota(jnp.int32, (rows, rows), 1)
    lower_strict = (rj < ri).astype(jnp.float32)

    pos = jnp.zeros((rows, cols), jnp.float32)
    poff = jnp.zeros((1, 1), jnp.float32)
    ends = []
    for e in range(n_exp):
        m = (ids == e).astype(jnp.float32)
        within = jax.lax.dot_general(m, upper_inc, (((1,), (0,)), ((), ())),
                                     preferred_element_type=jnp.float32)
        row_tot = within[:, cols - 1:cols]
        row_tot_b = jnp.broadcast_to(row_tot, (rows, cols))
        carry = jax.lax.dot_general(lower_strict, row_tot_b,
                                    (((1,), (0,)), ((), ())),
                                    preferred_element_type=jnp.float32)
        csum = within + carry[:, 0:1]
        cnt = csum[rows - 1:rows, cols - 1:cols]
        pos = pos + m * (csum - 1.0 + poff)
        poff = poff + jnp.ceil(cnt / bm) * bm
        ends.append(poff)
    pos_ref[...] = pos.astype(jnp.int32)

    total = ends[-1]
    bidx = (jax.lax.broadcasted_iota(jnp.int32, (1, cols), 1) * bm
            ).astype(jnp.float32)
    be = jnp.zeros((1, cols), jnp.float32)
    lastu = jnp.zeros((1, 1), jnp.float32)
    for e in range(n_exp):
        be = be + (bidx >= ends[e]).astype(jnp.float32)
        if e < n_exp - 1:
            lastu = lastu + (ends[e] < total).astype(jnp.float32)
    be = jnp.minimum(be, lastu)
    meta_ref[0:1, :] = be.astype(jnp.int32)
    meta_ref[1:2, :] = jnp.broadcast_to(total / bm, (1, cols)).astype(jnp.int32)


def _gmm_body(bea_ref, nbu_ref, x_ref, w1g_ref, w1u_ref, w2_ref, o_ref,
              acc_ref, *, n_j):
    del bea_ref
    b = pl.program_id(0)
    j = pl.program_id(1)

    @pl.when(b < nbu_ref[0])
    def _compute():
        x = x_ref[...]
        hg = jax.lax.dot_general(x, w1g_ref[...], (((1,), (1,)), ((), ())),
                                 preferred_element_type=jnp.float32)
        hu = jax.lax.dot_general(x, w1u_ref[...], (((1,), (1,)), ((), ())),
                                 preferred_element_type=jnp.float32)
        act = jax.nn.silu(hg) * hu
        y = jax.lax.dot_general(act, w2_ref[...], (((1,), (1,)), ((), ())),
                                preferred_element_type=jnp.float32)

        @pl.when(j == 0)
        def _init():
            acc_ref[...] = y

        @pl.when(j > 0)
        def _acc():
            acc_ref[...] += y

        @pl.when(j == n_j - 1)
        def _flush():
            o_ref[...] = acc_ref[...]


def _combine_w_body(a_ref, b_ref, tw_ref, o_ref):
    tw = tw_ref[...]
    o_ref[...] = a_ref[...] * tw[:, 0:1] + b_ref[...] * tw[:, 1:2]


def _sc_permute_rows(src, gidx, sidx, out_rows):
    k = src.shape[1]
    n_idx = gidx.shape[1]
    mesh = plsc.VectorSubcoreMesh(core_axis_name="core",
                                  subcore_axis_name="subcore")

    @pl.kernel(out_type=jax.ShapeDtypeStruct((out_rows, k), src.dtype),
               mesh=mesh, scratch_types=[pltpu.VMEM((_CH, k), src.dtype)])
    def permute_kernel(src_hbm, g_hbm, s_hbm, o_hbm, buf):
        def body(g_vmem, s_vmem):
            for j in range(_W // _CH):
                sl = pl.ds(j * _CH, _CH)
                pltpu.sync_copy(src_hbm.at[g_vmem.at[0, sl]], buf)
                pltpu.sync_copy(buf, o_hbm.at[s_vmem.at[0, sl]])

        pltpu.emit_pipeline(
            body,
            grid=(n_idx // _W,),
            in_specs=[pl.BlockSpec((1, _W), lambda i: (0, i)),
                      pl.BlockSpec((1, _W), lambda i: (0, i))],
            out_specs=[],
            core_axis_name=("core", "subcore"),
            dimension_semantics=(pltpu.PARALLEL,),
        )(g_hbm, s_hbm)

    return permute_kernel(src, gidx, sidx)


def kernel(hidden_states, w1, w2, topk_weights, topk_ids):
    m, d_model = hidden_states.shape
    n_exp, two_n, _ = w1.shape
    d_ff = w2.shape[2]
    topk = topk_ids.shape[1]
    n_pairs = m * topk
    npad = n_pairs + n_exp * _BM
    nb = npad // _BM
    rows, cols = n_pairs // 128, 128

    ids_km = topk_ids.T.reshape(rows, cols)
    pos_grid, meta = pl.pallas_call(
        functools.partial(_prepare_body, n_exp=n_exp, bm=_BM),
        grid=(1,),
        in_specs=[pl.BlockSpec((rows, cols), lambda i: (0, 0))],
        out_specs=[pl.BlockSpec((rows, cols), lambda i: (0, 0)),
                   pl.BlockSpec((8, cols), lambda i: (0, 0))],
        out_shape=[jax.ShapeDtypeStruct((rows, cols), jnp.int32),
                   jax.ShapeDtypeStruct((8, cols), jnp.int32)],
    )(ids_km)

    tok = (jax.lax.iota(jnp.int32, n_pairs) % m).reshape(1, n_pairs)
    pos_flat = pos_grid.reshape(1, n_pairs)
    x_perm = _sc_permute_rows(hidden_states, tok, pos_flat, npad)

    bea = meta[0]
    nbu = meta[1, 0:1]
    f_chunk = 512
    n_j = d_ff // f_chunk
    y_perm = pl.pallas_call(
        functools.partial(_gmm_body, n_j=n_j),
        grid_spec=pltpu.PrefetchScalarGridSpec(
            num_scalar_prefetch=2,
            grid=(nb, n_j),
            in_specs=[
                pl.BlockSpec((_BM, d_model), lambda b, j, bea, nbu: (b, 0)),
                pl.BlockSpec((None, f_chunk, d_model),
                             lambda b, j, bea, nbu: (bea[b], j, 0)),
                pl.BlockSpec((None, f_chunk, d_model),
                             lambda b, j, bea, nbu, _nj=n_j: (bea[b], _nj + j, 0)),
                pl.BlockSpec((None, d_model, f_chunk),
                             lambda b, j, bea, nbu: (bea[b], 0, j)),
            ],
            out_specs=pl.BlockSpec((_BM, d_model),
                                   lambda b, j, bea, nbu: (b, 0)),
            scratch_shapes=[pltpu.VMEM((_BM, d_model), jnp.float32)],
        ),
        out_shape=jax.ShapeDtypeStruct((npad, d_model), jnp.float32),
    )(bea, nbu, x_perm, w1, w1, w2)

    dst = jax.lax.iota(jnp.int32, n_pairs).reshape(1, n_pairs)
    ab = _sc_permute_rows(y_perm, pos_flat, dst, n_pairs)

    bm_c = 512
    nblk = m // bm_c
    return pl.pallas_call(
        _combine_w_body,
        grid=(nblk,),
        in_specs=[pl.BlockSpec((bm_c, d_model), lambda i: (i, 0)),
                  pl.BlockSpec((bm_c, d_model), lambda i, _n=nblk: (i + _n, 0)),
                  pl.BlockSpec((bm_c, topk), lambda i: (i, 0))],
        out_specs=pl.BlockSpec((bm_c, d_model), lambda i: (i, 0)),
        out_shape=jax.ShapeDtypeStruct((m, d_model), jnp.float32),
    )(ab, ab, topk_weights)

# --- scband reference (transcript-rebuilt; emitter-appended) ---
"""Pipeline reference for scband-fused-mo-emodular-kernel-75900662054967 (READ-ONLY COPY).

The authoritative reference and input builder live on the scoring server;
editing this copy changes nothing except your own understanding.
"""

import jax, jax.numpy as jnp
import numpy as np

M, K, N, E, TOPK = 2048, 1024, 1024, 8, 2

def setup_inputs(seed: int = 0) -> dict:
    key = jax.random.key(seed)
    k1, k2, k3, k4, k5 = jax.random.split(key, 5)
    hidden_states = jax.random.normal(k1, (M, K), dtype=jnp.float32)
    w1 = jax.random.normal(k2, (E, 2 * N, K), dtype=jnp.float32) * 0.02
    w2 = jax.random.normal(k3, (E, K, N), dtype=jnp.float32) * 0.02
    tw = jax.random.uniform(k4, (M, TOPK), dtype=jnp.float32)
    topk_weights = tw / jnp.sum(tw, axis=-1, keepdims=True)
    topk_ids = jax.random.randint(k5, (M, TOPK), 0, E, dtype=jnp.int32)
    return {"hidden_states": hidden_states, "w1": w1, "w2": w2,
            "topk_weights": topk_weights, "topk_ids": topk_ids}

def reference(hidden_states, w1, w2, topk_weights, topk_ids):
    # Faithful math of FusedMoEModularKernel standard unquantized path:
    # for each token t and selected expert e = topk_ids[t, k]:
    #   h   = x_t @ w1[e].T              (gate/up fused, width 2N)
    #   act = silu(h[:N]) * h[N:]
    #   y   = act @ w2[e].T
    #   out += topk_weights[t, k] * y    (finalize / unpermute-reduce)
    n_exp = w1.shape[0]
    d_ff = w2.shape[2]
    m, d_model = hidden_states.shape
    # dense per-token gate vector over experts: sum of topk weights routed to e
    gates = jnp.sum(jax.nn.one_hot(topk_ids, n_exp, dtype=hidden_states.dtype)
                    * topk_weights[..., None], axis=1)  # [M, E]
    out = jnp.zeros((m, d_model), dtype=hidden_states.dtype)
    for e in range(n_exp):
        h = hidden_states @ w1[e].T                      # [M, 2N]
        act = jax.nn.silu(h[:, :d_ff]) * h[:, d_ff:]     # [M, N]
        o = act @ w2[e].T                                # [M, K]
        out = out + o * gates[:, e][:, None]
    return out

if __name__ == "__main__":
    import jax
    _d = setup_inputs()
    print(jax.jit(kernel)(*tuple(_d.values())))

</pallas_src>

<mosaic_0001>
#map = affine_map<(d0, d1) -> (0, 0)>
module attributes {stable_mosaic.version = 14 : i64} {
  func.func @permute_kernel(%arg0: i32, %arg1: i32, %arg2: memref<6144x1024xf32, #tpu.memory_space<hbm>>, %arg3: memref<1x4096xi32, #tpu.memory_space<hbm>>, %arg4: memref<1x4096xi32, #tpu.memory_space<hbm>>, %arg5: memref<4096x1024xf32, #tpu.memory_space<hbm>>, %arg6: memref<32x1024xf32, #tpu.memory_space<vmem>>) attributes {dimension_semantics = [#tpu.dimension_semantics<core_parallel>, #tpu.dimension_semantics<subcore_parallel>], iteration_bounds = array<i64: 2, 16>, scalar_prefetch = 0 : i64, scratch_operands = 1 : i64, tpu.core_type = #tpu.core_type<sc_vector_subcore>, window_params = [{transform_indices = #map}, {transform_indices = #map}, {transform_indices = #map}, {transform_indices = #map}]} {
    %mul3A = arith.constant 1 : i32
    %mul3A_0 = arith.muli %arg1, %mul3A : i32
    %add3A = arith.constant 0 : i32
    %add3A_1 = arith.addi %add3A, %mul3A_0 : i32
    %mul3A_2 = arith.constant 16 : i32
    %mul3A_3 = arith.muli %arg0, %mul3A_2 : i32
    %add3A_4 = arith.addi %add3A_1, %mul3A_3 : i32
    %mul3A_5 = arith.constant 1 : i32
    %mul3A_6 = arith.muli %add3A_4, %mul3A_5 : i32
    "tpu.region"() ({
      %run_scoped3A = memref.alloca() : memref<2x1x128xi32, #tpu.memory_space<vmem>>
      %run_scoped3A_7 = tpu.sem_alloc : memref<2x!tpu.dma_semaphore, #tpu.memory_space<semaphore_mem>>
      %run_scoped3A_8 = memref.alloca() : memref<2x1x128xi32, #tpu.memory_space<vmem>>
      %run_scoped3A_9 = tpu.sem_alloc : memref<2x!tpu.dma_semaphore, #tpu.memory_space<semaphore_mem>>
      %add3A_10 = arith.constant 0 : i32
      %add3A_11 = arith.addi %add3A_10, %mul3A_6 : i32
      %select_n3A = arith.constant true
      %select_n3A_12 = arith.constant 0 : i32
      %select_n3A_13 = arith.constant -1 : i32
      %select_n3A_14 = arith.select %select_n3A, %select_n3A_13, %select_n3A_12 : i32
      %eq3A = arith.constant -1 : i32
      %eq3A_15 = arith.cmpi eq, %select_n3A_14, %eq3A : i32
      %select_n3A_16 = arith.constant 0 : i32
      %select_n3A_17 = arith.select %eq3A_15, %select_n3A_16, %select_n3A_14 : i32
      %add3A_18 = arith.constant 0 : i32
      %add3A_19 = arith.addi %add3A_18, %mul3A_6 : i32
      %select_n3A_20 = arith.constant true
      %select_n3A_21 = arith.constant 0 : i32
      %select_n3A_22 = arith.constant 1 : i32
      %select_n3A_23 = arith.select %select_n3A_20, %select_n3A_22, %select_n3A_21 : i32
      %eq3A_24 = arith.constant 1 : i32
      %eq3A_25 = arith.cmpi eq, %select_n3A_23, %eq3A_24 : i32
      %select_n3A_26 = arith.constant 0 : i32
      %select_n3A_27 = arith.select %eq3A_25, %select_n3A_26, %select_n3A_23 : i32
      %add3A_28 = arith.constant 0 : i32
      %add3A_29 = arith.addi %add3A_28, %mul3A_6 : i32
      %select_n3A_30 = arith.constant true
      %select_n3A_31 = arith.constant 0 : i32
      %select_n3A_32 = arith.constant 1 : i32
      %select_n3A_33 = arith.select %select_n3A_30, %select_n3A_32, %select_n3A_31 : i32
      %eq3A_34 = arith.constant 1 : i32
      %eq3A_35 = arith.cmpi eq, %select_n3A_33, %eq3A_34 : i32
      %select_n3A_36 = arith.constant 0 : i32
      %select_n3A_37 = arith.select %eq3A_35, %select_n3A_36, %select_n3A_33 : i32
      %add3A_38 = arith.constant 0 : i32
      %add3A_39 = arith.addi %add3A_38, %mul3A_6 : i32
      "tpu.trace_start"() <{level = 10 : i32, message = "ep_initialize_0"}> : () -> ()
      %rem3A = arith.constant 0 : i32
      %rem3A_40 = arith.constant 2 : i32
      %rem3A_41 = arith.remui %rem3A, %rem3A_40 : i32
      %mul3A_42 = arith.constant 128 : i32
      %mul3A_43 = arith.muli %mul3A_42, %add3A_11 : i32
      %dma_start3A = arith.constant 0 : i32
      %dma_start3A_44 = arith.constant 0 : i32
      %dma_start3A_45 = tpu.memref_slice %run_scoped3A[%rem3A_41, %dma_start3A, %dma_start3A_44] : memref<2x1x128xi32, #tpu.memory_space<vmem>> -> memref<1x1x128xi32, #tpu.memory_space<vmem>>
      %dma_start3A_46 = tpu.memref_squeeze %dma_start3A_45 : memref<1x1x128xi32, #tpu.memory_space<vmem>> -> memref<1x128xi32, #tpu.memory_space<vmem>>
      %dma_start3A_47 = arith.constant 0 : i32
      %dma_start3A_48 = tpu.memref_slice %arg3[%dma_start3A_47, %mul3A_43] : memref<1x4096xi32, #tpu.memory_space<hbm>> -> memref<1x128xi32, #tpu.memory_space<hbm>>
      %dma_start3A_49 = tpu.memref_slice %run_scoped3A_7[%rem3A_41] : memref<2x!tpu.dma_semaphore, #tpu.memory_space<semaphore_mem>> -> memref<1x!tpu.dma_semaphore, #tpu.memory_space<semaphore_mem>>
      %dma_start3A_50 = tpu.memref_squeeze %dma_start3A_49 : memref<1x!tpu.dma_semaphore, #tpu.memory_space<semaphore_mem>> -> memref<!tpu.dma_semaphore, #tpu.memory_space<semaphore_mem>>
      %dma_start3A_51 = arith.constant 0 : i32
      %dma_start3A_52 = arith.constant 0 : i32
      %dma_start3A_53 = tpu.memref_slice %run_scoped3A[%rem3A_41, %dma_start3A_51, %dma_start3A_52] : memref<2x1x128xi32, #tpu.memory_space<vmem>> -> memref<1x1x128xi32, #tpu.memory_space<vmem>>
      %dma_start3A_54 = tpu.memref_squeeze %dma_start3A_53 : memref<1x1x128xi32, #tpu.memory_space<vmem>> -> memref<1x128xi32, #tpu.memory_space<vmem>>
      %dma_start3A_55 = arith.constant 0 : i32
      %dma_start3A_56 = tpu.memref_slice %arg3[%dma_start3A_55, %mul3A_43] : memref<1x4096xi32, #tpu.memory_space<hbm>> -> memref<1x128xi32, #tpu.memory_space<hbm>>
      tpu.enqueue_dma source(%dma_start3A_56 : memref<1x128xi32, #tpu.memory_space<hbm>>) target(%dma_start3A_54 : memref<1x128xi32, #tpu.memory_space<vmem>>) target_semaphore(%dma_start3A_50 : memref<!tpu.dma_semaphore, #tpu.memory_space<semaphore_mem>>)
      %add3A_57 = arith.constant 0 : i32
      %add3A_58 = arith.constant 1 : i32
      %add3A_59 = arith.addi %add3A_57, %add3A_58 : i32
      %select_n3A_60 = arith.constant true
      %select_n3A_61 = arith.constant 0 : i32
      %select_n3A_62 = arith.select %select_n3A_60, %add3A_59, %select_n3A_61 : i32
      %rem3A_63 = arith.constant 0 : i32
      %rem3A_64 = arith.constant 2 : i32
      %rem3A_65 = arith.remui %rem3A_63, %rem3A_64 : i32
      %mul3A_66 = arith.constant 128 : i32
      %mul3A_67 = arith.muli %mul3A_66, %add3A_11 : i32
      %dma_start3A_68 = arith.constant 0 : i32
      %dma_start3A_69 = arith.constant 0 : i32
      %dma_start3A_70 = tpu.memref_slice %run_scoped3A_8[%rem3A_65, %dma_start3A_68, %dma_start3A_69] : memref<2x1x128xi32, #tpu.memory_space<vmem>> -> memref<1x1x128xi32, #tpu.memory_space<vmem>>
      %dma_start3A_71 = tpu.memref_squeeze %dma_start3A_70 : memref<1x1x128xi32, #tpu.memory_space<vmem>> -> memref<1x128xi32, #tpu.memory_space<vmem>>
      %dma_start3A_72 = arith.constant 0 : i32
      %dma_start3A_73 = tpu.memref_slice %arg4[%dma_start3A_72, %mul3A_67] : memref<1x4096xi32, #tpu.memory_space<hbm>> -> memref<1x128xi32, #tpu.memory_space<hbm>>
      %dma_start3A_74 = tpu.memref_slice %run_scoped3A_9[%rem3A_65] : memref<2x!tpu.dma_semaphore, #tpu.memory_space<semaphore_mem>> -> memref<1x!tpu.dma_semaphore, #tpu.memory_space<semaphore_mem>>
      %dma_start3A_75 = tpu.memref_squeeze %dma_start3A_74 : memref<1x!tpu.dma_semaphore, #tpu.memory_space<semaphore_mem>> -> memref<!tpu.dma_semaphore, #tpu.memory_space<semaphore_mem>>
      %dma_start3A_76 = arith.constant 0 : i32
      %dma_start3A_77 = arith.constant 0 : i32
      %dma_start3A_78 = tpu.memref_slice %run_scoped3A_8[%rem3A_65, %dma_start3A_76, %dma_start3A_77] : memref<2x1x128xi32, #tpu.memory_space<vmem>> -> memref<1x1x128xi32, #tpu.memory_space<vmem>>
      %dma_start3A_79 = tpu.memref_squeeze %dma_start3A_78 : memref<1x1x128xi32, #tpu.memory_space<vmem>> -> memref<1x128xi32, #tpu.memory_space<vmem>>
      %dma_start3A_80 = arith.constant 0 : i32
      %dma_start3A_81 = tpu.memref_slice %arg4[%dma_start3A_80, %mul3A_67] : memref<1x4096xi32, #tpu.memory_space<hbm>> -> memref<1x128xi32, #tpu.memory_space<hbm>>
      tpu.enqueue_dma source(%dma_start3A_81 : memref<1x128xi32, #tpu.memory_space<hbm>>) target(%dma_start3A_79 : memref<1x128xi32, #tpu.memory_space<vmem>>) target_semaphore(%dma_start3A_75 : memref<!tpu.dma_semaphore, #tpu.memory_space<semaphore_mem>>)
      %add3A_82 = arith.constant 0 : i32
      %add3A_83 = arith.constant 1 : i32
      %add3A_84 = arith.addi %add3A_82, %add3A_83 : i32
      %select_n3A_85 = arith.constant true
      %select_n3A_86 = arith.constant 0 : i32
      %select_n3A_87 = arith.select %select_n3A_85, %add3A_84, %select_n3A_86 : i32
      "tpu.trace_stop"() : () -> ()
      %scan3A = arith.constant 0 : i32
      %scan3A_88 = arith.constant 0 : i32
      %scan3A_89 = arith.constant 0 : i32
      %scan3A_90 = arith.constant 0 : i32
      %eq3A_91 = arith.constant 0 : i32
      %eq3A_92 = arith.cmpi eq, %scan3A_90, %eq3A_91 : i32
      %eq3A_93 = arith.constant 0 : i32
      %eq3A_94 = arith.cmpi eq, %scan3A_90, %eq3A_93 : i32
      %add3A_95 = arith.constant 0 : i32
      %add3A_96 = arith.addi %add3A_95, %mul3A_6 : i32
      %select_n3A_97 = arith.constant true
      %select_n3A_98 = arith.constant 0 : i32
      %select_n3A_99 = arith.constant -1 : i32
      %select_n3A_100 = arith.select %select_n3A_97, %select_n3A_99, %select_n3A_98 : i32
      %eq3A_101 = arith.constant -1 : i32
      %eq3A_102 = arith.cmpi eq, %select_n3A_100, %eq3A_101 : i32
      %select_n3A_103 = arith.constant 0 : i32
      %select_n3A_104 = arith.select %eq3A_102, %select_n3A_103, %select_n3A_100 : i32
      %add3A_105 = arith.constant 0 : i32
      %add3A_106 = arith.addi %add3A_105, %mul3A_6 : i32
      %select_n3A_107 = arith.constant true
      %select_n3A_108 = arith.constant 0 : i32
      %select_n3A_109 = arith.constant 1 : i32
      %select_n3A_110 = arith.select %select_n3A_107, %select_n3A_109, %select_n3A_108 : i32
      %eq3A_111 = arith.constant 1 : i32
      %eq3A_112 = arith.cmpi eq, %select_n3A_110, %eq3A_111 : i32
      %select_n3A_113 = arith.constant 0 : i32
      %select_n3A_114 = arith.select %eq3A_112, %select_n3A_113, %select_n3A_110 : i32
      %add3A_115 = arith.constant 0 : i32
      %add3A_116 = arith.addi %add3A_115, %mul3A_6 : i32
      %select_n3A_117 = arith.constant true
      %select_n3A_118 = arith.constant 0 : i32
      %select_n3A_119 = arith.constant 1 : i32
      %select_n3A_120 = arith.select %select_n3A_117, %select_n3A_119, %select_n3A_118 : i32
      %eq3A_121 = arith.constant 1 : i32
      %eq3A_122 = arith.cmpi eq, %select_n3A_120, %eq3A_121 : i32
      %select_n3A_123 = arith.constant 0 : i32
      %select_n3A_124 = arith.select %eq3A_122, %select_n3A_123, %select_n3A_120 : i32
      %add3A_125 = arith.constant 0 : i32
      %add3A_126 = arith.addi %add3A_125, %mul3A_6 : i32
      %ne3A = arith.cmpi ne, %add3A_96, %add3A_116 : i32
      %or3A = arith.constant false
      %or3A_127 = arith.ori %or3A, %ne3A : i1
      %ge3A = arith.constant 0 : i32
      %ge3A_128 = arith.cmpi sge, %scan3A_90, %ge3A : i32
      %not3A = arith.constant true
      %not3A_129 = arith.xori %ge3A_128, %not3A : i1
      %and3A = arith.andi %or3A_127, %not3A_129 : i1
      %convert_element_type3A = arith.extui %and3A : i1 to i32
      %cond3A = arith.constant 0 : i32
      %cond3A_130 = arith.cmpi ne, %convert_element_type3A, %cond3A : i32
      scf.if %cond3A_130 {
        "tpu.trace_start"() <{level = 10 : i32, message = "ep_copy_in"}> : () -> ()
        %rem3A_281 = arith.constant 2 : i32
        %rem3A_282 = arith.remui %select_n3A_62, %rem3A_281 : i32
        %mul3A_283 = arith.constant 128 : i32
        %mul3A_284 = arith.muli %mul3A_283, %add3A_116 : i32
        %dma_start3A_285 = arith.constant 0 : i32
        %dma_start3A_286 = arith.constant 0 : i32
        %dma_start3A_287 = tpu.memref_slice %run_scoped3A[%rem3A_282, %dma_start3A_285, %dma_start3A_286] : memref<2x1x128xi32, #tpu.memory_space<vmem>> -> memref<1x1x128xi32, #tpu.memory_space<vmem>>
        %dma_start3A_288 = tpu.memref_squeeze %dma_start3A_287 : memref<1x1x128xi32, #tpu.memory_space<vmem>> -> memref<1x128xi32, #tpu.memory_space<vmem>>
        %dma_start3A_289 = arith.constant 0 : i32
        %dma_start3A_290 = tpu.memref_slice %arg3[%dma_start3A_289, %mul3A_284] : memref<1x4096xi32, #tpu.memory_space<hbm>> -> memref<1x128xi32, #tpu.memory_space<hbm>>
        %dma_start3A_291 = tpu.memref_slice %run_scoped3A_7[%rem3A_282] : memref<2x!tpu.dma_semaphore, #tpu.memory_space<semaphore_mem>> -> memref<1x!tpu.dma_semaphore, #tpu.memory_space<semaphore_mem>>
        %dma_start3A_292 = tpu.memref_squeeze %dma_start3A_291 : memref<1x!tpu.dma_semaphore, #tpu.memory_space<semaphore_mem>> -> memref<!tpu.dma_semaphore, #tpu.memory_space<semaphore_mem>>
        %dma_start3A_293 = arith.constant 0 : i32
        %dma_start3A_294 = arith.constant 0 : i32
        %dma_start3A_295 = tpu.memref_slice %run_scoped3A[%rem3A_282, %dma_start3A_293, %dma_start3A_294] : memref<2x1x128xi32, #tpu.memory_space<vmem>> -> memref<1x1x128xi32, #tpu.memory_space<vmem>>
        %dma_start3A_296 = tpu.memref_squeeze %dma_start3A_295 : memref<1x1x128xi32, #tpu.memory_space<vmem>> -> memref<1x128xi32, #tpu.memory_space<vmem>>
        %dma_start3A_297 = arith.constant 0 : i32
        %dma_start3A_298 = tpu.memref_slice %arg3[%dma_start3A_297, %mul3A_284] : memref<1x4096xi32, #tpu.memory_space<hbm>> -> memref<1x128xi32, #tpu.memory_space<hbm>>
        tpu.enqueue_dma source(%dma_start3A_298 : memref<1x128xi32, #tpu.memory_space<hbm>>) target(%dma_start3A_296 : memref<1x128xi32, #tpu.memory_space<vmem>>) target_semaphore(%dma_start3A_292 : memref<!tpu.dma_semaphore, #tpu.memory_space<semaphore_mem>>)
        "tpu.trace_stop"() : () -> ()
      } else {
      }
      %and3A_131 = arith.constant true
      %and3A_132 = arith.andi %and3A, %and3A_131 : i1
      %add3A_133 = arith.constant 1 : i32
      %add3A_134 = arith.addi %select_n3A_62, %add3A_133 : i32
      %select_n3A_135 = arith.select %and3A_132, %add3A_134, %select_n3A_62 : i32
      %ne3A_136 = arith.cmpi ne, %add3A_96, %add3A_116 : i32
      %or3A_137 = arith.constant false
      %or3A_138 = arith.ori %or3A_137, %ne3A_136 : i1
      %ge3A_139 = arith.constant 0 : i32
      %ge3A_140 = arith.cmpi sge, %scan3A_90, %ge3A_139 : i32
      %not3A_141 = arith.constant true
      %not3A_142 = arith.xori %ge3A_140, %not3A_141 : i1
      %and3A_143 = arith.andi %or3A_138, %not3A_142 : i1
      %convert_element_type3A_144 = arith.extui %and3A_143 : i1 to i32
      %cond3A_145 = arith.constant 0 : i32
      %cond3A_146 = arith.cmpi ne, %convert_element_type3A_144, %cond3A_145 : i32
      scf.if %cond3A_146 {
        "tpu.trace_start"() <{level = 10 : i32, message = "ep_copy_in"}> : () -> ()
        %rem3A_281 = arith.constant 2 : i32
        %rem3A_282 = arith.remui %select_n3A_87, %rem3A_281 : i32
        %mul3A_283 = arith.constant 128 : i32
        %mul3A_284 = arith.muli %mul3A_283, %add3A_116 : i32
        %dma_start3A_285 = arith.constant 0 : i32
        %dma_start3A_286 = arith.constant 0 : i32
        %dma_start3A_287 = tpu.memref_slice %run_scoped3A_8[%rem3A_282, %dma_start3A_285, %dma_start3A_286] : memref<2x1x128xi32, #tpu.memory_space<vmem>> -> memref<1x1x128xi32, #tpu.memory_space<vmem>>
        %dma_start3A_288 = tpu.memref_squeeze %dma_start3A_287 : memref<1x1x128xi32, #tpu.memory_space<vmem>> -> memref<1x128xi32, #tpu.memory_space<vmem>>
        %dma_start3A_289 = arith.constant 0 : i32
        %dma_start3A_290 = tpu.memref_slice %arg4[%dma_start3A_289, %mul3A_284] : memref<1x4096xi32, #tpu.memory_space<hbm>> -> memref<1x128xi32, #tpu.memory_space<hbm>>
        %dma_start3A_291 = tpu.memref_slice %run_scoped3A_9[%rem3A_282] : memref<2x!tpu.dma_semaphore, #tpu.memory_space<semaphore_mem>> -> memref<1x!tpu.dma_semaphore, #tpu.memory_space<semaphore_mem>>
        %dma_start3A_292 = tpu.memref_squeeze %dma_start3A_291 : memref<1x!tpu.dma_semaphore, #tpu.memory_space<semaphore_mem>> -> memref<!tpu.dma_semaphore, #tpu.memory_space<semaphore_mem>>
        %dma_start3A_293 = arith.constant 0 : i32
        %dma_start3A_294 = arith.constant 0 : i32
        %dma_start3A_295 = tpu.memref_slice %run_scoped3A_8[%rem3A_282, %dma_start3A_293, %dma_start3A_294] : memref<2x1x128xi32, #tpu.memory_space<vmem>> -> memref<1x1x128xi32, #tpu.memory_space<vmem>>
        %dma_start3A_296 = tpu.memref_squeeze %dma_start3A_295 : memref<1x1x128xi32, #tpu.memory_space<vmem>> -> memref<1x128xi32, #tpu.memory_space<vmem>>
        %dma_start3A_297 = arith.constant 0 : i32
        %dma_start3A_298 = tpu.memref_slice %arg4[%dma_start3A_297, %mul3A_284] : memref<1x4096xi32, #tpu.memory_space<hbm>> -> memref<1x128xi32, #tpu.memory_space<hbm>>
        tpu.enqueue_dma source(%dma_start3A_298 : memref<1x128xi32, #tpu.memory_space<hbm>>) target(%dma_start3A_296 : memref<1x128xi32, #tpu.memory_space<vmem>>) target_semaphore(%dma_start3A_292 : memref<!tpu.dma_semaphore, #tpu.memory_space<semaphore_mem>>)
        "tpu.trace_stop"() : () -> ()
      } else {
      }
      %and3A_147 = arith.constant true
      %and3A_148 = arith.andi %and3A_143, %and3A_147 : i1
      %add3A_149 = arith.constant 1 : i32
      %add3A_150 = arith.addi %select_n3A_87, %add3A_149 : i32
      %select_n3A_151 = arith.select %and3A_148, %add3A_150, %select_n3A_87 : i32
      %ne3A_152 = arith.cmpi ne, %add3A_96, %add3A_106 : i32
      %or3A_153 = arith.constant false
      %or3A_154 = arith.ori %or3A_153, %ne3A_152 : i1
      %or3A_155 = arith.ori %or3A_154, %eq3A_92 : i1
      %convert_element_type3A_156 = arith.extui %or3A_155 : i1 to i32
      %cond3A_157 = arith.constant 0 : i32
      %cond3A_158 = arith.cmpi ne, %convert_element_type3A_156, %cond3A_157 : i32
      scf.if %cond3A_158 {
        "tpu.trace_start"() <{level = 10 : i32, message = "ep_wait_in"}> : () -> ()
        %mul3A_281 = arith.constant 128 : i32
        %mul3A_282 = arith.muli %mul3A_281, %add3A_96 : i32
        %rem3A_283 = arith.constant 2 : i32
        %rem3A_284 = arith.remui %scan3A, %rem3A_283 : i32
        %dma_wait3A = arith.constant 0 : i32
        %dma_wait3A_285 = arith.constant 0 : i32
        %dma_wait3A_286 = tpu.memref_slice %run_scoped3A[%rem3A_284, %dma_wait3A, %dma_wait3A_285] : memref<2x1x128xi32, #tpu.memory_space<vmem>> -> memref<1x1x128xi32, #tpu.memory_space<vmem>>
        %dma_wait3A_287 = tpu.memref_squeeze %dma_wait3A_286 : memref<1x1x128xi32, #tpu.memory_space<vmem>> -> memref<1x128xi32, #tpu.memory_space<vmem>>
        %dma_wait3A_288 = arith.constant 0 : i32
        %dma_wait3A_289 = tpu.memref_slice %arg3[%dma_wait3A_288, %mul3A_282] : memref<1x4096xi32, #tpu.memory_space<hbm>> -> memref<1x128xi32, #tpu.memory_space<hbm>>
        %dma_wait3A_290 = tpu.memref_slice %run_scoped3A_7[%rem3A_284] : memref<2x!tpu.dma_semaphore, #tpu.memory_space<semaphore_mem>> -> memref<1x!tpu.dma_semaphore, #tpu.memory_space<semaphore_mem>>
        %dma_wait3A_291 = tpu.memref_squeeze %dma_wait3A_290 : memref<1x!tpu.dma_semaphore, #tpu.memory_space<semaphore_mem>> -> memref<!tpu.dma_semaphore, #tpu.memory_space<semaphore_mem>>
        %dma_wait3A_292 = arith.constant 0 : i32
        %dma_wait3A_293 = arith.constant 0 : i32
        %dma_wait3A_294 = tpu.memref_slice %run_scoped3A[%rem3A_284, %dma_wait3A_292, %dma_wait3A_293] : memref<2x1x128xi32, #tpu.memory_space<vmem>> -> memref<1x1x128xi32, #tpu.memory_space<vmem>>
        %dma_wait3A_295 = tpu.memref_squeeze %dma_wait3A_294 : memref<1x1x128xi32, #tpu.memory_space<vmem>> -> memref<1x128xi32, #tpu.memory_space<vmem>>
        %dma_wait3A_296 = arith.constant 0 : i32
        %dma_wait3A_297 = tpu.memref_slice %arg3[%dma_wait3A_296, %mul3A_282] : memref<1x4096xi32, #tpu.memory_space<hbm>> -> memref<1x128xi32, #tpu.memory_space<hbm>>
        tpu.wait_dma2 semaphore(%dma_wait3A_291 : memref<!tpu.dma_semaphore, #tpu.memory_space<semaphore_mem>>) src(%dma_wait3A_297 : memref<1x128xi32, #tpu.memory_space<hbm>>) dst(%dma_wait3A_295 : memref<1x128xi32, #tpu.memory_space<vmem>>)
        "tpu.trace_stop"() : () -> ()
      } else {
      }
      %ne3A_159 = arith.cmpi ne, %add3A_96, %add3A_106 : i32
      %or3A_160 = arith.constant false
      %or3A_161 = arith.ori %or3A_160, %ne3A_159 : i1
      %or3A_162 = arith.ori %or3A_161, %eq3A_92 : i1
      %convert_element_type3A_163 = arith.extui %or3A_162 : i1 to i32
      %cond3A_164 = arith.constant 0 : i32
      %cond3A_165 = arith.cmpi ne, %convert_element_type3A_163, %cond3A_164 : i32
      scf.if %cond3A_165 {
        "tpu.trace_start"() <{level = 10 : i32, message = "ep_wait_in"}> : () -> ()
        %mul3A_281 = arith.constant 128 : i32
        %mul3A_282 = arith.muli %mul3A_281, %add3A_96 : i32
        %rem3A_283 = arith.constant 2 : i32
        %rem3A_284 = arith.remui %scan3A_88, %rem3A_283 : i32
        %dma_wait3A = arith.constant 0 : i32
        %dma_wait3A_285 = arith.constant 0 : i32
        %dma_wait3A_286 = tpu.memref_slice %run_scoped3A_8[%rem3A_284, %dma_wait3A, %dma_wait3A_285] : memref<2x1x128xi32, #tpu.memory_space<vmem>> -> memref<1x1x128xi32, #tpu.memory_space<vmem>>
        %dma_wait3A_287 = tpu.memref_squeeze %dma_wait3A_286 : memref<1x1x128xi32, #tpu.memory_space<vmem>> -> memref<1x128xi32, #tpu.memory_space<vmem>>
        %dma_wait3A_288 = arith.constant 0 : i32
        %dma_wait3A_289 = tpu.memref_slice %arg4[%dma_wait3A_288, %mul3A_282] : memref<1x4096xi32, #tpu.memory_space<hbm>> -> memref<1x128xi32, #tpu.memory_space<hbm>>
        %dma_wait3A_290 = tpu.memref_slice %run_scoped3A_9[%rem3A_284] : memref<2x!tpu.dma_semaphore, #tpu.memory_space<semaphore_mem>> -> memref<1x!tpu.dma_semaphore, #tpu.memory_space<semaphore_mem>>
        %dma_wait3A_291 = tpu.memref_squeeze %dma_wait3A_290 : memref<1x!tpu.dma_semaphore, #tpu.memory_space<semaphore_mem>> -> memref<!tpu.dma_semaphore, #tpu.memory_space<semaphore_mem>>
        %dma_wait3A_292 = arith.constant 0 : i32
        %dma_wait3A_293 = arith.constant 0 : i32
        %dma_wait3A_294 = tpu.memref_slice %run_scoped3A_8[%rem3A_284, %dma_wait3A_292, %dma_wait3A_293] : memref<2x1x128xi32, #tpu.memory_space<vmem>> -> memref<1x1x128xi32, #tpu.memory_space<vmem>>
        %dma_wait3A_295 = tpu.memref_squeeze %dma_wait3A_294 : memref<1x1x128xi32, #tpu.memory_space<vmem>> -> memref<1x128xi32, #tpu.memory_space<vmem>>
        %dma_wait3A_296 = arith.constant 0 : i32
        %dma_wait3A_297 = tpu.memref_slice %arg4[%dma_wait3A_296, %mul3A_282] : memref<1x4096xi32, #tpu.memory_space<hbm>> -> memref<1x128xi32, #tpu.memory_space<hbm>>
        tpu.wait_dma2 semaphore(%dma_wait3A_291 : memref<!tpu.dma_semaphore, #tpu.memory_space<semaphore_mem>>) src(%dma_wait3A_297 : memref<1x128xi32, #tpu.memory_space<hbm>>) dst(%dma_wait3A_295 : memref<1x128xi32, #tpu.memory_space<vmem>>)
        "tpu.trace_stop"() : () -> ()
      } else {
      }
      %rem3A_166 = arith.constant 2 : i32
      %rem3A_167 = arith.remui %scan3A, %rem3A_166 : i32
      %rem3A_168 = arith.constant 2 : i32
      %rem3A_169 = arith.remui %scan3A_88, %rem3A_168 : i32
      %run_scoped3A_170 = arith.constant 0 : i32
      "tpu.trace_start"() <{level = 10 : i32, message = "ep_run_kernel"}> : () -> ()
      "tpu.region"() ({
        %run_scoped3A_281 = tpu.sem_alloc : memref<!tpu.dma_semaphore, #tpu.memory_space<semaphore_mem>>
        %dma_start3A_282 = arith.constant 0 : i32
        %dma_start3A_283 = arith.constant 0 : i32
        %dma_start3A_284 = tpu.memref_slice %run_scoped3A[%rem3A_167, %dma_start3A_282, %dma_start3A_283] : memref<2x1x128xi32, #tpu.memory_space<vmem>> -> memref<1x1x128xi32, #tpu.memory_space<vmem>>
        %dma_start3A_285 = tpu.memref_squeeze %dma_start3A_284 : memref<1x1x128xi32, #tpu.memory_space<vmem>> -> memref<1x128xi32, #tpu.memory_space<vmem>>
        %dma_start3A_286 = arith.constant 0 : i32
        %dma_start3A_287 = tpu.memref_slice %dma_start3A_285[%run_scoped3A_170, %dma_start3A_286] : memref<1x128xi32, #tpu.memory_space<vmem>> -> memref<1x32xi32, #tpu.memory_space<vmem>>
        %dma_start3A_288 = tpu.memref_squeeze %dma_start3A_287 : memref<1x32xi32, #tpu.memory_space<vmem>> -> memref<32xi32, #tpu.memory_space<vmem>>
        %dma_start3A_289 = arith.constant 0 : i32
        %dma_start3A_290 = arith.constant 0 : i32
        %dma_start3A_291 = tpu.memref_slice %arg2[%dma_start3A_289, %dma_start3A_290] : memref<6144x1024xf32, #tpu.memory_space<hbm>> -> memref<6144x1024xf32, #tpu.memory_space<hbm>>
        tpu.enqueue_indirect_dma source(%dma_start3A_291 : memref<6144x1024xf32, #tpu.memory_space<hbm>>) target(%arg6 : memref<32x1024xf32, #tpu.memory_space<vmem>>) offsets(%dma_start3A_288 : memref<32xi32, #tpu.memory_space<vmem>>) semaphore(%run_scoped3A_281 : memref<!tpu.dma_semaphore, #tpu.memory_space<semaphore_mem>>)
        %dma_wait3A = arith.constant 0 : i32
        %dma_wait3A_292 = arith.constant 0 : i32
        %dma_wait3A_293 = tpu.memref_slice %run_scoped3A[%rem3A_167, %dma_wait3A, %dma_wait3A_292] : memref<2x1x128xi32, #tpu.memory_space<vmem>> -> memref<1x1x128xi32, #tpu.memory_space<vmem>>
        %dma_wait3A_294 = tpu.memref_squeeze %dma_wait3A_293 : memref<1x1x128xi32, #tpu.memory_space<vmem>> -> memref<1x128xi32, #tpu.memory_space<vmem>>
        %dma_wait3A_295 = arith.constant 0 : i32
        %dma_wait3A_296 = tpu.memref_slice %dma_wait3A_294[%run_scoped3A_170, %dma_wait3A_295] : memref<1x128xi32, #tpu.memory_space<vmem>> -> memref<1x32xi32, #tpu.memory_space<vmem>>
        %dma_wait3A_297 = tpu.memref_squeeze %dma_wait3A_296 : memref<1x32xi32, #tpu.memory_space<vmem>> -> memref<32xi32, #tpu.memory_space<vmem>>
        %dma_wait3A_298 = arith.constant 0 : i32
        %dma_wait3A_299 = arith.constant 0 : i32
        %dma_wait3A_300 = tpu.memref_slice %arg2[%dma_wait3A_298, %dma_wait3A_299] : memref<6144x1024xf32, #tpu.memory_space<hbm>> -> memref<6144x1024xf32, #tpu.memory_space<hbm>>
        tpu.wait_indirect_dma semaphore(%run_scoped3A_281 : memref<!tpu.dma_semaphore, #tpu.memory_space<semaphore_mem>>) src(%dma_wait3A_300 : memref<6144x1024xf32, #tpu.memory_space<hbm>>) dst(%arg6 : memref<32x1024xf32, #tpu.memory_space<vmem>>)
        tpu.yield
      }) : () -> ()
      %run_scoped3A_171 = arith.constant 0 : i32
      "tpu.region"() ({
        %run_scoped3A_281 = tpu.sem_alloc : memref<!tpu.dma_semaphore, #tpu.memory_space<semaphore_mem>>
        %dma_start3A_282 = arith.constant 0 : i32
        %dma_start3A_283 = arith.constant 0 : i32
        %dma_start3A_284 = tpu.memref_slice %run_scoped3A_8[%rem3A_169, %dma_start3A_282, %dma_start3A_283] : memref<2x1x128xi32, #tpu.memory_space<vmem>> -> memref<1x1x128xi32, #tpu.memory_space<vmem>>
        %dma_start3A_285 = tpu.memref_squeeze %dma_start3A_284 : memref<1x1x128xi32, #tpu.memory_space<vmem>> -> memref<1x128xi32, #tpu.memory_space<vmem>>
        %dma_start3A_286 = arith.constant 0 : i32
        %dma_start3A_287 = tpu.memref_slice %dma_start3A_285[%run_scoped3A_171, %dma_start3A_286] : memref<1x128xi32, #tpu.memory_space<vmem>> -> memref<1x32xi32, #tpu.memory_space<vmem>>
        %dma_start3A_288 = tpu.memref_squeeze %dma_start3A_287 : memref<1x32xi32, #tpu.memory_space<vmem>> -> memref<32xi32, #tpu.memory_space<vmem>>
        %dma_start3A_289 = arith.constant 0 : i32
        %dma_start3A_290 = arith.constant 0 : i32
        %dma_start3A_291 = tpu.memref_slice %arg5[%dma_start3A_289, %dma_start3A_290] : memref<4096x1024xf32, #tpu.memory_space<hbm>> -> memref<4096x1024xf32, #tpu.memory_space<hbm>>
        tpu.enqueue_indirect_dma source(%arg6 : memref<32x1024xf32, #tpu.memory_space<vmem>>) target(%dma_start3A_291 : memref<4096x1024xf32, #tpu.memory_space<hbm>>) offsets(%dma_start3A_288 : memref<32xi32, #tpu.memory_space<vmem>>) semaphore(%run_scoped3A_281 : memref<!tpu.dma_semaphore, #tpu.memory_space<semaphore_mem>>)
        %dma_wait3A = arith.constant 0 : i32
        %dma_wait3A_292 = arith.constant 0 : i32
        %dma_wait3A_293 = tpu.memref_slice %run_scoped3A_8[%rem3A_169, %dma_wait3A, %dma_wait3A_292] : memref<2x1x128xi32, #tpu.memory_space<vmem>> -> memref<1x1x128xi32, #tpu.memory_space<vmem>>
        %dma_wait3A_294 = tpu.memref_squeeze %dma_wait3A_293 : memref<1x1x128xi32, #tpu.memory_space<vmem>> -> memref<1x128xi32, #tpu.memory_space<vmem>>
        %dma_wait3A_295 = arith.constant 0 : i32
        %dma_wait3A_296 = tpu.memref_slice %dma_wait3A_294[%run_scoped3A_171, %dma_wait3A_295] : memref<1x128xi32, #tpu.memory_space<vmem>> -> memref<1x32xi32, #tpu.memory_space<vmem>>
        %dma_wait3A_297 = tpu.memref_squeeze %dma_wait3A_296 : memref<1x32xi32, #tpu.memory_space<vmem>> -> memref<32xi32, #tpu.memory_space<vmem>>
        %dma_wait3A_298 = arith.constant 0 : i32
        %dma_wait3A_299 = arith.constant 0 : i32
        %dma_wait3A_300 = tpu.memref_slice %arg5[%dma_wait3A_298, %dma_wait3A_299] : memref<4096x1024xf32, #tpu.memory_space<hbm>> -> memref<4096x1024xf32, #tpu.memory_space<hbm>>
        tpu.wait_indirect_dma semaphore(%run_scoped3A_281 : memref<!tpu.dma_semaphore, #tpu.memory_space<semaphore_mem>>) src(%arg6 : memref<32x1024xf32, #tpu.memory_space<vmem>>) dst(%dma_wait3A_300 : memref<4096x1024xf32, #tpu.memory_space<hbm>>)
        tpu.yield
      }) : () -> ()
      %run_scoped3A_172 = arith.constant 0 : i32
      "tpu.region"() ({
        %run_scoped3A_281 = tpu.sem_alloc : memref<!tpu.dma_semaphore, #tpu.memory_space<semaphore_mem>>
        %dma_start3A_282 = arith.constant 0 : i32
        %dma_start3A_283 = arith.constant 0 : i32
        %dma_start3A_284 = tpu.memref_slice %run_scoped3A[%rem3A_167, %dma_start3A_282, %dma_start3A_283] : memref<2x1x128xi32, #tpu.memory_space<vmem>> -> memref<1x1x128xi32, #tpu.memory_space<vmem>>
        %dma_start3A_285 = tpu.memref_squeeze %dma_start3A_284 : memref<1x1x128xi32, #tpu.memory_space<vmem>> -> memref<1x128xi32, #tpu.memory_space<vmem>>
        %dma_start3A_286 = arith.constant 32 : i32
        %dma_start3A_287 = tpu.memref_slice %dma_start3A_285[%run_scoped3A_172, %dma_start3A_286] : memref<1x128xi32, #tpu.memory_space<vmem>> -> memref<1x32xi32, #tpu.memory_space<vmem>>
        %dma_start3A_288 = tpu.memref_squeeze %dma_start3A_287 : memref<1x32xi32, #tpu.memory_space<vmem>> -> memref<32xi32, #tpu.memory_space<vmem>>
        %dma_start3A_289 = arith.constant 0 : i32
        %dma_start3A_290 = arith.constant 0 : i32
        %dma_start3A_291 = tpu.memref_slice %arg2[%dma_start3A_289, %dma_start3A_290] : memref<6144x1024xf32, #tpu.memory_space<hbm>> -> memref<6144x1024xf32, #tpu.memory_space<hbm>>
        tpu.enqueue_indirect_dma source(%dma_start3A_291 : memref<6144x1024xf32, #tpu.memory_space<hbm>>) target(%arg6 : memref<32x1024xf32, #tpu.memory_space<vmem>>) offsets(%dma_start3A_288 : memref<32xi32, #tpu.memory_space<vmem>>) semaphore(%run_scoped3A_281 : memref<!tpu.dma_semaphore, #tpu.memory_space<semaphore_mem>>)
        %dma_wait3A = arith.constant 0 : i32
        %dma_wait3A_292 = arith.constant 0 : i32
        %dma_wait3A_293 = tpu.memref_slice %run_scoped3A[%rem3A_167, %dma_wait3A, %dma_wait3A_292] : memref<2x1x128xi32, #tpu.memory_space<vmem>> -> memref<1x1x128xi32, #tpu.memory_space<vmem>>
        %dma_wait3A_294 = tpu.memref_squeeze %dma_wait3A_293 : memref<1x1x128xi32, #tpu.memory_space<vmem>> -> memref<1x128xi32, #tpu.memory_space<vmem>>
        %dma_wait3A_295 = arith.constant 32 : i32
        %dma_wait3A_296 = tpu.memref_slice %dma_wait3A_294[%run_scoped3A_172, %dma_wait3A_295] : memref<1x128xi32, #tpu.memory_space<vmem>> -> memref<1x32xi32, #tpu.memory_space<vmem>>
        %dma_wait3A_297 = tpu.memref_squeeze %dma_wait3A_296 : memref<1x32xi32, #tpu.memory_space<vmem>> -> memref<32xi32, #tpu.memory_space<vmem>>
        %dma_wait3A_298 = arith.constant 0 : i32
        %dma_wait3A_299 = arith.constant 0 : i32
        %dma_wait3A_300 = tpu.memref_slice %arg2[%dma_wait3A_298, %dma_wait3A_299] : memref<6144x1024xf32, #tpu.memory_space<hbm>> -> memref<6144x1024xf32, #tpu.memory_space<hbm>>
        tpu.wait_indirect_dma semaphore(%run_scoped3A_281 : memref<!tpu.dma_semaphore, #tpu.memory_space<semaphore_mem>>) src(%dma_wait3A_300 : memref<6144x1024xf32, #tpu.memory_space<hbm>>) dst(%arg6 : memref<32x1024xf32, #tpu.memory_space<vmem>>)
        tpu.yield
      }) : () -> ()
      %run_scoped3A_173 = arith.constant 0 : i32
      "tpu.region"() ({
        %run_scoped3A_281 = tpu.sem_alloc : memref<!tpu.dma_semaphore, #tpu.memory_space<semaphore_mem>>
        %dma_start3A_282 = arith.constant 0 : i32
        %dma_start3A_283 = arith.constant 0 : i32
        %dma_start3A_284 = tpu.memref_slice %run_scoped3A_8[%rem3A_169, %dma_start3A_282, %dma_start3A_283] : memref<2x1x128xi32, #tpu.memory_space<vmem>> -> memref<1x1x128xi32, #tpu.memory_space<vmem>>
        %dma_start3A_285 = tpu.memref_squeeze %dma_start3A_284 : memref<1x1x128xi32, #tpu.memory_space<vmem>> -> memref<1x128xi32, #tpu.memory_space<vmem>>
        %dma_start3A_286 = arith.constant 32 : i32
        %dma_start3A_287 = tpu.memref_slice %dma_start3A_285[%run_scoped3A_173, %dma_start3A_286] : memref<1x128xi32, #tpu.memory_space<vmem>> -> memref<1x32xi32, #tpu.memory_space<vmem>>
        %dma_start3A_288 = tpu.memref_squeeze %dma_start3A_287 : memref<1x32xi32, #tpu.memory_space<vmem>> -> memref<32xi32, #tpu.memory_space<vmem>>
        %dma_start3A_289 = arith.constant 0 : i32
        %dma_start3A_290 = arith.constant 0 : i32
        %dma_start3A_291 = tpu.memref_slice %arg5[%dma_start3A_289, %dma_start3A_290] : memref<4096x1024xf32, #tpu.memory_space<hbm>> -> memref<4096x1024xf32, #tpu.memory_space<hbm>>
        tpu.enqueue_indirect_dma source(%arg6 : memref<32x1024xf32, #tpu.memory_space<vmem>>) target(%dma_start3A_291 : memref<4096x1024xf32, #tpu.memory_space<hbm>>) offsets(%dma_start3A_288 : memref<32xi32, #tpu.memory_space<vmem>>) semaphore(%run_scoped3A_281 : memref<!tpu.dma_semaphore, #tpu.memory_space<semaphore_mem>>)
        %dma_wait3A = arith.constant 0 : i32
        %dma_wait3A_292 = arith.constant 0 : i32
        %dma_wait3A_293 = tpu.memref_slice %run_scoped3A_8[%rem3A_169, %dma_wait3A, %dma_wait3A_292] : memref<2x1x128xi32, #tpu.memory_space<vmem>> -> memref<1x1x128xi32, #tpu.memory_space<vmem>>
        %dma_wait3A_294 = tpu.memref_squeeze %dma_wait3A_293 : memref<1x1x128xi32, #tpu.memory_space<vmem>> -> memref<1x128xi32, #tpu.memory_space<vmem>>
        %dma_wait3A_295 = arith.constant 32 : i32
        %dma_wait3A_296 = tpu.memref_slice %dma_wait3A_294[%run_scoped3A_173, %dma_wait3A_295] : memref<1x128xi32, #tpu.memory_space<vmem>> -> memref<1x32xi32, #tpu.memory_space<vmem>>
        %dma_wait3A_297 = tpu.memref_squeeze %dma_wait3A_296 : memref<1x32xi32, #tpu.memory_space<vmem>> -> memref<32xi32, #tpu.memory_space<vmem>>
        %dma_wait3A_298 = arith.constant 0 : i32
        %dma_wait3A_299 = arith.constant 0 : i32
        %dma_wait3A_300 = tpu.memref_slice %arg5[%dma_wait3A_298, %dma_wait3A_299] : memref<4096x1024xf32, #tpu.memory_space<hbm>> -> memref<4096x1024xf32, #tpu.memory_space<hbm>>
        tpu.wait_indirect_dma semaphore(%run_scoped3A_281 : memref<!tpu.dma_semaphore, #tpu.memory_space<semaphore_mem>>) src(%arg6 : memref<32x1024xf32, #tpu.memory_space<vmem>>) dst(%dma_wait3A_300 : memref<4096x1024xf32, #tpu.memory_space<hbm>>)
        tpu.yield
      }) : () -> ()
      %run_scoped3A_174 = arith.constant 0 : i32
      "tpu.region"() ({
        %run_scoped3A_281 = tpu.sem_alloc : memref<!tpu.dma_semaphore, #tpu.memory_space<semaphore_mem>>
        %dma_start3A_282 = arith.constant 0 : i32
        %dma_start3A_283 = arith.constant 0 : i32
        %dma_start3A_284 = tpu.memref_slice %run_scoped3A[%rem3A_167, %dma_start3A_282, %dma_start3A_283] : memref<2x1x128xi32, #tpu.memory_space<vmem>> -> memref<1x1x128xi32, #tpu.memory_space<vmem>>
        %dma_start3A_285 = tpu.memref_squeeze %dma_start3A_284 : memref<1x1x128xi32, #tpu.memory_space<vmem>> -> memref<1x128xi32, #tpu.memory_space<vmem>>
        %dma_start3A_286 = arith.constant 64 : i32
        %dma_start3A_287 = tpu.memref_slice %dma_start3A_285[%run_scoped3A_174, %dma_start3A_286] : memref<1x128xi32, #tpu.memory_space<vmem>> -> memref<1x32xi32, #tpu.memory_space<vmem>>
        %dma_start3A_288 = tpu.memref_squeeze %dma_start3A_287 : memref<1x32xi32, #tpu.memory_space<vmem>> -> memref<32xi32, #tpu.memory_space<vmem>>
        %dma_start3A_289 = arith.constant 0 : i32
        %dma_start3A_290 = arith.constant 0 : i32
        %dma_start3A_291 = tpu.memref_slice %arg2[%dma_start3A_289, %dma_start3A_290] : memref<6144x1024xf32, #tpu.memory_space<hbm>> -> memref<6144x1024xf32, #tpu.memory_space<hbm>>
        tpu.enqueue_indirect_dma source(%dma_start3A_291 : memref<6144x1024xf32, #tpu.memory_space<hbm>>) target(%arg6 : memref<32x1024xf32, #tpu.memory_space<vmem>>) offsets(%dma_start3A_288 : memref<32xi32, #tpu.memory_space<vmem>>) semaphore(%run_scoped3A_281 : memref<!tpu.dma_semaphore, #tpu.memory_space<semaphore_mem>>)
        %dma_wait3A = arith.constant 0 : i32
        %dma_wait3A_292 = arith.constant 0 : i32
        %dma_wait3A_293 = tpu.memref_slice %run_scoped3A[%rem3A_167, %dma_wait3A, %dma_wait3A_292] : memref<2x1x128xi32, #tpu.memory_space<vmem>> -> memref<1x1x128xi32, #tpu.memory_space<vmem>>
        %dma_wait3A_294 = tpu.memref_squeeze %dma_wait3A_293 : memref<1x1x128xi32, #tpu.memory_space<vmem>> -> memref<1x128xi32, #tpu.memory_space<vmem>>
        %dma_wait3A_295 = arith.constant 64 : i32
        %dma_wait3A_296 = tpu.memref_slice %dma_wait3A_294[%run_scoped3A_174, %dma_wait3A_295] : memref<1x128xi32, #tpu.memory_space<vmem>> -> memref<1x32xi32, #tpu.memory_space<vmem>>
        %dma_wait3A_297 = tpu.memref_squeeze %dma_wait3A_296 : memref<1x32xi32, #tpu.memory_space<vmem>> -> memref<32xi32, #tpu.memory_space<vmem>>
        %dma_wait3A_298 = arith.constant 0 : i32
        %dma_wait3A_299 = arith.constant 0 : i32
        %dma_wait3A_300 = tpu.memref_slice %arg2[%dma_wait3A_298, %dma_wait3A_299] : memref<6144x1024xf32, #tpu.memory_space<hbm>> -> memref<6144x1024xf32, #tpu.memory_space<hbm>>
        tpu.wait_indirect_dma semaphore(%run_scoped3A_281 : memref<!tpu.dma_semaphore, #tpu.memory_space<semaphore_mem>>) src(%dma_wait3A_300 : memref<6144x1024xf32, #tpu.memory_space<hbm>>) dst(%arg6 : memref<32x1024xf32, #tpu.memory_space<vmem>>)
        tpu.yield
      }) : () -> ()
      %run_scoped3A_175 = arith.constant 0 : i32
      "tpu.region"() ({
        %run_scoped3A_281 = tpu.sem_alloc : memref<!tpu.dma_semaphore, #tpu.memory_space<semaphore_mem>>
        %dma_start3A_282 = arith.constant 0 : i32
        %dma_start3A_283 = arith.constant 0 : i32
        %dma_start3A_284 = tpu.memref_slice %run_scoped3A_8[%rem3A_169, %dma_start3A_282, %dma_start3A_283] : memref<2x1x128xi32, #tpu.memory_space<vmem>> -> memref<1x1x128xi32, #tpu.memory_space<vmem>>
        %dma_start3A_285 = tpu.memref_squeeze %dma_start3A_284 : memref<1x1x128xi32, #tpu.memory_space<vmem>> -> memref<1x128xi32, #tpu.memory_space<vmem>>
        %dma_start3A_286 = arith.constant 64 : i32
        %dma_start3A_287 = tpu.memref_slice %dma_start3A_285[%run_scoped3A_175, %dma_start3A_286] : memref<1x128xi32, #tpu.memory_space<vmem>> -> memref<1x32xi32, #tpu.memory_space<vmem>>
        %dma_start3A_288 = tpu.memref_squeeze %dma_start3A_287 : memref<1x32xi32, #tpu.memory_space<vmem>> -> memref<32xi32, #tpu.memory_space<vmem>>
        %dma_start3A_289 = arith.constant 0 : i32
        %dma_start3A_290 = arith.constant 0 : i32
        %dma_start3A_291 = tpu.memref_slice %arg5[%dma_start3A_289, %dma_start3A_290] : memref<4096x1024xf32, #tpu.memory_space<hbm>> -> memref<4096x1024xf32, #tpu.memory_space<hbm>>
        tpu.enqueue_indirect_dma source(%arg6 : memref<32x1024xf32, #tpu.memory_space<vmem>>) target(%dma_start3A_291 : memref<4096x1024xf32, #tpu.memory_space<hbm>>) offsets(%dma_start3A_288 : memref<32xi32, #tpu.memory_space<vmem>>) semaphore(%run_scoped3A_281 : memref<!tpu.dma_semaphore, #tpu.memory_space<semaphore_mem>>)
        %dma_wait3A = arith.constant 0 : i32
        %dma_wait3A_292 = arith.constant 0 : i32
        %dma_wait3A_293 = tpu.memref_slice %run_scoped3A_8[%rem3A_169, %dma_wait3A, %dma_wait3A_292] : memref<2x1x128xi32, #tpu.memory_space<vmem>> -> memref<1x1x128xi32, #tpu.memory_space<vmem>>
        %dma_wait3A_294 = tpu.memref_squeeze %dma_wait3A_293 : memref<1x1x128xi32, #tpu.memory_space<vmem>> -> memref<1x128xi32, #tpu.memory_space<vmem>>
        %dma_wait3A_295 = arith.constant 64 : i32
        %dma_wait3A_296 = tpu.memref_slice %dma_wait3A_294[%run_scoped3A_175, %dma_wait3A_295] : memref<1x128xi32, #tpu.memory_space<vmem>> -> memref<1x32xi32, #tpu.memory_space<vmem>>
        %dma_wait3A_297 = tpu.memref_squeeze %dma_wait3A_296 : memref<1x32xi32, #tpu.memory_space<vmem>> -> memref<32xi32, #tpu.memory_space<vmem>>
        %dma_wait3A_298 = arith.constant 0 : i32
        %dma_wait3A_299 = arith.constant 0 : i32
        %dma_wait3A_300 = tpu.memref_slice %arg5[%dma_wait3A_298, %dma_wait3A_299] : memref<4096x1024xf32, #tpu.memory_space<hbm>> -> memref<4096x1024xf32, #tpu.memory_space<hbm>>
        tpu.wait_indirect_dma semaphore(%run_scoped3A_281 : memref<!tpu.dma_semaphore, #tpu.memory_space<semaphore_mem>>) src(%arg6 : memref<32x1024xf32, #tpu.memory_space<vmem>>) dst(%dma_wait3A_300 : memref<4096x1024xf32, #tpu.memory_space<hbm>>)
        tpu.yield
      }) : () -> ()
      %run_scoped3A_176 = arith.constant 0 : i32
      "tpu.region"() ({
        %run_scoped3A_281 = tpu.sem_alloc : memref<!tpu.dma_semaphore, #tpu.memory_space<semaphore_mem>>
        %dma_start3A_282 = arith.constant 0 : i32
        %dma_start3A_283 = arith.constant 0 : i32
        %dma_start3A_284 = tpu.memref_slice %run_scoped3A[%rem3A_167, %dma_start3A_282, %dma_start3A_283] : memref<2x1x128xi32, #tpu.memory_space<vmem>> -> memref<1x1x128xi32, #tpu.memory_space<vmem>>
        %dma_start3A_285 = tpu.memref_squeeze %dma_start3A_284 : memref<1x1x128xi32, #tpu.memory_space<vmem>> -> memref<1x128xi32, #tpu.memory_space<vmem>>
        %dma_start3A_286 = arith.constant 96 : i32
        %dma_start3A_287 = tpu.memref_slice %dma_start3A_285[%run_scoped3A_176, %dma_start3A_286] : memref<1x128xi32, #tpu.memory_space<vmem>> -> memref<1x32xi32, #tpu.memory_space<vmem>>
        %dma_start3A_288 = tpu.memref_squeeze %dma_start3A_287 : memref<1x32xi32, #tpu.memory_space<vmem>> -> memref<32xi32, #tpu.memory_space<vmem>>
        %dma_start3A_289 = arith.constant 0 : i32
        %dma_start3A_290 = arith.constant 0 : i32
        %dma_start3A_291 = tpu.memref_slice %arg2[%dma_start3A_289, %dma_start3A_290] : memref<6144x1024xf32, #tpu.memory_space<hbm>> -> memref<6144x1024xf32, #tpu.memory_space<hbm>>
        tpu.enqueue_indirect_dma source(%dma_start3A_291 : memref<6144x1024xf32, #tpu.memory_space<hbm>>) target(%arg6 : memref<32x1024xf32, #tpu.memory_space<vmem>>) offsets(%dma_start3A_288 : memref<32xi32, #tpu.memory_space<vmem>>) semaphore(%run_scoped3A_281 : memref<!tpu.dma_semaphore, #tpu.memory_space<semaphore_mem>>)
        %dma_wait3A = arith.constant 0 : i32
        %dma_wait3A_292 = arith.constant 0 : i32
        %dma_wait3A_293 = tpu.memref_slice %run_scoped3A[%rem3A_167, %dma_wait3A, %dma_wait3A_292] : memref<2x1x128xi32, #tpu.memory_space<vmem>> -> memref<1x1x128xi32, #tpu.memory_space<vmem>>
        %dma_wait3A_294 = tpu.memref_squeeze %dma_wait3A_293 : memref<1x1x128xi32, #tpu.memory_space<vmem>> -> memref<1x128xi32, #tpu.memory_space<vmem>>
        %dma_wait3A_295 = arith.constant 96 : i32
        %dma_wait3A_296 = tpu.memref_slice %dma_wait3A_294[%run_scoped3A_176, %dma_wait3A_295] : memref<1x128xi32, #tpu.memory_space<vmem>> -> memref<1x32xi32, #tpu.memory_space<vmem>>
        %dma_wait3A_297 = tpu.memref_squeeze %dma_wait3A_296 : memref<1x32xi32, #tpu.memory_space<vmem>> -> memref<32xi32, #tpu.memory_space<vmem>>
        %dma_wait3A_298 = arith.constant 0 : i32
        %dma_wait3A_299 = arith.constant 0 : i32
        %dma_wait3A_300 = tpu.memref_slice %arg2[%dma_wait3A_298, %dma_wait3A_299] : memref<6144x1024xf32, #tpu.memory_space<hbm>> -> memref<6144x1024xf32, #tpu.memory_space<hbm>>
        tpu.wait_indirect_dma semaphore(%run_scoped3A_281 : memref<!tpu.dma_semaphore, #tpu.memory_space<semaphore_mem>>) src(%dma_wait3A_300 : memref<6144x1024xf32, #tpu.memory_space<hbm>>) dst(%arg6 : memref<32x1024xf32, #tpu.memory_space<vmem>>)
        tpu.yield
      }) : () -> ()
      %run_scoped3A_177 = arith.constant 0 : i32
      "tpu.region"() ({
        %run_scoped3A_281 = tpu.sem_alloc : memref<!tpu.dma_semaphore, #tpu.memory_space<semaphore_mem>>
        %dma_start3A_282 = arith.constant 0 : i32
        %dma_start3A_283 = arith.constant 0 : i32
        %dma_start3A_284 = tpu.memref_slice %run_scoped3A_8[%rem3A_169, %dma_start3A_282, %dma_start3A_283] : memref<2x1x128xi32, #tpu.memory_space<vmem>> -> memref<1x1x128xi32, #tpu.memory_space<vmem>>
        %dma_start3A_285 = tpu.memref_squeeze %dma_start3A_284 : memref<1x1x128xi32, #tpu.memory_space<vmem>> -> memref<1x128xi32, #tpu.memory_space<vmem>>
        %dma_start3A_286 = arith.constant 96 : i32
        %dma_start3A_287 = tpu.memref_slice %dma_start3A_285[%run_scoped3A_177, %dma_start3A_286] : memref<1x128xi32, #tpu.memory_space<vmem>> -> memref<1x32xi32, #tpu.memory_space<vmem>>
        %dma_start3A_288 = tpu.memref_squeeze %dma_start3A_287 : memref<1x32xi32, #tpu.memory_space<vmem>> -> memref<32xi32, #tpu.memory_space<vmem>>
        %dma_start3A_289 = arith.constant 0 : i32
        %dma_start3A_290 = arith.constant 0 : i32
        %dma_start3A_291 = tpu.memref_slice %arg5[%dma_start3A_289, %dma_start3A_290] : memref<4096x1024xf32, #tpu.memory_space<hbm>> -> memref<4096x1024xf32, #tpu.memory_space<hbm>>
        tpu.enqueue_indirect_dma source(%arg6 : memref<32x1024xf32, #tpu.memory_space<vmem>>) target(%dma_start3A_291 : memref<4096x1024xf32, #tpu.memory_space<hbm>>) offsets(%dma_start3A_288 : memref<32xi32, #tpu.memory_space<vmem>>) semaphore(%run_scoped3A_281 : memref<!tpu.dma_semaphore, #tpu.memory_space<semaphore_mem>>)
        %dma_wait3A = arith.constant 0 : i32
        %dma_wait3A_292 = arith.constant 0 : i32
        %dma_wait3A_293 = tpu.memref_slice %run_scoped3A_8[%rem3A_169, %dma_wait3A, %dma_wait3A_292] : memref<2x1x128xi32, #tpu.memory_space<vmem>> -> memref<1x1x128xi32, #tpu.memory_space<vmem>>
        %dma_wait3A_294 = tpu.memref_squeeze %dma_wait3A_293 : memref<1x1x128xi32, #tpu.memory_space<vmem>> -> memref<1x128xi32, #tpu.memory_space<vmem>>
        %dma_wait3A_295 = arith.constant 96 : i32
        %dma_wait3A_296 = tpu.memref_slice %dma_wait3A_294[%run_scoped3A_177, %dma_wait3A_295] : memref<1x128xi32, #tpu.memory_space<vmem>> -> memref<1x32xi32, #tpu.memory_space<vmem>>
        %dma_wait3A_297 = tpu.memref_squeeze %dma_wait3A_296 : memref<1x32xi32, #tpu.memory_space<vmem>> -> memref<32xi32, #tpu.memory_space<vmem>>
        %dma_wait3A_298 = arith.constant 0 : i32
        %dma_wait3A_299 = arith.constant 0 : i32
        %dma_wait3A_300 = tpu.memref_slice %arg5[%dma_wait3A_298, %dma_wait3A_299] : memref<4096x1024xf32, #tpu.memory_space<hbm>> -> memref<4096x1024xf32, #tpu.memory_space<hbm>>
        tpu.wait_indirect_dma semaphore(%run_scoped3A_281 : memref<!tpu.dma_semaphore, #tpu.memory_space<semaphore_mem>>) src(%arg6 : memref<32x1024xf32, #tpu.memory_space<vmem>>) dst(%dma_wait3A_300 : memref<4096x1024xf32, #tpu.memory_space<hbm>>)
        tpu.yield
      }) : () -> ()
      "tpu.trace_stop"() : () -> ()
      %ne3A_178 = arith.cmpi ne, %add3A_96, %add3A_116 : i32
      %or3A_179 = arith.constant false
      %or3A_180 = arith.ori %or3A_179, %ne3A_178 : i1
      %or3A_181 = arith.ori %or3A_180, %eq3A_94 : i1
      %convert_element_type3A_182 = arith.extui %or3A_181 : i1 to i32
      %cond3A_183 = arith.constant 0 : i32
      %cond3A_184 = arith.cmpi ne, %convert_element_type3A_182, %cond3A_183 : i32
      scf.if %cond3A_184 {
      } else {
      }
      %and3A_185 = arith.constant false
      %and3A_186 = arith.andi %or3A_181, %and3A_185 : i1
      %ne3A_187 = arith.cmpi ne, %add3A_96, %add3A_116 : i32
      %or3A_188 = arith.constant false
      %or3A_189 = arith.ori %or3A_188, %ne3A_187 : i1
      %or3A_190 = arith.ori %or3A_189, %eq3A_94 : i1
      %convert_element_type3A_191 = arith.extui %or3A_190 : i1 to i32
      %cond3A_192 = arith.constant 0 : i32
      %cond3A_193 = arith.cmpi ne, %convert_element_type3A_191, %cond3A_192 : i32
      scf.if %cond3A_193 {
      } else {
      }
      %and3A_194 = arith.constant false
      %and3A_195 = arith.andi %or3A_190, %and3A_194 : i1
      %ne3A_196 = arith.cmpi ne, %add3A_96, %add3A_106 : i32
      %or3A_197 = arith.constant false
      %or3A_198 = arith.ori %or3A_197, %ne3A_196 : i1
      %not3A_199 = arith.constant true
      %not3A_200 = arith.xori %eq3A_92, %not3A_199 : i1
      %and3A_201 = arith.andi %or3A_198, %not3A_200 : i1
      %convert_element_type3A_202 = arith.extui %and3A_201 : i1 to i32
      %cond3A_203 = arith.constant 0 : i32
      %cond3A_204 = arith.cmpi ne, %convert_element_type3A_202, %cond3A_203 : i32
      scf.if %cond3A_204 {
      } else {
      }
      %and3A_205 = arith.constant false
      %and3A_206 = arith.andi %and3A_201, %and3A_205 : i1
      %ne3A_207 = arith.cmpi ne, %add3A_96, %add3A_106 : i32
      %or3A_208 = arith.constant false
      %or3A_209 = arith.ori %or3A_208, %ne3A_207 : i1
      %not3A_210 = arith.constant true
      %not3A_211 = arith.xori %eq3A_92, %not3A_210 : i1
      %and3A_212 = arith.andi %or3A_209, %not3A_211 : i1
      %convert_element_type3A_213 = arith.extui %and3A_212 : i1 to i32
      %cond3A_214 = arith.constant 0 : i32
      %cond3A_215 = arith.cmpi ne, %convert_element_type3A_213, %cond3A_214 : i32
      scf.if %cond3A_215 {
      } else {
      }
      %and3A_216 = arith.constant false
      %and3A_217 = arith.andi %and3A_212, %and3A_216 : i1
      %ne3A_218 = arith.cmpi ne, %add3A_96, %add3A_116 : i32
      %or3A_219 = arith.constant false
      %or3A_220 = arith.ori %or3A_219, %ne3A_218 : i1
      %or3A_221 = arith.ori %or3A_220, %eq3A_94 : i1
      %add3A_222 = arith.constant 1 : i32
      %add3A_223 = arith.addi %scan3A, %add3A_222 : i32
      %select_n3A_224 = arith.select %or3A_221, %add3A_223, %scan3A : i32
      %ne3A_225 = arith.cmpi ne, %add3A_96, %add3A_116 : i32
      %or3A_226 = arith.constant false
      %or3A_227 = arith.ori %or3A_226, %ne3A_225 : i1
      %or3A_228 = arith.ori %or3A_227, %eq3A_94 : i1
      %add3A_229 = arith.constant 1 : i32
      %add3A_230 = arith.addi %scan3A_88, %add3A_229 : i32
      %select_n3A_231 = arith.select %or3A_228, %add3A_230, %scan3A_88 : i32
      %select_n3A_232 = arith.constant true
      %select_n3A_233 = arith.constant 0 : i32
      %select_n3A_234 = arith.constant 1 : i32
      %select_n3A_235 = arith.select %select_n3A_232, %select_n3A_234, %select_n3A_233 : i32
      %eq3A_236 = arith.constant 1 : i32
      %eq3A_237 = arith.cmpi eq, %select_n3A_235, %eq3A_236 : i32
      %select_n3A_238 = arith.constant 0 : i32
      %select_n3A_239 = arith.select %eq3A_237, %select_n3A_238, %select_n3A_235 : i32
      %scan3A_240 = arith.constant 0 : i32
      %scan3A_241 = arith.constant 1 : i32
      %sub3A = arith.constant 1 : i32
      %sub3A_242 = arith.subi %scan3A_240, %sub3A : i32
      %select_n3A_243 = arith.constant true
      %select_n3A_244 = arith.select %select_n3A_243, %sub3A_242, %scan3A_240 : i32
      %eq3A_245 = arith.constant -1 : i32
      %eq3A_246 = arith.cmpi eq, %select_n3A_244, %eq3A_245 : i32
      %select_n3A_247 = arith.constant 0 : i32
      %select_n3A_248 = arith.select %eq3A_246, %select_n3A_247, %select_n3A_244 : i32
      %add3A_249 = arith.constant 0 : i32
      %add3A_250 = arith.addi %add3A_249, %mul3A_6 : i32
      %select_n3A_251 = arith.constant true
      %select_n3A_252 = arith.constant 0 : i32
      %select_n3A_253 = arith.constant -1 : i32
      %select_n3A_254 = arith.select %select_n3A_251, %select_n3A_253, %select_n3A_252 : i32
      %eq3A_255 = arith.constant -1 : i32
      %eq3A_256 = arith.cmpi eq, %select_n3A_254, %eq3A_255 : i32
      %select_n3A_257 = arith.constant 0 : i32
      %select_n3A_258 = arith.select %eq3A_256, %select_n3A_257, %select_n3A_254 : i32
      %add3A_259 = arith.constant 0 : i32
      %add3A_260 = arith.addi %add3A_259, %mul3A_6 : i32
      %select_n3A_261 = arith.constant true
      %select_n3A_262 = arith.constant 0 : i32
      %select_n3A_263 = arith.constant 1 : i32
      %select_n3A_264 = arith.select %select_n3A_261, %select_n3A_263, %select_n3A_262 : i32
      %eq3A_265 = arith.constant 1 : i32
      %eq3A_266 = arith.cmpi eq, %select_n3A_264, %eq3A_265 : i32
      %select_n3A_267 = arith.constant 0 : i32
      %select_n3A_268 = arith.select %eq3A_266, %select_n3A_267, %select_n3A_264 : i32
      %add3A_269 = arith.constant 0 : i32
      %add3A_270 = arith.addi %add3A_269, %mul3A_6 : i32
      %select_n3A_271 = arith.constant true
      %select_n3A_272 = arith.constant 0 : i32
      %select_n3A_273 = arith.constant 1 : i32
      %select_n3A_274 = arith.select %select_n3A_271, %select_n3A_273, %select_n3A_272 : i32
      %eq3A_275 = arith.constant 1 : i32
      %eq3A_276 = arith.cmpi eq, %select_n3A_274, %eq3A_275 : i32
      %select_n3A_277 = arith.constant 0 : i32
      %select_n3A_278 = arith.select %eq3A_276, %select_n3A_277, %select_n3A_274 : i32
      %add3A_279 = arith.constant 0 : i32
      %add3A_280 = arith.addi %add3A_279, %mul3A_6 : i32
      tpu.yield
    }) : () -> ()
    return
  }
}

#map = affine_map<(d0, d1) -> (0, 0)>
module attributes {stable_mosaic.version = 14 : i64} {
  func.func @permute_kernel(%arg0: i32, %arg1: i32, %arg2: memref<2048x1024xf32, #tpu.memory_space<hbm>>, %arg3: memref<1x4096xi32, #tpu.memory_space<hbm>>, %arg4: memref<1x4096xi32, #tpu.memory_space<hbm>>, %arg5: memref<6144x1024xf32, #tpu.memory_space<hbm>>, %arg6: memref<32x1024xf32, #tpu.memory_space<vmem>>) attributes {dimension_semantics = [#tpu.dimension_semantics<core_parallel>, #tpu.dimension_semantics<subcore_parallel>], iteration_bounds = array<i64: 2, 16>, scalar_prefetch = 0 : i64, scratch_operands = 1 : i64, tpu.core_type = #tpu.core_type<sc_vector_subcore>, window_params = [{transform_indices = #map}, {transform_indices = #map}, {transform_indices = #map}, {transform_indices = #map}]} {
    %mul3A = arith.constant 1 : i32
    %mul3A_0 = arith.muli %arg1, %mul3A : i32
    %add3A = arith.constant 0 : i32
    %add3A_1 = arith.addi %add3A, %mul3A_0 : i32
    %mul3A_2 = arith.constant 16 : i32
    %mul3A_3 = arith.muli %arg0, %mul3A_2 : i32
    %add3A_4 = arith.addi %add3A_1, %mul3A_3 : i32
    %mul3A_5 = arith.constant 1 : i32
    %mul3A_6 = arith.muli %add3A_4, %mul3A_5 : i32
    "tpu.region"() ({
      %run_scoped3A = memref.alloca() : memref<2x1x128xi32, #tpu.memory_space<vmem>>
      %run_scoped3A_7 = tpu.sem_alloc : memref<2x!tpu.dma_semaphore, #tpu.memory_space<semaphore_mem>>
      %run_scoped3A_8 = memref.alloca() : memref<2x1x128xi32, #tpu.memory_space<vmem>>
      %run_scoped3A_9 = tpu.sem_alloc : memref<2x!tpu.dma_semaphore, #tpu.memory_space<semaphore_mem>>
      %add3A_10 = arith.constant 0 : i32
      %add3A_11 = arith.addi %add3A_10, %mul3A_6 : i32
      %select_n3A = arith.constant true
      %select_n3A_12 = arith.constant 0 : i32
      %select_n3A_13 = arith.constant -1 : i32
      %select_n3A_14 = arith.select %select_n3A, %select_n3A_13, %select_n3A_12 : i32
      %eq3A = arith.constant -1 : i32
      %eq3A_15 = arith.cmpi eq, %select_n3A_14, %eq3A : i32
      %select_n3A_16 = arith.constant 0 : i32
      %select_n3A_17 = arith.select %eq3A_15, %select_n3A_16, %select_n3A_14 : i32
      %add3A_18 = arith.constant 0 : i32
      %add3A_19 = arith.addi %add3A_18, %mul3A_6 : i32
      %select_n3A_20 = arith.constant true
      %select_n3A_21 = arith.constant 0 : i32
      %select_n3A_22 = arith.constant 1 : i32
      %select_n3A_23 = arith.select %select_n3A_20, %select_n3A_22, %select_n3A_21 : i32
      %eq3A_24 = arith.constant 1 : i32
      %eq3A_25 = arith.cmpi eq, %select_n3A_23, %eq3A_24 : i32
      %select_n3A_26 = arith.constant 0 : i32
      %select_n3A_27 = arith.select %eq3A_25, %select_n3A_26, %select_n3A_23 : i32
      %add3A_28 = arith.constant 0 : i32
      %add3A_29 = arith.addi %add3A_28, %mul3A_6 : i32
      %select_n3A_30 = arith.constant true
      %select_n3A_31 = arith.constant 0 : i32
      %select_n3A_32 = arith.constant 1 : i32
      %select_n3A_33 = arith.select %select_n3A_30, %select_n3A_32, %select_n3A_31 : i32
      %eq3A_34 = arith.constant 1 : i32
      %eq3A_35 = arith.cmpi eq, %select_n3A_33, %eq3A_34 : i32
      %select_n3A_36 = arith.constant 0 : i32
      %select_n3A_37 = arith.select %eq3A_35, %select_n3A_36, %select_n3A_33 : i32
      %add3A_38 = arith.constant 0 : i32
      %add3A_39 = arith.addi %add3A_38, %mul3A_6 : i32
      "tpu.trace_start"() <{level = 10 : i32, message = "ep_initialize_0"}> : () -> ()
      %rem3A = arith.constant 0 : i32
      %rem3A_40 = arith.constant 2 : i32
      %rem3A_41 = arith.remui %rem3A, %rem3A_40 : i32
      %mul3A_42 = arith.constant 128 : i32
      %mul3A_43 = arith.muli %mul3A_42, %add3A_11 : i32
      %dma_start3A = arith.constant 0 : i32
      %dma_start3A_44 = arith.constant 0 : i32
      %dma_start3A_45 = tpu.memref_slice %run_scoped3A[%rem3A_41, %dma_start3A, %dma_start3A_44] : memref<2x1x128xi32, #tpu.memory_space<vmem>> -> memref<1x1x128xi32, #tpu.memory_space<vmem>>
      %dma_start3A_46 = tpu.memref_squeeze %dma_start3A_45 : memref<1x1x128xi32, #tpu.memory_space<vmem>> -> memref<1x128xi32, #tpu.memory_space<vmem>>
      %dma_start3A_47 = arith.constant 0 : i32
      %dma_start3A_48 = tpu.memref_slice %arg3[%dma_start3A_47, %mul3A_43] : memref<1x4096xi32, #tpu.memory_space<hbm>> -> memref<1x128xi32, #tpu.memory_space<hbm>>
      %dma_start3A_49 = tpu.memref_slice %run_scoped3A_7[%rem3A_41] : memref<2x!tpu.dma_semaphore, #tpu.memory_space<semaphore_mem>> -> memref<1x!tpu.dma_semaphore, #tpu.memory_space<semaphore_mem>>
      %dma_start3A_50 = tpu.memref_squeeze %dma_start3A_49 : memref<1x!tpu.dma_semaphore, #tpu.memory_space<semaphore_mem>> -> memref<!tpu.dma_semaphore, #tpu.memory_space<semaphore_mem>>
      %dma_start3A_51 = arith.constant 0 : i32
      %dma_start3A_52 = arith.constant 0 : i32
      %dma_start3A_53 = tpu.memref_slice %run_scoped3A[%rem3A_41, %dma_start3A_51, %dma_start3A_52] : memref<2x1x128xi32, #tpu.memory_space<vmem>> -> memref<1x1x128xi32, #tpu.memory_space<vmem>>
      %dma_start3A_54 = tpu.memref_squeeze %dma_start3A_53 : memref<1x1x128xi32, #tpu.memory_space<vmem>> -> memref<1x128xi32, #tpu.memory_space<vmem>>
      %dma_start3A_55 = arith.constant 0 : i32
      %dma_start3A_56 = tpu.memref_slice %arg3[%dma_start3A_55, %mul3A_43] : memref<1x4096xi32, #tpu.memory_space<hbm>> -> memref<1x128xi32, #tpu.memory_space<hbm>>
      tpu.enqueue_dma source(%dma_start3A_56 : memref<1x128xi32, #tpu.memory_space<hbm>>) target(%dma_start3A_54 : memref<1x128xi32, #tpu.memory_space<vmem>>) target_semaphore(%dma_start3A_50 : memref<!tpu.dma_semaphore, #tpu.memory_space<semaphore_mem>>)
      %add3A_57 = arith.constant 0 : i32
      %add3A_58 = arith.constant 1 : i32
      %add3A_59 = arith.addi %add3A_57, %add3A_58 : i32
      %select_n3A_60 = arith.constant true
      %select_n3A_61 = arith.constant 0 : i32
      %select_n3A_62 = arith.select %select_n3A_60, %add3A_59, %select_n3A_61 : i32
      %rem3A_63 = arith.constant 0 : i32
      %rem3A_64 = arith.constant 2 : i32
      %rem3A_65 = arith.remui %rem3A_63, %rem3A_64 : i32
      %mul3A_66 = arith.constant 128 : i32
      %mul3A_67 = arith.muli %mul3A_66, %add3A_11 : i32
      %dma_start3A_68 = arith.constant 0 : i32
      %dma_start3A_69 = arith.constant 0 : i32
      %dma_start3A_70 = tpu.memref_slice %run_scoped3A_8[%rem3A_65, %dma_start3A_68, %dma_start3A_69] : memref<2x1x128xi32, #tpu.memory_space<vmem>> -> memref<1x1x128xi32, #tpu.memory_space<vmem>>
      %dma_start3A_71 = tpu.memref_squeeze %dma_start3A_70 : memref<1x1x128xi32, #tpu.memory_space<vmem>> -> memref<1x128xi32, #tpu.memory_space<vmem>>
      %dma_start3A_72 = arith.constant 0 : i32
      %dma_start3A_73 = tpu.memref_slice %arg4[%dma_start3A_72, %mul3A_67] : memref<1x4096xi32, #tpu.memory_space<hbm>> -> memref<1x128xi32, #tpu.memory_space<hbm>>
      %dma_start3A_74 = tpu.memref_slice %run_scoped3A_9[%rem3A_65] : memref<2x!tpu.dma_semaphore, #tpu.memory_space<semaphore_mem>> -> memref<1x!tpu.dma_semaphore, #tpu.memory_space<semaphore_mem>>
      %dma_start3A_75 = tpu.memref_squeeze %dma_start3A_74 : memref<1x!tpu.dma_semaphore, #tpu.memory_space<semaphore_mem>> -> memref<!tpu.dma_semaphore, #tpu.memory_space<semaphore_mem>>
      %dma_start3A_76 = arith.constant 0 : i32
      %dma_start3A_77 = arith.constant 0 : i32
      %dma_start3A_78 = tpu.memref_slice %run_scoped3A_8[%rem3A_65, %dma_start3A_76, %dma_start3A_77] : memref<2x1x128xi32, #tpu.memory_space<vmem>> -> memref<1x1x128xi32, #tpu.memory_space<vmem>>
      %dma_start3A_79 = tpu.memref_squeeze %dma_start3A_78 : memref<1x1x128xi32, #tpu.memory_space<vmem>> -> memref<1x128xi32, #tpu.memory_space<vmem>>
      %dma_start3A_80 = arith.constant 0 : i32
      %dma_start3A_81 = tpu.memref_slice %arg4[%dma_start3A_80, %mul3A_67] : memref<1x4096xi32, #tpu.memory_space<hbm>> -> memref<1x128xi32, #tpu.memory_space<hbm>>
      tpu.enqueue_dma source(%dma_start3A_81 : memref<1x128xi32, #tpu.memory_space<hbm>>) target(%dma_start3A_79 : memref<1x128xi32, #tpu.memory_space<vmem>>) target_semaphore(%dma_start3A_75 : memref<!tpu.dma_semaphore, #tpu.memory_space<semaphore_mem>>)
      %add3A_82 = arith.constant 0 : i32
      %add3A_83 = arith.constant 1 : i32
      %add3A_84 = arith.addi %add3A_82, %add3A_83 : i32
      %select_n3A_85 = arith.constant true
      %select_n3A_86 = arith.constant 0 : i32
      %select_n3A_87 = arith.select %select_n3A_85, %add3A_84, %select_n3A_86 : i32
      "tpu.trace_stop"() : () -> ()
      %scan3A = arith.constant 0 : i32
      %scan3A_88 = arith.constant 0 : i32
      %scan3A_89 = arith.constant 0 : i32
      %scan3A_90 = arith.constant 0 : i32
      %eq3A_91 = arith.constant 0 : i32
      %eq3A_92 = arith.cmpi eq, %scan3A_90, %eq3A_91 : i32
      %eq3A_93 = arith.constant 0 : i32
      %eq3A_94 = arith.cmpi eq, %scan3A_90, %eq3A_93 : i32
      %add3A_95 = arith.constant 0 : i32
      %add3A_96 = arith.addi %add3A_95, %mul3A_6 : i32
      %select_n3A_97 = arith.constant true
      %select_n3A_98 = arith.constant 0 : i32
      %select_n3A_99 = arith.constant -1 : i32
      %select_n3A_100 = arith.select %select_n3A_97, %select_n3A_99, %select_n3A_98 : i32
      %eq3A_101 = arith.constant -1 : i32
      %eq3A_102 = arith.cmpi eq, %select_n3A_100, %eq3A_101 : i32
      %select_n3A_103 = arith.constant 0 : i32
      %select_n3A_104 = arith.select %eq3A_102, %select_n3A_103, %select_n3A_100 : i32
      %add3A_105 = arith.constant 0 : i32
      %add3A_106 = arith.addi %add3A_105, %mul3A_6 : i32
      %select_n3A_107 = arith.constant true
      %select_n3A_108 = arith.constant 0 : i32
      %select_n3A_109 = arith.constant 1 : i32
      %select_n3A_110 = arith.select %select_n3A_107, %select_n3A_109, %select_n3A_108 : i32
      %eq3A_111 = arith.constant 1 : i32
      %eq3A_112 = arith.cmpi eq, %select_n3A_110, %eq3A_111 : i32
      %select_n3A_113 = arith.constant 0 : i32
      %select_n3A_114 = arith.select %eq3A_112, %select_n3A_113, %select_n3A_110 : i32
      %add3A_115 = arith.constant 0 : i32
      %add3A_116 = arith.addi %add3A_115, %mul3A_6 : i32
      %select_n3A_117 = arith.constant true
      %select_n3A_118 = arith.constant 0 : i32
      %select_n3A_119 = arith.constant 1 : i32
      %select_n3A_120 = arith.select %select_n3A_117, %select_n3A_119, %select_n3A_118 : i32
      %eq3A_121 = arith.constant 1 : i32
      %eq3A_122 = arith.cmpi eq, %select_n3A_120, %eq3A_121 : i32
      %select_n3A_123 = arith.constant 0 : i32
      %select_n3A_124 = arith.select %eq3A_122, %select_n3A_123, %select_n3A_120 : i32
      %add3A_125 = arith.constant 0 : i32
      %add3A_126 = arith.addi %add3A_125, %mul3A_6 : i32
      %ne3A = arith.cmpi ne, %add3A_96, %add3A_116 : i32
      %or3A = arith.constant false
      %or3A_127 = arith.ori %or3A, %ne3A : i1
      %ge3A = arith.constant 0 : i32
      %ge3A_128 = arith.cmpi sge, %scan3A_90, %ge3A : i32
      %not3A = arith.constant true
      %not3A_129 = arith.xori %ge3A_128, %not3A : i1
      %and3A = arith.andi %or3A_127, %not3A_129 : i1
      %convert_element_type3A = arith.extui %and3A : i1 to i32
      %cond3A = arith.constant 0 : i32
      %cond3A_130 = arith.cmpi ne, %convert_element_type3A, %cond3A : i32
      scf.if %cond3A_130 {
        "tpu.trace_start"() <{level = 10 : i32, message = "ep_copy_in"}> : () -> ()
        %rem3A_281 = arith.constant 2 : i32
        %rem3A_282 = arith.remui %select_n3A_62, %rem3A_281 : i32
        %mul3A_283 = arith.constant 128 : i32
        %mul3A_284 = arith.muli %mul3A_283, %add3A_116 : i32
        %dma_start3A_285 = arith.constant 0 : i32
        %dma_start3A_286 = arith.constant 0 : i32
        %dma_start3A_287 = tpu.memref_slice %run_scoped3A[%rem3A_282, %dma_start3A_285, %dma_start3A_286] : memref<2x1x128xi32, #tpu.memory_space<vmem>> -> memref<1x1x128xi32, #tpu.memory_space<vmem>>
        %dma_start3A_288 = tpu.memref_squeeze %dma_start3A_287 : memref<1x1x128xi32, #tpu.memory_space<vmem>> -> memref<1x128xi32, #tpu.memory_space<vmem>>
        %dma_start3A_289 = arith.constant 0 : i32
        %dma_start3A_290 = tpu.memref_slice %arg3[%dma_start3A_289, %mul3A_284] : memref<1x4096xi32, #tpu.memory_space<hbm>> -> memref<1x128xi32, #tpu.memory_space<hbm>>
        %dma_start3A_291 = tpu.memref_slice %run_scoped3A_7[%rem3A_282] : memref<2x!tpu.dma_semaphore, #tpu.memory_space<semaphore_mem>> -> memref<1x!tpu.dma_semaphore, #tpu.memory_space<semaphore_mem>>
        %dma_start3A_292 = tpu.memref_squeeze %dma_start3A_291 : memref<1x!tpu.dma_semaphore, #tpu.memory_space<semaphore_mem>> -> memref<!tpu.dma_semaphore, #tpu.memory_space<semaphore_mem>>
        %dma_start3A_293 = arith.constant 0 : i32
        %dma_start3A_294 = arith.constant 0 : i32
        %dma_start3A_295 = tpu.memref_slice %run_scoped3A[%rem3A_282, %dma_start3A_293, %dma_start3A_294] : memref<2x1x128xi32, #tpu.memory_space<vmem>> -> memref<1x1x128xi32, #tpu.memory_space<vmem>>
        %dma_start3A_296 = tpu.memref_squeeze %dma_start3A_295 : memref<1x1x128xi32, #tpu.memory_space<vmem>> -> memref<1x128xi32, #tpu.memory_space<vmem>>
        %dma_start3A_297 = arith.constant 0 : i32
        %dma_start3A_298 = tpu.memref_slice %arg3[%dma_start3A_297, %mul3A_284] : memref<1x4096xi32, #tpu.memory_space<hbm>> -> memref<1x128xi32, #tpu.memory_space<hbm>>
        tpu.enqueue_dma source(%dma_start3A_298 : memref<1x128xi32, #tpu.memory_space<hbm>>) target(%dma_start3A_296 : memref<1x128xi32, #tpu.memory_space<vmem>>) target_semaphore(%dma_start3A_292 : memref<!tpu.dma_semaphore, #tpu.memory_space<semaphore_mem>>)
        "tpu.trace_stop"() : () -> ()
      } else {
      }
      %and3A_131 = arith.constant true
      %and3A_132 = arith.andi %and3A, %and3A_131 : i1
      %add3A_133 = arith.constant 1 : i32
      %add3A_134 = arith.addi %select_n3A_62, %add3A_133 : i32
      %select_n3A_135 = arith.select %and3A_132, %add3A_134, %select_n3A_62 : i32
      %ne3A_136 = arith.cmpi ne, %add3A_96, %add3A_116 : i32
      %or3A_137 = arith.constant false
      %or3A_138 = arith.ori %or3A_137, %ne3A_136 : i1
      %ge3A_139 = arith.constant 0 : i32
      %ge3A_140 = arith.cmpi sge, %scan3A_90, %ge3A_139 : i32
      %not3A_141 = arith.constant true
      %not3A_142 = arith.xori %ge3A_140, %not3A_141 : i1
      %and3A_143 = arith.andi %or3A_138, %not3A_142 : i1
      %convert_element_type3A_144 = arith.extui %and3A_143 : i1 to i32
      %cond3A_145 = arith.constant 0 : i32
      %cond3A_146 = arith.cmpi ne, %convert_element_type3A_144, %cond3A_145 : i32
      scf.if %cond3A_146 {
        "tpu.trace_start"() <{level = 10 : i32, message = "ep_copy_in"}> : () -> ()
        %rem3A_281 = arith.constant 2 : i32
        %rem3A_282 = arith.remui %select_n3A_87, %rem3A_281 : i32
        %mul3A_283 = arith.constant 128 : i32
        %mul3A_284 = arith.muli %mul3A_283, %add3A_116 : i32
        %dma_start3A_285 = arith.constant 0 : i32
        %dma_start3A_286 = arith.constant 0 : i32
        %dma_start3A_287 = tpu.memref_slice %run_scoped3A_8[%rem3A_282, %dma_start3A_285, %dma_start3A_286] : memref<2x1x128xi32, #tpu.memory_space<vmem>> -> memref<1x1x128xi32, #tpu.memory_space<vmem>>
        %dma_start3A_288 = tpu.memref_squeeze %dma_start3A_287 : memref<1x1x128xi32, #tpu.memory_space<vmem>> -> memref<1x128xi32, #tpu.memory_space<vmem>>
        %dma_start3A_289 = arith.constant 0 : i32
        %dma_start3A_290 = tpu.memref_slice %arg4[%dma_start3A_289, %mul3A_284] : memref<1x4096xi32, #tpu.memory_space<hbm>> -> memref<1x128xi32, #tpu.memory_space<hbm>>
        %dma_start3A_291 = tpu.memref_slice %run_scoped3A_9[%rem3A_282] : memref<2x!tpu.dma_semaphore, #tpu.memory_space<semaphore_mem>> -> memref<1x!tpu.dma_semaphore, #tpu.memory_space<semaphore_mem>>
        %dma_start3A_292 = tpu.memref_squeeze %dma_start3A_291 : memref<1x!tpu.dma_semaphore, #tpu.memory_space<semaphore_mem>> -> memref<!tpu.dma_semaphore, #tpu.memory_space<semaphore_mem>>
        %dma_start3A_293 = arith.constant 0 : i32
        %dma_start3A_294 = arith.constant 0 : i32
        %dma_start3A_295 = tpu.memref_slice %run_scoped3A_8[%rem3A_282, %dma_start3A_293, %dma_start3A_294] : memref<2x1x128xi32, #tpu.memory_space<vmem>> -> memref<1x1x128xi32, #tpu.memory_space<vmem>>
        %dma_start3A_296 = tpu.memref_squeeze %dma_start3A_295 : memref<1x1x128xi32, #tpu.memory_space<vmem>> -> memref<1x128xi32, #tpu.memory_space<vmem>>
        %dma_start3A_297 = arith.constant 0 : i32
        %dma_start3A_298 = tpu.memref_slice %arg4[%dma_start3A_297, %mul3A_284] : memref<1x4096xi32, #tpu.memory_space<hbm>> -> memref<1x128xi32, #tpu.memory_space<hbm>>
        tpu.enqueue_dma source(%dma_start3A_298 : memref<1x128xi32, #tpu.memory_space<hbm>>) target(%dma_start3A_296 : memref<1x128xi32, #tpu.memory_space<vmem>>) target_semaphore(%dma_start3A_292 : memref<!tpu.dma_semaphore, #tpu.memory_space<semaphore_mem>>)
        "tpu.trace_stop"() : () -> ()
      } else {
      }
      %and3A_147 = arith.constant true
      %and3A_148 = arith.andi %and3A_143, %and3A_147 : i1
      %add3A_149 = arith.constant 1 : i32
      %add3A_150 = arith.addi %select_n3A_87, %add3A_149 : i32
      %select_n3A_151 = arith.select %and3A_148, %add3A_150, %select_n3A_87 : i32
      %ne3A_152 = arith.cmpi ne, %add3A_96, %add3A_106 : i32
      %or3A_153 = arith.constant false
      %or3A_154 = arith.ori %or3A_153, %ne3A_152 : i1
      %or3A_155 = arith.ori %or3A_154, %eq3A_92 : i1
      %convert_element_type3A_156 = arith.extui %or3A_155 : i1 to i32
      %cond3A_157 = arith.constant 0 : i32
      %cond3A_158 = arith.cmpi ne, %convert_element_type3A_156, %cond3A_157 : i32
      scf.if %cond3A_158 {
        "tpu.trace_start"() <{level = 10 : i32, message = "ep_wait_in"}> : () -> ()
        %mul3A_281 = arith.constant 128 : i32
        %mul3A_282 = arith.muli %mul3A_281, %add3A_96 : i32
        %rem3A_283 = arith.constant 2 : i32
        %rem3A_284 = arith.remui %scan3A, %rem3A_283 : i32
        %dma_wait3A = arith.constant 0 : i32
        %dma_wait3A_285 = arith.constant 0 : i32
        %dma_wait3A_286 = tpu.memref_slice %run_scoped3A[%rem3A_284, %dma_wait3A, %dma_wait3A_285] : memref<2x1x128xi32, #tpu.memory_space<vmem>> -> memref<1x1x128xi32, #tpu.memory_space<vmem>>
        %dma_wait3A_287 = tpu.memref_squeeze %dma_wait3A_286 : memref<1x1x128xi32, #tpu.memory_space<vmem>> -> memref<1x128xi32, #tpu.memory_space<vmem>>
        %dma_wait3A_288 = arith.constant 0 : i32
        %dma_wait3A_289 = tpu.memref_slice %arg3[%dma_wait3A_288, %mul3A_282] : memref<1x4096xi32, #tpu.memory_space<hbm>> -> memref<1x128xi32, #tpu.memory_space<hbm>>
        %dma_wait3A_290 = tpu.memref_slice %run_scoped3A_7[%rem3A_284] : memref<2x!tpu.dma_semaphore, #tpu.memory_space<semaphore_mem>> -> memref<1x!tpu.dma_semaphore, #tpu.memory_space<semaphore_mem>>
        %dma_wait3A_291 = tpu.memref_squeeze %dma_wait3A_290 : memref<1x!tpu.dma_semaphore, #tpu.memory_space<semaphore_mem>> -> memref<!tpu.dma_semaphore, #tpu.memory_space<semaphore_mem>>
        %dma_wait3A_292 = arith.constant 0 : i32
        %dma_wait3A_293 = arith.constant 0 : i32
        %dma_wait3A_294 = tpu.memref_slice %run_scoped3A[%rem3A_284, %dma_wait3A_292, %dma_wait3A_293] : memref<2x1x128xi32, #tpu.memory_space<vmem>> -> memref<1x1x128xi32, #tpu.memory_space<vmem>>
        %dma_wait3A_295 = tpu.memref_squeeze %dma_wait3A_294 : memref<1x1x128xi32, #tpu.memory_space<vmem>> -> memref<1x128xi32, #tpu.memory_space<vmem>>
        %dma_wait3A_296 = arith.constant 0 : i32
        %dma_wait3A_297 = tpu.memref_slice %arg3[%dma_wait3A_296, %mul3A_282] : memref<1x4096xi32, #tpu.memory_space<hbm>> -> memref<1x128xi32, #tpu.memory_space<hbm>>
        tpu.wait_dma2 semaphore(%dma_wait3A_291 : memref<!tpu.dma_semaphore, #tpu.memory_space<semaphore_mem>>) src(%dma_wait3A_297 : memref<1x128xi32, #tpu.memory_space<hbm>>) dst(%dma_wait3A_295 : memref<1x128xi32, #tpu.memory_space<vmem>>)
        "tpu.trace_stop"() : () -> ()
      } else {
      }
      %ne3A_159 = arith.cmpi ne, %add3A_96, %add3A_106 : i32
      %or3A_160 = arith.constant false
      %or3A_161 = arith.ori %or3A_160, %ne3A_159 : i1
      %or3A_162 = arith.ori %or3A_161, %eq3A_92 : i1
      %convert_element_type3A_163 = arith.extui %or3A_162 : i1 to i32
      %cond3A_164 = arith.constant 0 : i32
      %cond3A_165 = arith.cmpi ne, %convert_element_type3A_163, %cond3A_164 : i32
      scf.if %cond3A_165 {
        "tpu.trace_start"() <{level = 10 : i32, message = "ep_wait_in"}> : () -> ()
        %mul3A_281 = arith.constant 128 : i32
        %mul3A_282 = arith.muli %mul3A_281, %add3A_96 : i32
        %rem3A_283 = arith.constant 2 : i32
        %rem3A_284 = arith.remui %scan3A_88, %rem3A_283 : i32
        %dma_wait3A = arith.constant 0 : i32
        %dma_wait3A_285 = arith.constant 0 : i32
        %dma_wait3A_286 = tpu.memref_slice %run_scoped3A_8[%rem3A_284, %dma_wait3A, %dma_wait3A_285] : memref<2x1x128xi32, #tpu.memory_space<vmem>> -> memref<1x1x128xi32, #tpu.memory_space<vmem>>
        %dma_wait3A_287 = tpu.memref_squeeze %dma_wait3A_286 : memref<1x1x128xi32, #tpu.memory_space<vmem>> -> memref<1x128xi32, #tpu.memory_space<vmem>>
        %dma_wait3A_288 = arith.constant 0 : i32
        %dma_wait3A_289 = tpu.memref_slice %arg4[%dma_wait3A_288, %mul3A_282] : memref<1x4096xi32, #tpu.memory_space<hbm>> -> memref<1x128xi32, #tpu.memory_space<hbm>>
        %dma_wait3A_290 = tpu.memref_slice %run_scoped3A_9[%rem3A_284] : memref<2x!tpu.dma_semaphore, #tpu.memory_space<semaphore_mem>> -> memref<1x!tpu.dma_semaphore, #tpu.memory_space<semaphore_mem>>
        %dma_wait3A_291 = tpu.memref_squeeze %dma_wait3A_290 : memref<1x!tpu.dma_semaphore, #tpu.memory_space<semaphore_mem>> -> memref<!tpu.dma_semaphore, #tpu.memory_space<semaphore_mem>>
        %dma_wait3A_292 = arith.constant 0 : i32
        %dma_wait3A_293 = arith.constant 0 : i32
        %dma_wait3A_294 = tpu.memref_slice %run_scoped3A_8[%rem3A_284, %dma_wait3A_292, %dma_wait3A_293] : memref<2x1x128xi32, #tpu.memory_space<vmem>> -> memref<1x1x128xi32, #tpu.memory_space<vmem>>
        %dma_wait3A_295 = tpu.memref_squeeze %dma_wait3A_294 : memref<1x1x128xi32, #tpu.memory_space<vmem>> -> memref<1x128xi32, #tpu.memory_space<vmem>>
        %dma_wait3A_296 = arith.constant 0 : i32
        %dma_wait3A_297 = tpu.memref_slice %arg4[%dma_wait3A_296, %mul3A_282] : memref<1x4096xi32, #tpu.memory_space<hbm>> -> memref<1x128xi32, #tpu.memory_space<hbm>>
        tpu.wait_dma2 semaphore(%dma_wait3A_291 : memref<!tpu.dma_semaphore, #tpu.memory_space<semaphore_mem>>) src(%dma_wait3A_297 : memref<1x128xi32, #tpu.memory_space<hbm>>) dst(%dma_wait3A_295 : memref<1x128xi32, #tpu.memory_space<vmem>>)
        "tpu.trace_stop"() : () -> ()
      } else {
      }
      %rem3A_166 = arith.constant 2 : i32
      %rem3A_167 = arith.remui %scan3A, %rem3A_166 : i32
      %rem3A_168 = arith.constant 2 : i32
      %rem3A_169 = arith.remui %scan3A_88, %rem3A_168 : i32
      %run_scoped3A_170 = arith.constant 0 : i32
      "tpu.trace_start"() <{level = 10 : i32, message = "ep_run_kernel"}> : () -> ()
      "tpu.region"() ({
        %run_scoped3A_281 = tpu.sem_alloc : memref<!tpu.dma_semaphore, #tpu.memory_space<semaphore_mem>>
        %dma_start3A_282 = arith.constant 0 : i32
        %dma_start3A_283 = arith.constant 0 : i32
        %dma_start3A_284 = tpu.memref_slice %run_scoped3A[%rem3A_167, %dma_start3A_282, %dma_start3A_283] : memref<2x1x128xi32, #tpu.memory_space<vmem>> -> memref<1x1x128xi32, #tpu.memory_space<vmem>>
        %dma_start3A_285 = tpu.memref_squeeze %dma_start3A_284 : memref<1x1x128xi32, #tpu.memory_space<vmem>> -> memref<1x128xi32, #tpu.memory_space<vmem>>
        %dma_start3A_286 = arith.constant 0 : i32
        %dma_start3A_287 = tpu.memref_slice %dma_start3A_285[%run_scoped3A_170, %dma_start3A_286] : memref<1x128xi32, #tpu.memory_space<vmem>> -> memref<1x32xi32, #tpu.memory_space<vmem>>
        %dma_start3A_288 = tpu.memref_squeeze %dma_start3A_287 : memref<1x32xi32, #tpu.memory_space<vmem>> -> memref<32xi32, #tpu.memory_space<vmem>>
        %dma_start3A_289 = arith.constant 0 : i32
        %dma_start3A_290 = arith.constant 0 : i32
        %dma_start3A_291 = tpu.memref_slice %arg2[%dma_start3A_289, %dma_start3A_290] : memref<2048x1024xf32, #tpu.memory_space<hbm>> -> memref<2048x1024xf32, #tpu.memory_space<hbm>>
        tpu.enqueue_indirect_dma source(%dma_start3A_291 : memref<2048x1024xf32, #tpu.memory_space<hbm>>) target(%arg6 : memref<32x1024xf32, #tpu.memory_space<vmem>>) offsets(%dma_start3A_288 : memref<32xi32, #tpu.memory_space<vmem>>) semaphore(%run_scoped3A_281 : memref<!tpu.dma_semaphore, #tpu.memory_space<semaphore_mem>>)
        %dma_wait3A = arith.constant 0 : i32
        %dma_wait3A_292 = arith.constant 0 : i32
        %dma_wait3A_293 = tpu.memref_slice %run_scoped3A[%rem3A_167, %dma_wait3A, %dma_wait3A_292] : memref<2x1x128xi32, #tpu.memory_space<vmem>> -> memref<1x1x128xi32, #tpu.memory_space<vmem>>
        %dma_wait3A_294 = tpu.memref_squeeze %dma_wait3A_293 : memref<1x1x128xi32, #tpu.memory_space<vmem>> -> memref<1x128xi32, #tpu.memory_space<vmem>>
        %dma_wait3A_295 = arith.constant 0 : i32
        %dma_wait3A_296 = tpu.memref_slice %dma_wait3A_294[%run_scoped3A_170, %dma_wait3A_295] : memref<1x128xi32, #tpu.memory_space<vmem>> -> memref<1x32xi32, #tpu.memory_space<vmem>>
        %dma_wait3A_297 = tpu.memref_squeeze %dma_wait3A_296 : memref<1x32xi32, #tpu.memory_space<vmem>> -> memref<32xi32, #tpu.memory_space<vmem>>
        %dma_wait3A_298 = arith.constant 0 : i32
        %dma_wait3A_299 = arith.constant 0 : i32
        %dma_wait3A_300 = tpu.memref_slice %arg2[%dma_wait3A_298, %dma_wait3A_299] : memref<2048x1024xf32, #tpu.memory_space<hbm>> -> memref<2048x1024xf32, #tpu.memory_space<hbm>>
        tpu.wait_indirect_dma semaphore(%run_scoped3A_281 : memref<!tpu.dma_semaphore, #tpu.memory_space<semaphore_mem>>) src(%dma_wait3A_300 : memref<2048x1024xf32, #tpu.memory_space<hbm>>) dst(%arg6 : memref<32x1024xf32, #tpu.memory_space<vmem>>)
        tpu.yield
      }) : () -> ()
      %run_scoped3A_171 = arith.constant 0 : i32
      "tpu.region"() ({
        %run_scoped3A_281 = tpu.sem_alloc : memref<!tpu.dma_semaphore, #tpu.memory_space<semaphore_mem>>
        %dma_start3A_282 = arith.constant 0 : i32
        %dma_start3A_283 = arith.constant 0 : i32
        %dma_start3A_284 = tpu.memref_slice %run_scoped3A_8[%rem3A_169, %dma_start3A_282, %dma_start3A_283] : memref<2x1x128xi32, #tpu.memory_space<vmem>> -> memref<1x1x128xi32, #tpu.memory_space<vmem>>
        %dma_start3A_285 = tpu.memref_squeeze %dma_start3A_284 : memref<1x1x128xi32, #tpu.memory_space<vmem>> -> memref<1x128xi32, #tpu.memory_space<vmem>>
        %dma_start3A_286 = arith.constant 0 : i32
        %dma_start3A_287 = tpu.memref_slice %dma_start3A_285[%run_scoped3A_171, %dma_start3A_286] : memref<1x128xi32, #tpu.memory_space<vmem>> -> memref<1x32xi32, #tpu.memory_space<vmem>>
        %dma_start3A_288 = tpu.memref_squeeze %dma_start3A_287 : memref<1x32xi32, #tpu.memory_space<vmem>> -> memref<32xi32, #tpu.memory_space<vmem>>
        %dma_start3A_289 = arith.constant 0 : i32
        %dma_start3A_290 = arith.constant 0 : i32
        %dma_start3A_291 = tpu.memref_slice %arg5[%dma_start3A_289, %dma_start3A_290] : memref<6144x1024xf32, #tpu.memory_space<hbm>> -> memref<6144x1024xf32, #tpu.memory_space<hbm>>
        tpu.enqueue_indirect_dma source(%arg6 : memref<32x1024xf32, #tpu.memory_space<vmem>>) target(%dma_start3A_291 : memref<6144x1024xf32, #tpu.memory_space<hbm>>) offsets(%dma_start3A_288 : memref<32xi32, #tpu.memory_space<vmem>>) semaphore(%run_scoped3A_281 : memref<!tpu.dma_semaphore, #tpu.memory_space<semaphore_mem>>)
        %dma_wait3A = arith.constant 0 : i32
        %dma_wait3A_292 = arith.constant 0 : i32
        %dma_wait3A_293 = tpu.memref_slice %run_scoped3A_8[%rem3A_169, %dma_wait3A, %dma_wait3A_292] : memref<2x1x128xi32, #tpu.memory_space<vmem>> -> memref<1x1x128xi32, #tpu.memory_space<vmem>>
        %dma_wait3A_294 = tpu.memref_squeeze %dma_wait3A_293 : memref<1x1x128xi32, #tpu.memory_space<vmem>> -> memref<1x128xi32, #tpu.memory_space<vmem>>
        %dma_wait3A_295 = arith.constant 0 : i32
        %dma_wait3A_296 = tpu.memref_slice %dma_wait3A_294[%run_scoped3A_171, %dma_wait3A_295] : memref<1x128xi32, #tpu.memory_space<vmem>> -> memref<1x32xi32, #tpu.memory_space<vmem>>
        %dma_wait3A_297 = tpu.memref_squeeze %dma_wait3A_296 : memref<1x32xi32, #tpu.memory_space<vmem>> -> memref<32xi32, #tpu.memory_space<vmem>>
        %dma_wait3A_298 = arith.constant 0 : i32
        %dma_wait3A_299 = arith.constant 0 : i32
        %dma_wait3A_300 = tpu.memref_slice %arg5[%dma_wait3A_298, %dma_wait3A_299] : memref<6144x1024xf32, #tpu.memory_space<hbm>> -> memref<6144x1024xf32, #tpu.memory_space<hbm>>
        tpu.wait_indirect_dma semaphore(%run_scoped3A_281 : memref<!tpu.dma_semaphore, #tpu.memory_space<semaphore_mem>>) src(%arg6 : memref<32x1024xf32, #tpu.memory_space<vmem>>) dst(%dma_wait3A_300 : memref<6144x1024xf32, #tpu.memory_space<hbm>>)
        tpu.yield
      }) : () -> ()
      %run_scoped3A_172 = arith.constant 0 : i32
      "tpu.region"() ({
        %run_scoped3A_281 = tpu.sem_alloc : memref<!tpu.dma_semaphore, #tpu.memory_space<semaphore_mem>>
        %dma_start3A_282 = arith.constant 0 : i32
        %dma_start3A_283 = arith.constant 0 : i32
        %dma_start3A_284 = tpu.memref_slice %run_scoped3A[%rem3A_167, %dma_start3A_282, %dma_start3A_283] : memref<2x1x128xi32, #tpu.memory_space<vmem>> -> memref<1x1x128xi32, #tpu.memory_space<vmem>>
        %dma_start3A_285 = tpu.memref_squeeze %dma_start3A_284 : memref<1x1x128xi32, #tpu.memory_space<vmem>> -> memref<1x128xi32, #tpu.memory_space<vmem>>
        %dma_start3A_286 = arith.constant 32 : i32
        %dma_start3A_287 = tpu.memref_slice %dma_start3A_285[%run_scoped3A_172, %dma_start3A_286] : memref<1x128xi32, #tpu.memory_space<vmem>> -> memref<1x32xi32, #tpu.memory_space<vmem>>
        %dma_start3A_288 = tpu.memref_squeeze %dma_start3A_287 : memref<1x32xi32, #tpu.memory_space<vmem>> -> memref<32xi32, #tpu.memory_space<vmem>>
        %dma_start3A_289 = arith.constant 0 : i32
        %dma_start3A_290 = arith.constant 0 : i32
        %dma_start3A_291 = tpu.memref_slice %arg2[%dma_start3A_289, %dma_start3A_290] : memref<2048x1024xf32, #tpu.memory_space<hbm>> -> memref<2048x1024xf32, #tpu.memory_space<hbm>>
        tpu.enqueue_indirect_dma source(%dma_start3A_291 : memref<2048x1024xf32, #tpu.memory_space<hbm>>) target(%arg6 : memref<32x1024xf32, #tpu.memory_space<vmem>>) offsets(%dma_start3A_288 : memref<32xi32, #tpu.memory_space<vmem>>) semaphore(%run_scoped3A_281 : memref<!tpu.dma_semaphore, #tpu.memory_space<semaphore_mem>>)
        %dma_wait3A = arith.constant 0 : i32
        %dma_wait3A_292 = arith.constant 0 : i32
        %dma_wait3A_293 = tpu.memref_slice %run_scoped3A[%rem3A_167, %dma_wait3A, %dma_wait3A_292] : memref<2x1x128xi32, #tpu.memory_space<vmem>> -> memref<1x1x128xi32, #tpu.memory_space<vmem>>
        %dma_wait3A_294 = tpu.memref_squeeze %dma_wait3A_293 : memref<1x1x128xi32, #tpu.memory_space<vmem>> -> memref<1x128xi32, #tpu.memory_space<vmem>>
        %dma_wait3A_295 = arith.constant 32 : i32
        %dma_wait3A_296 = tpu.memref_slice %dma_wait3A_294[%run_scoped3A_172, %dma_wait3A_295] : memref<1x128xi32, #tpu.memory_space<vmem>> -> memref<1x32xi32, #tpu.memory_space<vmem>>
        %dma_wait3A_297 = tpu.memref_squeeze %dma_wait3A_296 : memref<1x32xi32, #tpu.memory_space<vmem>> -> memref<32xi32, #tpu.memory_space<vmem>>
        %dma_wait3A_298 = arith.constant 0 : i32
        %dma_wait3A_299 = arith.constant 0 : i32
        %dma_wait3A_300 = tpu.memref_slice %arg2[%dma_wait3A_298, %dma_wait3A_299] : memref<2048x1024xf32, #tpu.memory_space<hbm>> -> memref<2048x1024xf32, #tpu.memory_space<hbm>>
        tpu.wait_indirect_dma semaphore(%run_scoped3A_281 : memref<!tpu.dma_semaphore, #tpu.memory_space<semaphore_mem>>) src(%dma_wait3A_300 : memref<2048x1024xf32, #tpu.memory_space<hbm>>) dst(%arg6 : memref<32x1024xf32, #tpu.memory_space<vmem>>)
        tpu.yield
      }) : () -> ()
      %run_scoped3A_173 = arith.constant 0 : i32
      "tpu.region"() ({
        %run_scoped3A_281 = tpu.sem_alloc : memref<!tpu.dma_semaphore, #tpu.memory_space<semaphore_mem>>
        %dma_start3A_282 = arith.constant 0 : i32
        %dma_start3A_283 = arith.constant 0 : i32
        %dma_start3A_284 = tpu.memref_slice %run_scoped3A_8[%rem3A_169, %dma_start3A_282, %dma_start3A_283] : memref<2x1x128xi32, #tpu.memory_space<vmem>> -> memref<1x1x128xi32, #tpu.memory_space<vmem>>
        %dma_start3A_285 = tpu.memref_squeeze %dma_start3A_284 : memref<1x1x128xi32, #tpu.memory_space<vmem>> -> memref<1x128xi32, #tpu.memory_space<vmem>>
        %dma_start3A_286 = arith.constant 32 : i32
        %dma_start3A_287 = tpu.memref_slice %dma_start3A_285[%run_scoped3A_173, %dma_start3A_286] : memref<1x128xi32, #tpu.memory_space<vmem>> -> memref<1x32xi32, #tpu.memory_space<vmem>>
        %dma_start3A_288 = tpu.memref_squeeze %dma_start3A_287 : memref<1x32xi32, #tpu.memory_space<vmem>> -> memref<32xi32, #tpu.memory_space<vmem>>
        %dma_start3A_289 = arith.constant 0 : i32
        %dma_start3A_290 = arith.constant 0 : i32
        %dma_start3A_291 = tpu.memref_slice %arg5[%dma_start3A_289, %dma_start3A_290] : memref<6144x1024xf32, #tpu.memory_space<hbm>> -> memref<6144x1024xf32, #tpu.memory_space<hbm>>
        tpu.enqueue_indirect_dma source(%arg6 : memref<32x1024xf32, #tpu.memory_space<vmem>>) target(%dma_start3A_291 : memref<6144x1024xf32, #tpu.memory_space<hbm>>) offsets(%dma_start3A_288 : memref<32xi32, #tpu.memory_space<vmem>>) semaphore(%run_scoped3A_281 : memref<!tpu.dma_semaphore, #tpu.memory_space<semaphore_mem>>)
        %dma_wait3A = arith.constant 0 : i32
        %dma_wait3A_292 = arith.constant 0 : i32
        %dma_wait3A_293 = tpu.memref_slice %run_scoped3A_8[%rem3A_169, %dma_wait3A, %dma_wait3A_292] : memref<2x1x128xi32, #tpu.memory_space<vmem>> -> memref<1x1x128xi32, #tpu.memory_space<vmem>>
        %dma_wait3A_294 = tpu.memref_squeeze %dma_wait3A_293 : memref<1x1x128xi32, #tpu.memory_space<vmem>> -> memref<1x128xi32, #tpu.memory_space<vmem>>
        %dma_wait3A_295 = arith.constant 32 : i32
        %dma_wait3A_296 = tpu.memref_slice %dma_wait3A_294[%run_scoped3A_173, %dma_wait3A_295] : memref<1x128xi32, #tpu.memory_space<vmem>> -> memref<1x32xi32, #tpu.memory_space<vmem>>
        %dma_wait3A_297 = tpu.memref_squeeze %dma_wait3A_296 : memref<1x32xi32, #tpu.memory_space<vmem>> -> memref<32xi32, #tpu.memory_space<vmem>>
        %dma_wait3A_298 = arith.constant 0 : i32
        %dma_wait3A_299 = arith.constant 0 : i32
        %dma_wait3A_300 = tpu.memref_slice %arg5[%dma_wait3A_298, %dma_wait3A_299] : memref<6144x1024xf32, #tpu.memory_space<hbm>> -> memref<6144x1024xf32, #tpu.memory_space<hbm>>
        tpu.wait_indirect_dma semaphore(%run_scoped3A_281 : memref<!tpu.dma_semaphore, #tpu.memory_space<semaphore_mem>>) src(%arg6 : memref<32x1024xf32, #tpu.memory_space<vmem>>) dst(%dma_wait3A_300 : memref<6144x1024xf32, #tpu.memory_space<hbm>>)
        tpu.yield
      }) : () -> ()
      %run_scoped3A_174 = arith.constant 0 : i32
      "tpu.region"() ({
        %run_scoped3A_281 = tpu.sem_alloc : memref<!tpu.dma_semaphore, #tpu.memory_space<semaphore_mem>>
        %dma_start3A_282 = arith.constant 0 : i32
        %dma_start3A_283 = arith.constant 0 : i32
        %dma_start3A_284 = tpu.memref_slice %run_scoped3A[%rem3A_167, %dma_start3A_282, %dma_start3A_283] : memref<2x1x128xi32, #tpu.memory_space<vmem>> -> memref<1x1x128xi32, #tpu.memory_space<vmem>>
        %dma_start3A_285 = tpu.memref_squeeze %dma_start3A_284 : memref<1x1x128xi32, #tpu.memory_space<vmem>> -> memref<1x128xi32, #tpu.memory_space<vmem>>
        %dma_start3A_286 = arith.constant 64 : i32
        %dma_start3A_287 = tpu.memref_slice %dma_start3A_285[%run_scoped3A_174, %dma_start3A_286] : memref<1x128xi32, #tpu.memory_space<vmem>> -> memref<1x32xi32, #tpu.memory_space<vmem>>
        %dma_start3A_288 = tpu.memref_squeeze %dma_start3A_287 : memref<1x32xi32, #tpu.memory_space<vmem>> -> memref<32xi32, #tpu.memory_space<vmem>>
        %dma_start3A_289 = arith.constant 0 : i32
        %dma_start3A_290 = arith.constant 0 : i32
        %dma_start3A_291 = tpu.memref_slice %arg2[%dma_start3A_289, %dma_start3A_290] : memref<2048x1024xf32, #tpu.memory_space<hbm>> -> memref<2048x1024xf32, #tpu.memory_space<hbm>>
        tpu.enqueue_indirect_dma source(%dma_start3A_291 : memref<2048x1024xf32, #tpu.memory_space<hbm>>) target(%arg6 : memref<32x1024xf32, #tpu.memory_space<vmem>>) offsets(%dma_start3A_288 : memref<32xi32, #tpu.memory_space<vmem>>) semaphore(%run_scoped3A_281 : memref<!tpu.dma_semaphore, #tpu.memory_space<semaphore_mem>>)
        %dma_wait3A = arith.constant 0 : i32
        %dma_wait3A_292 = arith.constant 0 : i32
        %dma_wait3A_293 = tpu.memref_slice %run_scoped3A[%rem3A_167, %dma_wait3A, %dma_wait3A_292] : memref<2x1x128xi32, #tpu.memory_space<vmem>> -> memref<1x1x128xi32, #tpu.memory_space<vmem>>
        %dma_wait3A_294 = tpu.memref_squeeze %dma_wait3A_293 : memref<1x1x128xi32, #tpu.memory_space<vmem>> -> memref<1x128xi32, #tpu.memory_space<vmem>>
        %dma_wait3A_295 = arith.constant 64 : i32
        %dma_wait3A_296 = tpu.memref_slice %dma_wait3A_294[%run_scoped3A_174, %dma_wait3A_295] : memref<1x128xi32, #tpu.memory_space<vmem>> -> memref<1x32xi32, #tpu.memory_space<vmem>>
        %dma_wait3A_297 = tpu.memref_squeeze %dma_wait3A_296 : memref<1x32xi32, #tpu.memory_space<vmem>> -> memref<32xi32, #tpu.memory_space<vmem>>
        %dma_wait3A_298 = arith.constant 0 : i32
        %dma_wait3A_299 = arith.constant 0 : i32
        %dma_wait3A_300 = tpu.memref_slice %arg2[%dma_wait3A_298, %dma_wait3A_299] : memref<2048x1024xf32, #tpu.memory_space<hbm>> -> memref<2048x1024xf32, #tpu.memory_space<hbm>>
        tpu.wait_indirect_dma semaphore(%run_scoped3A_281 : memref<!tpu.dma_semaphore, #tpu.memory_space<semaphore_mem>>) src(%dma_wait3A_300 : memref<2048x1024xf32, #tpu.memory_space<hbm>>) dst(%arg6 : memref<32x1024xf32, #tpu.memory_space<vmem>>)
        tpu.yield
      }) : () -> ()
      %run_scoped3A_175 = arith.constant 0 : i32
      "tpu.region"() ({
        %run_scoped3A_281 = tpu.sem_alloc : memref<!tpu.dma_semaphore, #tpu.memory_space<semaphore_mem>>
        %dma_start3A_282 = arith.constant 0 : i32
        %dma_start3A_283 = arith.constant 0 : i32
        %dma_start3A_284 = tpu.memref_slice %run_scoped3A_8[%rem3A_169, %dma_start3A_282, %dma_start3A_283] : memref<2x1x128xi32, #tpu.memory_space<vmem>> -> memref<1x1x128xi32, #tpu.memory_space<vmem>>
        %dma_start3A_285 = tpu.memref_squeeze %dma_start3A_284 : memref<1x1x128xi32, #tpu.memory_space<vmem>> -> memref<1x128xi32, #tpu.memory_space<vmem>>
        %dma_start3A_286 = arith.constant 64 : i32
        %dma_start3A_287 = tpu.memref_slice %dma_start3A_285[%run_scoped3A_175, %dma_start3A_286] : memref<1x128xi32, #tpu.memory_space<vmem>> -> memref<1x32xi32, #tpu.memory_space<vmem>>
        %dma_start3A_288 = tpu.memref_squeeze %dma_start3A_287 : memref<1x32xi32, #tpu.memory_space<vmem>> -> memref<32xi32, #tpu.memory_space<vmem>>
        %dma_start3A_289 = arith.constant 0 : i32
        %dma_start3A_290 = arith.constant 0 : i32
        %dma_start3A_291 = tpu.memref_slice %arg5[%dma_start3A_289, %dma_start3A_290] : memref<6144x1024xf32, #tpu.memory_space<hbm>> -> memref<6144x1024xf32, #tpu.memory_space<hbm>>
        tpu.enqueue_indirect_dma source(%arg6 : memref<32x1024xf32, #tpu.memory_space<vmem>>) target(%dma_start3A_291 : memref<6144x1024xf32, #tpu.memory_space<hbm>>) offsets(%dma_start3A_288 : memref<32xi32, #tpu.memory_space<vmem>>) semaphore(%run_scoped3A_281 : memref<!tpu.dma_semaphore, #tpu.memory_space<semaphore_mem>>)
        %dma_wait3A = arith.constant 0 : i32
        %dma_wait3A_292 = arith.constant 0 : i32
        %dma_wait3A_293 = tpu.memref_slice %run_scoped3A_8[%rem3A_169, %dma_wait3A, %dma_wait3A_292] : memref<2x1x128xi32, #tpu.memory_space<vmem>> -> memref<1x1x128xi32, #tpu.memory_space<vmem>>
        %dma_wait3A_294 = tpu.memref_squeeze %dma_wait3A_293 : memref<1x1x128xi32, #tpu.memory_space<vmem>> -> memref<1x128xi32, #tpu.memory_space<vmem>>
        %dma_wait3A_295 = arith.constant 64 : i32
        %dma_wait3A_296 = tpu.memref_slice %dma_wait3A_294[%run_scoped3A_175, %dma_wait3A_295] : memref<1x128xi32, #tpu.memory_space<vmem>> -> memref<1x32xi32, #tpu.memory_space<vmem>>
        %dma_wait3A_297 = tpu.memref_squeeze %dma_wait3A_296 : memref<1x32xi32, #tpu.memory_space<vmem>> -> memref<32xi32, #tpu.memory_space<vmem>>
        %dma_wait3A_298 = arith.constant 0 : i32
        %dma_wait3A_299 = arith.constant 0 : i32
        %dma_wait3A_300 = tpu.memref_slice %arg5[%dma_wait3A_298, %dma_wait3A_299] : memref<6144x1024xf32, #tpu.memory_space<hbm>> -> memref<6144x1024xf32, #tpu.memory_space<hbm>>
        tpu.wait_indirect_dma semaphore(%run_scoped3A_281 : memref<!tpu.dma_semaphore, #tpu.memory_space<semaphore_mem>>) src(%arg6 : memref<32x1024xf32, #tpu.memory_space<vmem>>) dst(%dma_wait3A_300 : memref<6144x1024xf32, #tpu.memory_space<hbm>>)
        tpu.yield
      }) : () -> ()
      %run_scoped3A_176 = arith.constant 0 : i32
      "tpu.region"() ({
        %run_scoped3A_281 = tpu.sem_alloc : memref<!tpu.dma_semaphore, #tpu.memory_space<semaphore_mem>>
        %dma_start3A_282 = arith.constant 0 : i32
        %dma_start3A_283 = arith.constant 0 : i32
        %dma_start3A_284 = tpu.memref_slice %run_scoped3A[%rem3A_167, %dma_start3A_282, %dma_start3A_283] : memref<2x1x128xi32, #tpu.memory_space<vmem>> -> memref<1x1x128xi32, #tpu.memory_space<vmem>>
        %dma_start3A_285 = tpu.memref_squeeze %dma_start3A_284 : memref<1x1x128xi32, #tpu.memory_space<vmem>> -> memref<1x128xi32, #tpu.memory_space<vmem>>
        %dma_start3A_286 = arith.constant 96 : i32
        %dma_start3A_287 = tpu.memref_slice %dma_start3A_285[%run_scoped3A_176, %dma_start3A_286] : memref<1x128xi32, #tpu.memory_space<vmem>> -> memref<1x32xi32, #tpu.memory_space<vmem>>
        %dma_start3A_288 = tpu.memref_squeeze %dma_start3A_287 : memref<1x32xi32, #tpu.memory_space<vmem>> -> memref<32xi32, #tpu.memory_space<vmem>>
        %dma_start3A_289 = arith.constant 0 : i32
        %dma_start3A_290 = arith.constant 0 : i32
        %dma_start3A_291 = tpu.memref_slice %arg2[%dma_start3A_289, %dma_start3A_290] : memref<2048x1024xf32, #tpu.memory_space<hbm>> -> memref<2048x1024xf32, #tpu.memory_space<hbm>>
        tpu.enqueue_indirect_dma source(%dma_start3A_291 : memref<2048x1024xf32, #tpu.memory_space<hbm>>) target(%arg6 : memref<32x1024xf32, #tpu.memory_space<vmem>>) offsets(%dma_start3A_288 : memref<32xi32, #tpu.memory_space<vmem>>) semaphore(%run_scoped3A_281 : memref<!tpu.dma_semaphore, #tpu.memory_space<semaphore_mem>>)
        %dma_wait3A = arith.constant 0 : i32
        %dma_wait3A_292 = arith.constant 0 : i32
        %dma_wait3A_293 = tpu.memref_slice %run_scoped3A[%rem3A_167, %dma_wait3A, %dma_wait3A_292] : memref<2x1x128xi32, #tpu.memory_space<vmem>> -> memref<1x1x128xi32, #tpu.memory_space<vmem>>
        %dma_wait3A_294 = tpu.memref_squeeze %dma_wait3A_293 : memref<1x1x128xi32, #tpu.memory_space<vmem>> -> memref<1x128xi32, #tpu.memory_space<vmem>>
        %dma_wait3A_295 = arith.constant 96 : i32
        %dma_wait3A_296 = tpu.memref_slice %dma_wait3A_294[%run_scoped3A_176, %dma_wait3A_295] : memref<1x128xi32, #tpu.memory_space<vmem>> -> memref<1x32xi32, #tpu.memory_space<vmem>>
        %dma_wait3A_297 = tpu.memref_squeeze %dma_wait3A_296 : memref<1x32xi32, #tpu.memory_space<vmem>> -> memref<32xi32, #tpu.memory_space<vmem>>
        %dma_wait3A_298 = arith.constant 0 : i32
        %dma_wait3A_299 = arith.constant 0 : i32
        %dma_wait3A_300 = tpu.memref_slice %arg2[%dma_wait3A_298, %dma_wait3A_299] : memref<2048x1024xf32, #tpu.memory_space<hbm>> -> memref<2048x1024xf32, #tpu.memory_space<hbm>>
        tpu.wait_indirect_dma semaphore(%run_scoped3A_281 : memref<!tpu.dma_semaphore, #tpu.memory_space<semaphore_mem>>) src(%dma_wait3A_300 : memref<2048x1024xf32, #tpu.memory_space<hbm>>) dst(%arg6 : memref<32x1024xf32, #tpu.memory_space<vmem>>)
        tpu.yield
      }) : () -> ()
      %run_scoped3A_177 = arith.constant 0 : i32
      "tpu.region"() ({
        %run_scoped3A_281 = tpu.sem_alloc : memref<!tpu.dma_semaphore, #tpu.memory_space<semaphore_mem>>
        %dma_start3A_282 = arith.constant 0 : i32
        %dma_start3A_283 = arith.constant 0 : i32
        %dma_start3A_284 = tpu.memref_slice %run_scoped3A_8[%rem3A_169, %dma_start3A_282, %dma_start3A_283] : memref<2x1x128xi32, #tpu.memory_space<vmem>> -> memref<1x1x128xi32, #tpu.memory_space<vmem>>
        %dma_start3A_285 = tpu.memref_squeeze %dma_start3A_284 : memref<1x1x128xi32, #tpu.memory_space<vmem>> -> memref<1x128xi32, #tpu.memory_space<vmem>>
        %dma_start3A_286 = arith.constant 96 : i32
        %dma_start3A_287 = tpu.memref_slice %dma_start3A_285[%run_scoped3A_177, %dma_start3A_286] : memref<1x128xi32, #tpu.memory_space<vmem>> -> memref<1x32xi32, #tpu.memory_space<vmem>>
        %dma_start3A_288 = tpu.memref_squeeze %dma_start3A_287 : memref<1x32xi32, #tpu.memory_space<vmem>> -> memref<32xi32, #tpu.memory_space<vmem>>
        %dma_start3A_289 = arith.constant 0 : i32
        %dma_start3A_290 = arith.constant 0 : i32
        %dma_start3A_291 = tpu.memref_slice %arg5[%dma_start3A_289, %dma_start3A_290] : memref<6144x1024xf32, #tpu.memory_space<hbm>> -> memref<6144x1024xf32, #tpu.memory_space<hbm>>
        tpu.enqueue_indirect_dma source(%arg6 : memref<32x1024xf32, #tpu.memory_space<vmem>>) target(%dma_start3A_291 : memref<6144x1024xf32, #tpu.memory_space<hbm>>) offsets(%dma_start3A_288 : memref<32xi32, #tpu.memory_space<vmem>>) semaphore(%run_scoped3A_281 : memref<!tpu.dma_semaphore, #tpu.memory_space<semaphore_mem>>)
        %dma_wait3A = arith.constant 0 : i32
        %dma_wait3A_292 = arith.constant 0 : i32
        %dma_wait3A_293 = tpu.memref_slice %run_scoped3A_8[%rem3A_169, %dma_wait3A, %dma_wait3A_292] : memref<2x1x128xi32, #tpu.memory_space<vmem>> -> memref<1x1x128xi32, #tpu.memory_space<vmem>>
        %dma_wait3A_294 = tpu.memref_squeeze %dma_wait3A_293 : memref<1x1x128xi32, #tpu.memory_space<vmem>> -> memref<1x128xi32, #tpu.memory_space<vmem>>
        %dma_wait3A_295 = arith.constant 96 : i32
        %dma_wait3A_296 = tpu.memref_slice %dma_wait3A_294[%run_scoped3A_177, %dma_wait3A_295] : memref<1x128xi32, #tpu.memory_space<vmem>> -> memref<1x32xi32, #tpu.memory_space<vmem>>
        %dma_wait3A_297 = tpu.memref_squeeze %dma_wait3A_296 : memref<1x32xi32, #tpu.memory_space<vmem>> -> memref<32xi32, #tpu.memory_space<vmem>>
        %dma_wait3A_298 = arith.constant 0 : i32
        %dma_wait3A_299 = arith.constant 0 : i32
        %dma_wait3A_300 = tpu.memref_slice %arg5[%dma_wait3A_298, %dma_wait3A_299] : memref<6144x1024xf32, #tpu.memory_space<hbm>> -> memref<6144x1024xf32, #tpu.memory_space<hbm>>
        tpu.wait_indirect_dma semaphore(%run_scoped3A_281 : memref<!tpu.dma_semaphore, #tpu.memory_space<semaphore_mem>>) src(%arg6 : memref<32x1024xf32, #tpu.memory_space<vmem>>) dst(%dma_wait3A_300 : memref<6144x1024xf32, #tpu.memory_space<hbm>>)
        tpu.yield
      }) : () -> ()
      "tpu.trace_stop"() : () -> ()
      %ne3A_178 = arith.cmpi ne, %add3A_96, %add3A_116 : i32
      %or3A_179 = arith.constant false
      %or3A_180 = arith.ori %or3A_179, %ne3A_178 : i1
      %or3A_181 = arith.ori %or3A_180, %eq3A_94 : i1
      %convert_element_type3A_182 = arith.extui %or3A_181 : i1 to i32
      %cond3A_183 = arith.constant 0 : i32
      %cond3A_184 = arith.cmpi ne, %convert_element_type3A_182, %cond3A_183 : i32
      scf.if %cond3A_184 {
      } else {
      }
      %and3A_185 = arith.constant false
      %and3A_186 = arith.andi %or3A_181, %and3A_185 : i1
      %ne3A_187 = arith.cmpi ne, %add3A_96, %add3A_116 : i32
      %or3A_188 = arith.constant false
      %or3A_189 = arith.ori %or3A_188, %ne3A_187 : i1
      %or3A_190 = arith.ori %or3A_189, %eq3A_94 : i1
      %convert_element_type3A_191 = arith.extui %or3A_190 : i1 to i32
      %cond3A_192 = arith.constant 0 : i32
      %cond3A_193 = arith.cmpi ne, %convert_element_type3A_191, %cond3A_192 : i32
      scf.if %cond3A_193 {
      } else {
      }
      %and3A_194 = arith.constant false
      %and3A_195 = arith.andi %or3A_190, %and3A_194 : i1
      %ne3A_196 = arith.cmpi ne, %add3A_96, %add3A_106 : i32
      %or3A_197 = arith.constant false
      %or3A_198 = arith.ori %or3A_197, %ne3A_196 : i1
      %not3A_199 = arith.constant true
      %not3A_200 = arith.xori %eq3A_92, %not3A_199 : i1
      %and3A_201 = arith.andi %or3A_198, %not3A_200 : i1
      %convert_element_type3A_202 = arith.extui %and3A_201 : i1 to i32
      %cond3A_203 = arith.constant 0 : i32
      %cond3A_204 = arith.cmpi ne, %convert_element_type3A_202, %cond3A_203 : i32
      scf.if %cond3A_204 {
      } else {
      }
      %and3A_205 = arith.constant false
      %and3A_206 = arith.andi %and3A_201, %and3A_205 : i1
      %ne3A_207 = arith.cmpi ne, %add3A_96, %add3A_106 : i32
      %or3A_208 = arith.constant false
      %or3A_209 = arith.ori %or3A_208, %ne3A_207 : i1
      %not3A_210 = arith.constant true
      %not3A_211 = arith.xori %eq3A_92, %not3A_210 : i1
      %and3A_212 = arith.andi %or3A_209, %not3A_211 : i1
      %convert_element_type3A_213 = arith.extui %and3A_212 : i1 to i32
      %cond3A_214 = arith.constant 0 : i32
      %cond3A_215 = arith.cmpi ne, %convert_element_type3A_213, %cond3A_214 : i32
      scf.if %cond3A_215 {
      } else {
      }
      %and3A_216 = arith.constant false
      %and3A_217 = arith.andi %and3A_212, %and3A_216 : i1
      %ne3A_218 = arith.cmpi ne, %add3A_96, %add3A_116 : i32
      %or3A_219 = arith.constant false
      %or3A_220 = arith.ori %or3A_219, %ne3A_218 : i1
      %or3A_221 = arith.ori %or3A_220, %eq3A_94 : i1
      %add3A_222 = arith.constant 1 : i32
      %add3A_223 = arith.addi %scan3A, %add3A_222 : i32
      %select_n3A_224 = arith.select %or3A_221, %add3A_223, %scan3A : i32
      %ne3A_225 = arith.cmpi ne, %add3A_96, %add3A_116 : i32
      %or3A_226 = arith.constant false
      %or3A_227 = arith.ori %or3A_226, %ne3A_225 : i1
      %or3A_228 = arith.ori %or3A_227, %eq3A_94 : i1
      %add3A_229 = arith.constant 1 : i32
      %add3A_230 = arith.addi %scan3A_88, %add3A_229 : i32
      %select_n3A_231 = arith.select %or3A_228, %add3A_230, %scan3A_88 : i32
      %select_n3A_232 = arith.constant true
      %select_n3A_233 = arith.constant 0 : i32
      %select_n3A_234 = arith.constant 1 : i32
      %select_n3A_235 = arith.select %select_n3A_232, %select_n3A_234, %select_n3A_233 : i32
      %eq3A_236 = arith.constant 1 : i32
      %eq3A_237 = arith.cmpi eq, %select_n3A_235, %eq3A_236 : i32
      %select_n3A_238 = arith.constant 0 : i32
      %select_n3A_239 = arith.select %eq3A_237, %select_n3A_238, %select_n3A_235 : i32
      %scan3A_240 = arith.constant 0 : i32
      %scan3A_241 = arith.constant 1 : i32
      %sub3A = arith.constant 1 : i32
      %sub3A_242 = arith.subi %scan3A_240, %sub3A : i32
      %select_n3A_243 = arith.constant true
      %select_n3A_244 = arith.select %select_n3A_243, %sub3A_242, %scan3A_240 : i32
      %eq3A_245 = arith.constant -1 : i32
      %eq3A_246 = arith.cmpi eq, %select_n3A_244, %eq3A_245 : i32
      %select_n3A_247 = arith.constant 0 : i32
      %select_n3A_248 = arith.select %eq3A_246, %select_n3A_247, %select_n3A_244 : i32
      %add3A_249 = arith.constant 0 : i32
      %add3A_250 = arith.addi %add3A_249, %mul3A_6 : i32
      %select_n3A_251 = arith.constant true
      %select_n3A_252 = arith.constant 0 : i32
      %select_n3A_253 = arith.constant -1 : i32
      %select_n3A_254 = arith.select %select_n3A_251, %select_n3A_253, %select_n3A_252 : i32
      %eq3A_255 = arith.constant -1 : i32
      %eq3A_256 = arith.cmpi eq, %select_n3A_254, %eq3A_255 : i32
      %select_n3A_257 = arith.constant 0 : i32
      %select_n3A_258 = arith.select %eq3A_256, %select_n3A_257, %select_n3A_254 : i32
      %add3A_259 = arith.constant 0 : i32
      %add3A_260 = arith.addi %add3A_259, %mul3A_6 : i32
      %select_n3A_261 = arith.constant true
      %select_n3A_262 = arith.constant 0 : i32
      %select_n3A_263 = arith.constant 1 : i32
      %select_n3A_264 = arith.select %select_n3A_261, %select_n3A_263, %select_n3A_262 : i32
      %eq3A_265 = arith.constant 1 : i32
      %eq3A_266 = arith.cmpi eq, %select_n3A_264, %eq3A_265 : i32
      %select_n3A_267 = arith.constant 0 : i32
      %select_n3A_268 = arith.select %eq3A_266, %select_n3A_267, %select_n3A_264 : i32
      %add3A_269 = arith.constant 0 : i32
      %add3A_270 = arith.addi %add3A_269, %mul3A_6 : i32
      %select_n3A_271 = arith.constant true
      %select_n3A_272 = arith.constant 0 : i32
      %select_n3A_273 = arith.constant 1 : i32
      %select_n3A_274 = arith.select %select_n3A_271, %select_n3A_273, %select_n3A_272 : i32
      %eq3A_275 = arith.constant 1 : i32
      %eq3A_276 = arith.cmpi eq, %select_n3A_274, %eq3A_275 : i32
      %select_n3A_277 = arith.constant 0 : i32
      %select_n3A_278 = arith.select %eq3A_276, %select_n3A_277, %select_n3A_274 : i32
      %add3A_279 = arith.constant 0 : i32
      %add3A_280 = arith.addi %add3A_279, %mul3A_6 : i32
      tpu.yield
    }) : () -> ()
    return
  }
}

module attributes {stable_mosaic.version = 14 : i64} {
  func.func @_prepare_body(%arg0: i32, %arg1: memref<32x128xi32, #tpu.memory_space<vmem>>, %arg2: memref<32x128xi32, #tpu.memory_space<vmem>>, %arg3: memref<8x128xi32, #tpu.memory_space<vmem>>) attributes {dimension_semantics = [#tpu.dimension_semantics<arbitrary>], iteration_bounds = array<i64: 1>, scalar_prefetch = 0 : i64, scratch_operands = 0 : i64, tpu.core_type = #tpu.core_type<tc>, window_params = [{pipeline_mode = #tpu.pipeline_mode<synchronous>, transform_indices = @transform_0, window_bounds = array<i64: 32, 128>}, {pipeline_mode = #tpu.pipeline_mode<synchronous>, transform_indices = @transform_1, window_bounds = array<i64: 32, 128>}, {pipeline_mode = #tpu.pipeline_mode<synchronous>, transform_indices = @transform_2, window_bounds = array<i64: 8, 128>}]} {
    %get3A = arith.constant 0 : index
    %get3A_0 = arith.constant 0 : index
    %get3A_1 = vector.load %arg1[%get3A, %get3A_0] : memref<32x128xi32, #tpu.memory_space<vmem>>, vector<32x128xi32>
    %iota3A = tpu.iota {dimensions = array<i32: 0>} : vector<128x128xi32>
    %iota3A_2 = tpu.iota {dimensions = array<i32: 1>} : vector<128x128xi32>
    %le3A = arith.cmpi sle, %iota3A, %iota3A_2 : vector<128x128xi32>
    %convert_element_type3A = arith.extui %le3A : vector<128x128xi1> to vector<128x128xi32>
    %convert_element_type3A_3 = arith.sitofp %convert_element_type3A : vector<128x128xi32> to vector<128x128xf32>
    %iota3A_4 = tpu.iota {dimensions = array<i32: 0>} : vector<32x32xi32>
    %iota3A_5 = tpu.iota {dimensions = array<i32: 1>} : vector<32x32xi32>
    %lt3A = arith.cmpi slt, %iota3A_5, %iota3A_4 : vector<32x32xi32>
    %convert_element_type3A_6 = arith.extui %lt3A : vector<32x32xi1> to vector<32x32xi32>
    %convert_element_type3A_7 = arith.sitofp %convert_element_type3A_6 : vector<32x32xi32> to vector<32x32xf32>
    %broadcast_in_dim3A = arith.constant 0.000000e+00 : f32
    %broadcast_in_dim3A_8 = vector.broadcast %broadcast_in_dim3A : f32 to vector<32x128xf32>
    %broadcast_in_dim3A_9 = arith.constant 0.000000e+00 : f32
    %broadcast_in_dim3A_10 = vector.broadcast %broadcast_in_dim3A_9 : f32 to vector<1x1xf32>
    %eq3A = arith.constant 0 : i32
    %eq3A_11 = vector.broadcast %eq3A : i32 to vector<32x128xi32>
    %eq3A_12 = arith.cmpi eq, %get3A_1, %eq3A_11 : vector<32x128xi32>
    %convert_element_type3A_13 = arith.extui %eq3A_12 : vector<32x128xi1> to vector<32x128xi32>
    %convert_element_type3A_14 = arith.sitofp %convert_element_type3A_13 : vector<32x128xi32> to vector<32x128xf32>
    %dot_general3A = arith.constant dense<0.000000e+00> : vector<32x128xf32>
    %dot_general3A_15 = tpu.matmul %convert_element_type3A_14, %convert_element_type3A_3, %dot_general3A {dimension_numbers = #tpu.dot_dimension_numbers<[1], [0], [0], [1], [0, 0, 1, 1], [], []>, transpose_lhs_hint = false} : vector<32x128xf32>, vector<128x128xf32>, vector<32x128xf32> -> vector<32x128xf32>
    %slice3A = vector.extract_strided_slice %dot_general3A_15 {offsets = [0, 127], sizes = [32, 1], strides = [1, 1]} : vector<32x128xf32> to vector<32x1xf32>
    %broadcast_in_dim3A_16 = vector.shape_cast %slice3A : vector<32x1xf32> to vector<32x1xf32>
    %broadcast_in_dim3A_17 = vector.broadcast %broadcast_in_dim3A_16 : vector<32x1xf32> to vector<32x128xf32>
    %dot_general3A_18 = arith.constant dense<0.000000e+00> : vector<32x128xf32>
    %dot_general3A_19 = tpu.matmul %convert_element_type3A_7, %broadcast_in_dim3A_17, %dot_general3A_18 {dimension_numbers = #tpu.dot_dimension_numbers<[1], [0], [0], [1], [0, 0, 1, 1], [], []>, transpose_lhs_hint = false} : vector<32x32xf32>, vector<32x128xf32>, vector<32x128xf32> -> vector<32x128xf32>
    %slice3A_20 = vector.extract_strided_slice %dot_general3A_19 {offsets = [0, 0], sizes = [32, 1], strides = [1, 1]} : vector<32x128xf32> to vector<32x1xf32>
    %add3A = vector.broadcast %slice3A_20 : vector<32x1xf32> to vector<32x128xf32>
    %add3A_21 = arith.addf %dot_general3A_15, %add3A : vector<32x128xf32>
    %slice3A_22 = vector.extract_strided_slice %add3A_21 {offsets = [31, 127], sizes = [1, 1], strides = [1, 1]} : vector<32x128xf32> to vector<1x1xf32>
    %sub3A = arith.constant 1.000000e+00 : f32
    %sub3A_23 = vector.broadcast %sub3A : f32 to vector<32x128xf32>
    %sub3A_24 = arith.subf %add3A_21, %sub3A_23 : vector<32x128xf32>
    %add3A_25 = vector.broadcast %broadcast_in_dim3A_10 : vector<1x1xf32> to vector<32x128xf32>
    %add3A_26 = arith.addf %sub3A_24, %add3A_25 : vector<32x128xf32>
    %mul3A = arith.mulf %convert_element_type3A_14, %add3A_26 : vector<32x128xf32>
    %add3A_27 = arith.addf %broadcast_in_dim3A_8, %mul3A : vector<32x128xf32>
    %div3A = arith.constant 2.560000e+02 : f32
    %div3A_28 = vector.broadcast %div3A : f32 to vector<1x1xf32>
    %div3A_29 = arith.divf %slice3A_22, %div3A_28 : vector<1x1xf32>
    %ceil3A = math.ceil %div3A_29 : vector<1x1xf32>
    %mul3A_30 = arith.constant 2.560000e+02 : f32
    %mul3A_31 = vector.broadcast %mul3A_30 : f32 to vector<1x1xf32>
    %mul3A_32 = arith.mulf %ceil3A, %mul3A_31 : vector<1x1xf32>
    %add3A_33 = arith.addf %broadcast_in_dim3A_10, %mul3A_32 : vector<1x1xf32>
    %eq3A_34 = arith.constant 1 : i32
    %eq3A_35 = vector.broadcast %eq3A_34 : i32 to vector<32x128xi32>
    %eq3A_36 = arith.cmpi eq, %get3A_1, %eq3A_35 : vector<32x128xi32>
    %convert_element_type3A_37 = arith.extui %eq3A_36 : vector<32x128xi1> to vector<32x128xi32>
    %convert_element_type3A_38 = arith.sitofp %convert_element_type3A_37 : vector<32x128xi32> to vector<32x128xf32>
    %dot_general3A_39 = arith.constant dense<0.000000e+00> : vector<32x128xf32>
    %dot_general3A_40 = tpu.matmul %convert_element_type3A_38, %convert_element_type3A_3, %dot_general3A_39 {dimension_numbers = #tpu.dot_dimension_numbers<[1], [0], [0], [1], [0, 0, 1, 1], [], []>, transpose_lhs_hint = false} : vector<32x128xf32>, vector<128x128xf32>, vector<32x128xf32> -> vector<32x128xf32>
    %slice3A_41 = vector.extract_strided_slice %dot_general3A_40 {offsets = [0, 127], sizes = [32, 1], strides = [1, 1]} : vector<32x128xf32> to vector<32x1xf32>
    %broadcast_in_dim3A_42 = vector.shape_cast %slice3A_41 : vector<32x1xf32> to vector<32x1xf32>
    %broadcast_in_dim3A_43 = vector.broadcast %broadcast_in_dim3A_42 : vector<32x1xf32> to vector<32x128xf32>
    %dot_general3A_44 = arith.constant dense<0.000000e+00> : vector<32x128xf32>
    %dot_general3A_45 = tpu.matmul %convert_element_type3A_7, %broadcast_in_dim3A_43, %dot_general3A_44 {dimension_numbers = #tpu.dot_dimension_numbers<[1], [0], [0], [1], [0, 0, 1, 1], [], []>, transpose_lhs_hint = false} : vector<32x32xf32>, vector<32x128xf32>, vector<32x128xf32> -> vector<32x128xf32>
    %slice3A_46 = vector.extract_strided_slice %dot_general3A_45 {offsets = [0, 0], sizes = [32, 1], strides = [1, 1]} : vector<32x128xf32> to vector<32x1xf32>
    %add3A_47 = vector.broadcast %slice3A_46 : vector<32x1xf32> to vector<32x128xf32>
    %add3A_48 = arith.addf %dot_general3A_40, %add3A_47 : vector<32x128xf32>
    %slice3A_49 = vector.extract_strided_slice %add3A_48 {offsets = [31, 127], sizes = [1, 1], strides = [1, 1]} : vector<32x128xf32> to vector<1x1xf32>
    %sub3A_50 = arith.constant 1.000000e+00 : f32
    %sub3A_51 = vector.broadcast %sub3A_50 : f32 to vector<32x128xf32>
    %sub3A_52 = arith.subf %add3A_48, %sub3A_51 : vector<32x128xf32>
    %add3A_53 = vector.broadcast %add3A_33 : vector<1x1xf32> to vector<32x128xf32>
    %add3A_54 = arith.addf %sub3A_52, %add3A_53 : vector<32x128xf32>
    %mul3A_55 = arith.mulf %convert_element_type3A_38, %add3A_54 : vector<32x128xf32>
    %add3A_56 = arith.addf %add3A_27, %mul3A_55 : vector<32x128xf32>
    %div3A_57 = arith.constant 2.560000e+02 : f32
    %div3A_58 = vector.broadcast %div3A_57 : f32 to vector<1x1xf32>
    %div3A_59 = arith.divf %slice3A_49, %div3A_58 : vector<1x1xf32>
    %ceil3A_60 = math.ceil %div3A_59 : vector<1x1xf32>
    %mul3A_61 = arith.constant 2.560000e+02 : f32
    %mul3A_62 = vector.broadcast %mul3A_61 : f32 to vector<1x1xf32>
    %mul3A_63 = arith.mulf %ceil3A_60, %mul3A_62 : vector<1x1xf32>
    %add3A_64 = arith.addf %add3A_33, %mul3A_63 : vector<1x1xf32>
    %eq3A_65 = arith.constant 2 : i32
    %eq3A_66 = vector.broadcast %eq3A_65 : i32 to vector<32x128xi32>
    %eq3A_67 = arith.cmpi eq, %get3A_1, %eq3A_66 : vector<32x128xi32>
    %convert_element_type3A_68 = arith.extui %eq3A_67 : vector<32x128xi1> to vector<32x128xi32>
    %convert_element_type3A_69 = arith.sitofp %convert_element_type3A_68 : vector<32x128xi32> to vector<32x128xf32>
    %dot_general3A_70 = arith.constant dense<0.000000e+00> : vector<32x128xf32>
    %dot_general3A_71 = tpu.matmul %convert_element_type3A_69, %convert_element_type3A_3, %dot_general3A_70 {dimension_numbers = #tpu.dot_dimension_numbers<[1], [0], [0], [1], [0, 0, 1, 1], [], []>, transpose_lhs_hint = false} : vector<32x128xf32>, vector<128x128xf32>, vector<32x128xf32> -> vector<32x128xf32>
    %slice3A_72 = vector.extract_strided_slice %dot_general3A_71 {offsets = [0, 127], sizes = [32, 1], strides = [1, 1]} : vector<32x128xf32> to vector<32x1xf32>
    %broadcast_in_dim3A_73 = vector.shape_cast %slice3A_72 : vector<32x1xf32> to vector<32x1xf32>
    %broadcast_in_dim3A_74 = vector.broadcast %broadcast_in_dim3A_73 : vector<32x1xf32> to vector<32x128xf32>
    %dot_general3A_75 = arith.constant dense<0.000000e+00> : vector<32x128xf32>
    %dot_general3A_76 = tpu.matmul %convert_element_type3A_7, %broadcast_in_dim3A_74, %dot_general3A_75 {dimension_numbers = #tpu.dot_dimension_numbers<[1], [0], [0], [1], [0, 0, 1, 1], [], []>, transpose_lhs_hint = false} : vector<32x32xf32>, vector<32x128xf32>, vector<32x128xf32> -> vector<32x128xf32>
    %slice3A_77 = vector.extract_strided_slice %dot_general3A_76 {offsets = [0, 0], sizes = [32, 1], strides = [1, 1]} : vector<32x128xf32> to vector<32x1xf32>
    %add3A_78 = vector.broadcast %slice3A_77 : vector<32x1xf32> to vector<32x128xf32>
    %add3A_79 = arith.addf %dot_general3A_71, %add3A_78 : vector<32x128xf32>
    %slice3A_80 = vector.extract_strided_slice %add3A_79 {offsets = [31, 127], sizes = [1, 1], strides = [1, 1]} : vector<32x128xf32> to vector<1x1xf32>
    %sub3A_81 = arith.constant 1.000000e+00 : f32
    %sub3A_82 = vector.broadcast %sub3A_81 : f32 to vector<32x128xf32>
    %sub3A_83 = arith.subf %add3A_79, %sub3A_82 : vector<32x128xf32>
    %add3A_84 = vector.broadcast %add3A_64 : vector<1x1xf32> to vector<32x128xf32>
    %add3A_85 = arith.addf %sub3A_83, %add3A_84 : vector<32x128xf32>
    %mul3A_86 = arith.mulf %convert_element_type3A_69, %add3A_85 : vector<32x128xf32>
    %add3A_87 = arith.addf %add3A_56, %mul3A_86 : vector<32x128xf32>
    %div3A_88 = arith.constant 2.560000e+02 : f32
    %div3A_89 = vector.broadcast %div3A_88 : f32 to vector<1x1xf32>
    %div3A_90 = arith.divf %slice3A_80, %div3A_89 : vector<1x1xf32>
    %ceil3A_91 = math.ceil %div3A_90 : vector<1x1xf32>
    %mul3A_92 = arith.constant 2.560000e+02 : f32
    %mul3A_93 = vector.broadcast %mul3A_92 : f32 to vector<1x1xf32>
    %mul3A_94 = arith.mulf %ceil3A_91, %mul3A_93 : vector<1x1xf32>
    %add3A_95 = arith.addf %add3A_64, %mul3A_94 : vector<1x1xf32>
    %eq3A_96 = arith.constant 3 : i32
    %eq3A_97 = vector.broadcast %eq3A_96 : i32 to vector<32x128xi32>
    %eq3A_98 = arith.cmpi eq, %get3A_1, %eq3A_97 : vector<32x128xi32>
    %convert_element_type3A_99 = arith.extui %eq3A_98 : vector<32x128xi1> to vector<32x128xi32>
    %convert_element_type3A_100 = arith.sitofp %convert_element_type3A_99 : vector<32x128xi32> to vector<32x128xf32>
    %dot_general3A_101 = arith.constant dense<0.000000e+00> : vector<32x128xf32>
    %dot_general3A_102 = tpu.matmul %convert_element_type3A_100, %convert_element_type3A_3, %dot_general3A_101 {dimension_numbers = #tpu.dot_dimension_numbers<[1], [0], [0], [1], [0, 0, 1, 1], [], []>, transpose_lhs_hint = false} : vector<32x128xf32>, vector<128x128xf32>, vector<32x128xf32> -> vector<32x128xf32>
    %slice3A_103 = vector.extract_strided_slice %dot_general3A_102 {offsets = [0, 127], sizes = [32, 1], strides = [1, 1]} : vector<32x128xf32> to vector<32x1xf32>
    %broadcast_in_dim3A_104 = vector.shape_cast %slice3A_103 : vector<32x1xf32> to vector<32x1xf32>
    %broadcast_in_dim3A_105 = vector.broadcast %broadcast_in_dim3A_104 : vector<32x1xf32> to vector<32x128xf32>
    %dot_general3A_106 = arith.constant dense<0.000000e+00> : vector<32x128xf32>
    %dot_general3A_107 = tpu.matmul %convert_element_type3A_7, %broadcast_in_dim3A_105, %dot_general3A_106 {dimension_numbers = #tpu.dot_dimension_numbers<[1], [0], [0], [1], [0, 0, 1, 1], [], []>, transpose_lhs_hint = false} : vector<32x32xf32>, vector<32x128xf32>, vector<32x128xf32> -> vector<32x128xf32>
    %slice3A_108 = vector.extract_strided_slice %dot_general3A_107 {offsets = [0, 0], sizes = [32, 1], strides = [1, 1]} : vector<32x128xf32> to vector<32x1xf32>
    %add3A_109 = vector.broadcast %slice3A_108 : vector<32x1xf32> to vector<32x128xf32>
    %add3A_110 = arith.addf %dot_general3A_102, %add3A_109 : vector<32x128xf32>
    %slice3A_111 = vector.extract_strided_slice %add3A_110 {offsets = [31, 127], sizes = [1, 1], strides = [1, 1]} : vector<32x128xf32> to vector<1x1xf32>
    %sub3A_112 = arith.constant 1.000000e+00 : f32
    %sub3A_113 = vector.broadcast %sub3A_112 : f32 to vector<32x128xf32>
    %sub3A_114 = arith.subf %add3A_110, %sub3A_113 : vector<32x128xf32>
    %add3A_115 = vector.broadcast %add3A_95 : vector<1x1xf32> to vector<32x128xf32>
    %add3A_116 = arith.addf %sub3A_114, %add3A_115 : vector<32x128xf32>
    %mul3A_117 = arith.mulf %convert_element_type3A_100, %add3A_116 : vector<32x128xf32>
    %add3A_118 = arith.addf %add3A_87, %mul3A_117 : vector<32x128xf32>
    %div3A_119 = arith.constant 2.560000e+02 : f32
    %div3A_120 = vector.broadcast %div3A_119 : f32 to vector<1x1xf32>
    %div3A_121 = arith.divf %slice3A_111, %div3A_120 : vector<1x1xf32>
    %ceil3A_122 = math.ceil %div3A_121 : vector<1x1xf32>
    %mul3A_123 = arith.constant 2.560000e+02 : f32
    %mul3A_124 = vector.broadcast %mul3A_123 : f32 to vector<1x1xf32>
    %mul3A_125 = arith.mulf %ceil3A_122, %mul3A_124 : vector<1x1xf32>
    %add3A_126 = arith.addf %add3A_95, %mul3A_125 : vector<1x1xf32>
    %eq3A_127 = arith.constant 4 : i32
    %eq3A_128 = vector.broadcast %eq3A_127 : i32 to vector<32x128xi32>
    %eq3A_129 = arith.cmpi eq, %get3A_1, %eq3A_128 : vector<32x128xi32>
    %convert_element_type3A_130 = arith.extui %eq3A_129 : vector<32x128xi1> to vector<32x128xi32>
    %convert_element_type3A_131 = arith.sitofp %convert_element_type3A_130 : vector<32x128xi32> to vector<32x128xf32>
    %dot_general3A_132 = arith.constant dense<0.000000e+00> : vector<32x128xf32>
    %dot_general3A_133 = tpu.matmul %convert_element_type3A_131, %convert_element_type3A_3, %dot_general3A_132 {dimension_numbers = #tpu.dot_dimension_numbers<[1], [0], [0], [1], [0, 0, 1, 1], [], []>, transpose_lhs_hint = false} : vector<32x128xf32>, vector<128x128xf32>, vector<32x128xf32> -> vector<32x128xf32>
    %slice3A_134 = vector.extract_strided_slice %dot_general3A_133 {offsets = [0, 127], sizes = [32, 1], strides = [1, 1]} : vector<32x128xf32> to vector<32x1xf32>
    %broadcast_in_dim3A_135 = vector.shape_cast %slice3A_134 : vector<32x1xf32> to vector<32x1xf32>
    %broadcast_in_dim3A_136 = vector.broadcast %broadcast_in_dim3A_135 : vector<32x1xf32> to vector<32x128xf32>
    %dot_general3A_137 = arith.constant dense<0.000000e+00> : vector<32x128xf32>
    %dot_general3A_138 = tpu.matmul %convert_element_type3A_7, %broadcast_in_dim3A_136, %dot_general3A_137 {dimension_numbers = #tpu.dot_dimension_numbers<[1], [0], [0], [1], [0, 0, 1, 1], [], []>, transpose_lhs_hint = false} : vector<32x32xf32>, vector<32x128xf32>, vector<32x128xf32> -> vector<32x128xf32>
    %slice3A_139 = vector.extract_strided_slice %dot_general3A_138 {offsets = [0, 0], sizes = [32, 1], strides = [1, 1]} : vector<32x128xf32> to vector<32x1xf32>
    %add3A_140 = vector.broadcast %slice3A_139 : vector<32x1xf32> to vector<32x128xf32>
    %add3A_141 = arith.addf %dot_general3A_133, %add3A_140 : vector<32x128xf32>
    %slice3A_142 = vector.extract_strided_slice %add3A_141 {offsets = [31, 127], sizes = [1, 1], strides = [1, 1]} : vector<32x128xf32> to vector<1x1xf32>
    %sub3A_143 = arith.constant 1.000000e+00 : f32
    %sub3A_144 = vector.broadcast %sub3A_143 : f32 to vector<32x128xf32>
    %sub3A_145 = arith.subf %add3A_141, %sub3A_144 : vector<32x128xf32>
    %add3A_146 = vector.broadcast %add3A_126 : vector<1x1xf32> to vector<32x128xf32>
    %add3A_147 = arith.addf %sub3A_145, %add3A_146 : vector<32x128xf32>
    %mul3A_148 = arith.mulf %convert_element_type3A_131, %add3A_147 : vector<32x128xf32>
    %add3A_149 = arith.addf %add3A_118, %mul3A_148 : vector<32x128xf32>
    %div3A_150 = arith.constant 2.560000e+02 : f32
    %div3A_151 = vector.broadcast %div3A_150 : f32 to vector<1x1xf32>
    %div3A_152 = arith.divf %slice3A_142, %div3A_151 : vector<1x1xf32>
    %ceil3A_153 = math.ceil %div3A_152 : vector<1x1xf32>
    %mul3A_154 = arith.constant 2.560000e+02 : f32
    %mul3A_155 = vector.broadcast %mul3A_154 : f32 to vector<1x1xf32>
    %mul3A_156 = arith.mulf %ceil3A_153, %mul3A_155 : vector<1x1xf32>
    %add3A_157 = arith.addf %add3A_126, %mul3A_156 : vector<1x1xf32>
    %eq3A_158 = arith.constant 5 : i32
    %eq3A_159 = vector.broadcast %eq3A_158 : i32 to vector<32x128xi32>
    %eq3A_160 = arith.cmpi eq, %get3A_1, %eq3A_159 : vector<32x128xi32>
    %convert_element_type3A_161 = arith.extui %eq3A_160 : vector<32x128xi1> to vector<32x128xi32>
    %convert_element_type3A_162 = arith.sitofp %convert_element_type3A_161 : vector<32x128xi32> to vector<32x128xf32>
    %dot_general3A_163 = arith.constant dense<0.000000e+00> : vector<32x128xf32>
    %dot_general3A_164 = tpu.matmul %convert_element_type3A_162, %convert_element_type3A_3, %dot_general3A_163 {dimension_numbers = #tpu.dot_dimension_numbers<[1], [0], [0], [1], [0, 0, 1, 1], [], []>, transpose_lhs_hint = false} : vector<32x128xf32>, vector<128x128xf32>, vector<32x128xf32> -> vector<32x128xf32>
    %slice3A_165 = vector.extract_strided_slice %dot_general3A_164 {offsets = [0, 127], sizes = [32, 1], strides = [1, 1]} : vector<32x128xf32> to vector<32x1xf32>
    %broadcast_in_dim3A_166 = vector.shape_cast %slice3A_165 : vector<32x1xf32> to vector<32x1xf32>
    %broadcast_in_dim3A_167 = vector.broadcast %broadcast_in_dim3A_166 : vector<32x1xf32> to vector<32x128xf32>
    %dot_general3A_168 = arith.constant dense<0.000000e+00> : vector<32x128xf32>
    %dot_general3A_169 = tpu.matmul %convert_element_type3A_7, %broadcast_in_dim3A_167, %dot_general3A_168 {dimension_numbers = #tpu.dot_dimension_numbers<[1], [0], [0], [1], [0, 0, 1, 1], [], []>, transpose_lhs_hint = false} : vector<32x32xf32>, vector<32x128xf32>, vector<32x128xf32> -> vector<32x128xf32>
    %slice3A_170 = vector.extract_strided_slice %dot_general3A_169 {offsets = [0, 0], sizes = [32, 1], strides = [1, 1]} : vector<32x128xf32> to vector<32x1xf32>
    %add3A_171 = vector.broadcast %slice3A_170 : vector<32x1xf32> to vector<32x128xf32>
    %add3A_172 = arith.addf %dot_general3A_164, %add3A_171 : vector<32x128xf32>
    %slice3A_173 = vector.extract_strided_slice %add3A_172 {offsets = [31, 127], sizes = [1, 1], strides = [1, 1]} : vector<32x128xf32> to vector<1x1xf32>
    %sub3A_174 = arith.constant 1.000000e+00 : f32
    %sub3A_175 = vector.broadcast %sub3A_174 : f32 to vector<32x128xf32>
    %sub3A_176 = arith.subf %add3A_172, %sub3A_175 : vector<32x128xf32>
    %add3A_177 = vector.broadcast %add3A_157 : vector<1x1xf32> to vector<32x128xf32>
    %add3A_178 = arith.addf %sub3A_176, %add3A_177 : vector<32x128xf32>
    %mul3A_179 = arith.mulf %convert_element_type3A_162, %add3A_178 : vector<32x128xf32>
    %add3A_180 = arith.addf %add3A_149, %mul3A_179 : vector<32x128xf32>
    %div3A_181 = arith.constant 2.560000e+02 : f32
    %div3A_182 = vector.broadcast %div3A_181 : f32 to vector<1x1xf32>
    %div3A_183 = arith.divf %slice3A_173, %div3A_182 : vector<1x1xf32>
    %ceil3A_184 = math.ceil %div3A_183 : vector<1x1xf32>
    %mul3A_185 = arith.constant 2.560000e+02 : f32
    %mul3A_186 = vector.broadcast %mul3A_185 : f32 to vector<1x1xf32>
    %mul3A_187 = arith.mulf %ceil3A_184, %mul3A_186 : vector<1x1xf32>
    %add3A_188 = arith.addf %add3A_157, %mul3A_187 : vector<1x1xf32>
    %eq3A_189 = arith.constant 6 : i32
    %eq3A_190 = vector.broadcast %eq3A_189 : i32 to vector<32x128xi32>
    %eq3A_191 = arith.cmpi eq, %get3A_1, %eq3A_190 : vector<32x128xi32>
    %convert_element_type3A_192 = arith.extui %eq3A_191 : vector<32x128xi1> to vector<32x128xi32>
    %convert_element_type3A_193 = arith.sitofp %convert_element_type3A_192 : vector<32x128xi32> to vector<32x128xf32>
    %dot_general3A_194 = arith.constant dense<0.000000e+00> : vector<32x128xf32>
    %dot_general3A_195 = tpu.matmul %convert_element_type3A_193, %convert_element_type3A_3, %dot_general3A_194 {dimension_numbers = #tpu.dot_dimension_numbers<[1], [0], [0], [1], [0, 0, 1, 1], [], []>, transpose_lhs_hint = false} : vector<32x128xf32>, vector<128x128xf32>, vector<32x128xf32> -> vector<32x128xf32>
    %slice3A_196 = vector.extract_strided_slice %dot_general3A_195 {offsets = [0, 127], sizes = [32, 1], strides = [1, 1]} : vector<32x128xf32> to vector<32x1xf32>
    %broadcast_in_dim3A_197 = vector.shape_cast %slice3A_196 : vector<32x1xf32> to vector<32x1xf32>
    %broadcast_in_dim3A_198 = vector.broadcast %broadcast_in_dim3A_197 : vector<32x1xf32> to vector<32x128xf32>
    %dot_general3A_199 = arith.constant dense<0.000000e+00> : vector<32x128xf32>
    %dot_general3A_200 = tpu.matmul %convert_element_type3A_7, %broadcast_in_dim3A_198, %dot_general3A_199 {dimension_numbers = #tpu.dot_dimension_numbers<[1], [0], [0], [1], [0, 0, 1, 1], [], []>, transpose_lhs_hint = false} : vector<32x32xf32>, vector<32x128xf32>, vector<32x128xf32> -> vector<32x128xf32>
    %slice3A_201 = vector.extract_strided_slice %dot_general3A_200 {offsets = [0, 0], sizes = [32, 1], strides = [1, 1]} : vector<32x128xf32> to vector<32x1xf32>
    %add3A_202 = vector.broadcast %slice3A_201 : vector<32x1xf32> to vector<32x128xf32>
    %add3A_203 = arith.addf %dot_general3A_195, %add3A_202 : vector<32x128xf32>
    %slice3A_204 = vector.extract_strided_slice %add3A_203 {offsets = [31, 127], sizes = [1, 1], strides = [1, 1]} : vector<32x128xf32> to vector<1x1xf32>
    %sub3A_205 = arith.constant 1.000000e+00 : f32
    %sub3A_206 = vector.broadcast %sub3A_205 : f32 to vector<32x128xf32>
    %sub3A_207 = arith.subf %add3A_203, %sub3A_206 : vector<32x128xf32>
    %add3A_208 = vector.broadcast %add3A_188 : vector<1x1xf32> to vector<32x128xf32>
    %add3A_209 = arith.addf %sub3A_207, %add3A_208 : vector<32x128xf32>
    %mul3A_210 = arith.mulf %convert_element_type3A_193, %add3A_209 : vector<32x128xf32>
    %add3A_211 = arith.addf %add3A_180, %mul3A_210 : vector<32x128xf32>
    %div3A_212 = arith.constant 2.560000e+02 : f32
    %div3A_213 = vector.broadcast %div3A_212 : f32 to vector<1x1xf32>
    %div3A_214 = arith.divf %slice3A_204, %div3A_213 : vector<1x1xf32>
    %ceil3A_215 = math.ceil %div3A_214 : vector<1x1xf32>
    %mul3A_216 = arith.constant 2.560000e+02 : f32
    %mul3A_217 = vector.broadcast %mul3A_216 : f32 to vector<1x1xf32>
    %mul3A_218 = arith.mulf %ceil3A_215, %mul3A_217 : vector<1x1xf32>
    %add3A_219 = arith.addf %add3A_188, %mul3A_218 : vector<1x1xf32>
    %eq3A_220 = arith.constant 7 : i32
    %eq3A_221 = vector.broadcast %eq3A_220 : i32 to vector<32x128xi32>
    %eq3A_222 = arith.cmpi eq, %get3A_1, %eq3A_221 : vector<32x128xi32>
    %convert_element_type3A_223 = arith.extui %eq3A_222 : vector<32x128xi1> to vector<32x128xi32>
    %convert_element_type3A_224 = arith.sitofp %convert_element_type3A_223 : vector<32x128xi32> to vector<32x128xf32>
    %dot_general3A_225 = arith.constant dense<0.000000e+00> : vector<32x128xf32>
    %dot_general3A_226 = tpu.matmul %convert_element_type3A_224, %convert_element_type3A_3, %dot_general3A_225 {dimension_numbers = #tpu.dot_dimension_numbers<[1], [0], [0], [1], [0, 0, 1, 1], [], []>, transpose_lhs_hint = false} : vector<32x128xf32>, vector<128x128xf32>, vector<32x128xf32> -> vector<32x128xf32>
    %slice3A_227 = vector.extract_strided_slice %dot_general3A_226 {offsets = [0, 127], sizes = [32, 1], strides = [1, 1]} : vector<32x128xf32> to vector<32x1xf32>
    %broadcast_in_dim3A_228 = vector.shape_cast %slice3A_227 : vector<32x1xf32> to vector<32x1xf32>
    %broadcast_in_dim3A_229 = vector.broadcast %broadcast_in_dim3A_228 : vector<32x1xf32> to vector<32x128xf32>
    %dot_general3A_230 = arith.constant dense<0.000000e+00> : vector<32x128xf32>
    %dot_general3A_231 = tpu.matmul %convert_element_type3A_7, %broadcast_in_dim3A_229, %dot_general3A_230 {dimension_numbers = #tpu.dot_dimension_numbers<[1], [0], [0], [1], [0, 0, 1, 1], [], []>, transpose_lhs_hint = false} : vector<32x32xf32>, vector<32x128xf32>, vector<32x128xf32> -> vector<32x128xf32>
    %slice3A_232 = vector.extract_strided_slice %dot_general3A_231 {offsets = [0, 0], sizes = [32, 1], strides = [1, 1]} : vector<32x128xf32> to vector<32x1xf32>
    %add3A_233 = vector.broadcast %slice3A_232 : vector<32x1xf32> to vector<32x128xf32>
    %add3A_234 = arith.addf %dot_general3A_226, %add3A_233 : vector<32x128xf32>
    %slice3A_235 = vector.extract_strided_slice %add3A_234 {offsets = [31, 127], sizes = [1, 1], strides = [1, 1]} : vector<32x128xf32> to vector<1x1xf32>
    %sub3A_236 = arith.constant 1.000000e+00 : f32
    %sub3A_237 = vector.broadcast %sub3A_236 : f32 to vector<32x128xf32>
    %sub3A_238 = arith.subf %add3A_234, %sub3A_237 : vector<32x128xf32>
    %add3A_239 = vector.broadcast %add3A_219 : vector<1x1xf32> to vector<32x128xf32>
    %add3A_240 = arith.addf %sub3A_238, %add3A_239 : vector<32x128xf32>
    %mul3A_241 = arith.mulf %convert_element_type3A_224, %add3A_240 : vector<32x128xf32>
    %add3A_242 = arith.addf %add3A_211, %mul3A_241 : vector<32x128xf32>
    %div3A_243 = arith.constant 2.560000e+02 : f32
    %div3A_244 = vector.broadcast %div3A_243 : f32 to vector<1x1xf32>
    %div3A_245 = arith.divf %slice3A_235, %div3A_244 : vector<1x1xf32>
    %ceil3A_246 = math.ceil %div3A_245 : vector<1x1xf32>
    %mul3A_247 = arith.constant 2.560000e+02 : f32
    %mul3A_248 = vector.broadcast %mul3A_247 : f32 to vector<1x1xf32>
    %mul3A_249 = arith.mulf %ceil3A_246, %mul3A_248 : vector<1x1xf32>
    %add3A_250 = arith.addf %add3A_219, %mul3A_249 : vector<1x1xf32>
    %convert_element_type3A_251 = arith.fptosi %add3A_242 : vector<32x128xf32> to vector<32x128xi32>
    %swap3A = arith.constant 0 : index
    %swap3A_252 = arith.constant 0 : index
    %swap3A_253 = vector.load %arg2[%swap3A, %swap3A_252] : memref<32x128xi32, #tpu.memory_space<vmem>>, vector<32x128xi32>
    tpu.vector_store %arg2[%swap3A, %swap3A_252], %convert_element_type3A_251 {strides = array<i32>} : memref<32x128xi32, #tpu.memory_space<vmem>>, vector<32x128xi32>,
    %iota3A_254 = tpu.iota {dimensions = array<i32: 1>} : vector<1x128xi32>
    %mul3A_255 = arith.constant 256 : i32
    %mul3A_256 = vector.broadcast %mul3A_255 : i32 to vector<1x128xi32>
    %mul3A_257 = arith.muli %iota3A_254, %mul3A_256 : vector<1x128xi32>
    %convert_element_type3A_258 = arith.sitofp %mul3A_257 : vector<1x128xi32> to vector<1x128xf32>
    %broadcast_in_dim3A_259 = arith.constant 0.000000e+00 : f32
    %broadcast_in_dim3A_260 = vector.broadcast %broadcast_in_dim3A_259 : f32 to vector<1x128xf32>
    %broadcast_in_dim3A_261 = arith.constant 0.000000e+00 : f32
    %broadcast_in_dim3A_262 = vector.broadcast %broadcast_in_dim3A_261 : f32 to vector<1x1xf32>
    %ge3A = vector.broadcast %add3A_33 : vector<1x1xf32> to vector<1x128xf32>
    %ge3A_263 = arith.cmpf oge, %convert_element_type3A_258, %ge3A : vector<1x128xf32>
    %convert_element_type3A_264 = arith.extui %ge3A_263 : vector<1x128xi1> to vector<1x128xi32>
    %convert_element_type3A_265 = arith.sitofp %convert_element_type3A_264 : vector<1x128xi32> to vector<1x128xf32>
    %add3A_266 = arith.addf %broadcast_in_dim3A_260, %convert_element_type3A_265 : vector<1x128xf32>
    %lt3A_267 = arith.cmpf olt, %add3A_33, %add3A_250 : vector<1x1xf32>
    %convert_element_type3A_268 = arith.extui %lt3A_267 : vector<1x1xi1> to vector<1x1xi32>
    %convert_element_type3A_269 = arith.sitofp %convert_element_type3A_268 : vector<1x1xi32> to vector<1x1xf32>
    %add3A_270 = arith.addf %broadcast_in_dim3A_262, %convert_element_type3A_269 : vector<1x1xf32>
    %ge3A_271 = vector.broadcast %add3A_64 : vector<1x1xf32> to vector<1x128xf32>
    %ge3A_272 = arith.cmpf oge, %convert_element_type3A_258, %ge3A_271 : vector<1x128xf32>
    %convert_element_type3A_273 = arith.extui %ge3A_272 : vector<1x128xi1> to vector<1x128xi32>
    %convert_element_type3A_274 = arith.sitofp %convert_element_type3A_273 : vector<1x128xi32> to vector<1x128xf32>
    %add3A_275 = arith.addf %add3A_266, %convert_element_type3A_274 : vector<1x128xf32>
    %lt3A_276 = arith.cmpf olt, %add3A_64, %add3A_250 : vector<1x1xf32>
    %convert_element_type3A_277 = arith.extui %lt3A_276 : vector<1x1xi1> to vector<1x1xi32>
    %convert_element_type3A_278 = arith.sitofp %convert_element_type3A_277 : vector<1x1xi32> to vector<1x1xf32>
    %add3A_279 = arith.addf %add3A_270, %convert_element_type3A_278 : vector<1x1xf32>
    %ge3A_280 = vector.broadcast %add3A_95 : vector<1x1xf32> to vector<1x128xf32>
    %ge3A_281 = arith.cmpf oge, %convert_element_type3A_258, %ge3A_280 : vector<1x128xf32>
    %convert_element_type3A_282 = arith.extui %ge3A_281 : vector<1x128xi1> to vector<1x128xi32>
    %convert_element_type3A_283 = arith.sitofp %convert_element_type3A_282 : vector<1x128xi32> to vector<1x128xf32>
    %add3A_284 = arith.addf %add3A_275, %convert_element_type3A_283 : vector<1x128xf32>
    %lt3A_285 = arith.cmpf olt, %add3A_95, %add3A_250 : vector<1x1xf32>
    %convert_element_type3A_286 = arith.extui %lt3A_285 : vector<1x1xi1> to vector<1x1xi32>
    %convert_element_type3A_287 = arith.sitofp %convert_element_type3A_286 : vector<1x1xi32> to vector<1x1xf32>
    %add3A_288 = arith.addf %add3A_279, %convert_element_type3A_287 : vector<1x1xf32>
    %ge3A_289 = vector.broadcast %add3A_126 : vector<1x1xf32> to vector<1x128xf32>
    %ge3A_290 = arith.cmpf oge, %convert_element_type3A_258, %ge3A_289 : vector<1x128xf32>
    %convert_element_type3A_291 = arith.extui %ge3A_290 : vector<1x128xi1> to vector<1x128xi32>
    %convert_element_type3A_292 = arith.sitofp %convert_element_type3A_291 : vector<1x128xi32> to vector<1x128xf32>
    %add3A_293 = arith.addf %add3A_284, %convert_element_type3A_292 : vector<1x128xf32>
    %lt3A_294 = arith.cmpf olt, %add3A_126, %add3A_250 : vector<1x1xf32>
    %convert_element_type3A_295 = arith.extui %lt3A_294 : vector<1x1xi1> to vector<1x1xi32>
    %convert_element_type3A_296 = arith.sitofp %convert_element_type3A_295 : vector<1x1xi32> to vector<1x1xf32>
    %add3A_297 = arith.addf %add3A_288, %convert_element_type3A_296 : vector<1x1xf32>
    %ge3A_298 = vector.broadcast %add3A_157 : vector<1x1xf32> to vector<1x128xf32>
    %ge3A_299 = arith.cmpf oge, %convert_element_type3A_258, %ge3A_298 : vector<1x128xf32>
    %convert_element_type3A_300 = arith.extui %ge3A_299 : vector<1x128xi1> to vector<1x128xi32>
    %convert_element_type3A_301 = arith.sitofp %convert_element_type3A_300 : vector<1x128xi32> to vector<1x128xf32>
    %add3A_302 = arith.addf %add3A_293, %convert_element_type3A_301 : vector<1x128xf32>
    %lt3A_303 = arith.cmpf olt, %add3A_157, %add3A_250 : vector<1x1xf32>
    %convert_element_type3A_304 = arith.extui %lt3A_303 : vector<1x1xi1> to vector<1x1xi32>
    %convert_element_type3A_305 = arith.sitofp %convert_element_type3A_304 : vector<1x1xi32> to vector<1x1xf32>
    %add3A_306 = arith.addf %add3A_297, %convert_element_type3A_305 : vector<1x1xf32>
    %ge3A_307 = vector.broadcast %add3A_188 : vector<1x1xf32> to vector<1x128xf32>
    %ge3A_308 = arith.cmpf oge, %convert_element_type3A_258, %ge3A_307 : vector<1x128xf32>
    %convert_element_type3A_309 = arith.extui %ge3A_308 : vector<1x128xi1> to vector<1x128xi32>
    %convert_element_type3A_310 = arith.sitofp %convert_element_type3A_309 : vector<1x128xi32> to vector<1x128xf32>
    %add3A_311 = arith.addf %add3A_302, %convert_element_type3A_310 : vector<1x128xf32>
    %lt3A_312 = arith.cmpf olt, %add3A_188, %add3A_250 : vector<1x1xf32>
    %convert_element_type3A_313 = arith.extui %lt3A_312 : vector<1x1xi1> to vector<1x1xi32>
    %convert_element_type3A_314 = arith.sitofp %convert_element_type3A_313 : vector<1x1xi32> to vector<1x1xf32>
    %add3A_315 = arith.addf %add3A_306, %convert_element_type3A_314 : vector<1x1xf32>
    %ge3A_316 = vector.broadcast %add3A_219 : vector<1x1xf32> to vector<1x128xf32>
    %ge3A_317 = arith.cmpf oge, %convert_element_type3A_258, %ge3A_316 : vector<1x128xf32>
    %convert_element_type3A_318 = arith.extui %ge3A_317 : vector<1x128xi1> to vector<1x128xi32>
    %convert_element_type3A_319 = arith.sitofp %convert_element_type3A_318 : vector<1x128xi32> to vector<1x128xf32>
    %add3A_320 = arith.addf %add3A_311, %convert_element_type3A_319 : vector<1x128xf32>
    %lt3A_321 = arith.cmpf olt, %add3A_219, %add3A_250 : vector<1x1xf32>
    %convert_element_type3A_322 = arith.extui %lt3A_321 : vector<1x1xi1> to vector<1x1xi32>
    %convert_element_type3A_323 = arith.sitofp %convert_element_type3A_322 : vector<1x1xi32> to vector<1x1xf32>
    %add3A_324 = arith.addf %add3A_315, %convert_element_type3A_323 : vector<1x1xf32>
    %ge3A_325 = vector.broadcast %add3A_250 : vector<1x1xf32> to vector<1x128xf32>
    %ge3A_326 = arith.cmpf oge, %convert_element_type3A_258, %ge3A_325 : vector<1x128xf32>
    %convert_element_type3A_327 = arith.extui %ge3A_326 : vector<1x128xi1> to vector<1x128xi32>
    %convert_element_type3A_328 = arith.sitofp %convert_element_type3A_327 : vector<1x128xi32> to vector<1x128xf32>
    %add3A_329 = arith.addf %add3A_320, %convert_element_type3A_328 : vector<1x128xf32>
    %min3A = vector.broadcast %add3A_324 : vector<1x1xf32> to vector<1x128xf32>
    %min3A_330 = arith.minimumf %add3A_329, %min3A : vector<1x128xf32>
    %convert_element_type3A_331 = arith.fptosi %min3A_330 : vector<1x128xf32> to vector<1x128xi32>
    %swap3A_332 = arith.constant 0 : index
    %swap3A_333 = arith.constant 0 : index
    %swap3A_334 = vector.load %arg3[%swap3A_332, %swap3A_333] : memref<8x128xi32, #tpu.memory_space<vmem>>, vector<1x128xi32>
    tpu.vector_store %arg3[%swap3A_332, %swap3A_333], %convert_element_type3A_331 {strides = array<i32>} : memref<8x128xi32, #tpu.memory_space<vmem>>, vector<1x128xi32>,
    %div3A_335 = arith.constant 2.560000e+02 : f32
    %div3A_336 = vector.broadcast %div3A_335 : f32 to vector<1x1xf32>
    %div3A_337 = arith.divf %add3A_250, %div3A_336 : vector<1x1xf32>
    %broadcast_in_dim3A_338 = vector.shape_cast %div3A_337 : vector<1x1xf32> to vector<1x1xf32>
    %broadcast_in_dim3A_339 = vector.broadcast %broadcast_in_dim3A_338 : vector<1x1xf32> to vector<1x128xf32>
    %convert_element_type3A_340 = arith.fptosi %broadcast_in_dim3A_339 : vector<1x128xf32> to vector<1x128xi32>
    %swap3A_341 = arith.constant 1 : index
    %swap3A_342 = arith.constant 0 : index
    %swap3A_343 = vector.load %arg3[%swap3A_341, %swap3A_342] : memref<8x128xi32, #tpu.memory_space<vmem>>, vector<1x128xi32>
    tpu.vector_store %arg3[%swap3A_341, %swap3A_342], %convert_element_type3A_340 {strides = array<i32>} : memref<8x128xi32, #tpu.memory_space<vmem>>, vector<1x128xi32>,
    return
  }
  func.func @transform_0(%arg0: i32) -> (i32, i32) {
    %c0_i32 = arith.constant 0 : i32
    %c0_i32_0 = arith.constant 0 : i32
    %c0_i32_1 = arith.constant 0 : i32
    return %c0_i32, %c0_i32_0 : i32, i32
  }
  func.func @transform_1(%arg0: i32) -> (i32, i32) {
    %c0_i32 = arith.constant 0 : i32
    %c0_i32_0 = arith.constant 0 : i32
    %c0_i32_1 = arith.constant 0 : i32
    return %c0_i32, %c0_i32_0 : i32, i32
  }
  func.func @transform_2(%arg0: i32) -> (i32, i32) {
    %c0_i32 = arith.constant 0 : i32
    %c0_i32_0 = arith.constant 0 : i32
    %c0_i32_1 = arith.constant 0 : i32
    return %c0_i32, %c0_i32_0 : i32, i32
  }
}

module attributes {stable_mosaic.version = 14 : i64} {
  func.func @_gmm_body(%arg0: i32, %arg1: i32, %arg2: memref<128xi32, #tpu.memory_space<smem>>, %arg3: memref<1xi32, #tpu.memory_space<smem>>, %arg4: memref<256x1024xf32, #tpu.memory_space<vmem>>, %arg5: memref<1x512x1024xf32, #tpu.memory_space<vmem>>, %arg6: memref<1x512x1024xf32, #tpu.memory_space<vmem>>, %arg7: memref<1x1024x512xf32, #tpu.memory_space<vmem>>, %arg8: memref<256x1024xf32, #tpu.memory_space<vmem>>, %arg9: memref<256x1024xf32, #tpu.memory_space<vmem>>) attributes {dimension_semantics = [#tpu.dimension_semantics<arbitrary>, #tpu.dimension_semantics<arbitrary>], iteration_bounds = array<i64: 24, 2>, scalar_prefetch = 2 : i64, scratch_operands = 1 : i64, tpu.core_type = #tpu.core_type<tc>, window_params = [{transform_indices = @transform_0, window_bounds = array<i64: 256, 1024>}, {transform_indices = @transform_1, window_bounds = array<i64: 1, 512, 1024>}, {transform_indices = @transform_2, window_bounds = array<i64: 1, 512, 1024>}, {transform_indices = @transform_3, window_bounds = array<i64: 1, 1024, 512>}, {transform_indices = @transform_4, window_bounds = array<i64: 256, 1024>}]} {
    %get3A = arith.constant 0 : index
    %get3A_0 = memref.load %arg3[%get3A] : memref<1xi32, #tpu.memory_space<smem>>
    %lt3A = arith.cmpi slt, %arg0, %get3A_0 : i32
    %convert_element_type3A = arith.extui %lt3A : i1 to i32
    %cond3A = arith.constant 0 : i32
    %cond3A_1 = arith.cmpi ne, %convert_element_type3A, %cond3A : i32
    scf.if %cond3A_1 {
      %get3A_2 = arith.constant 0 : index
      %get3A_3 = arith.constant 0 : index
      %get3A_4 = vector.load %arg4[%get3A_2, %get3A_3] : memref<256x1024xf32, #tpu.memory_space<vmem>>, vector<256x1024xf32>
      %get3A_5 = arith.constant 0 : index
      %get3A_6 = arith.constant 0 : index
      %get3A_7 = arith.constant 0 : index
      %get3A_8 = vector.load %arg5[%get3A_5, %get3A_6, %get3A_7] : memref<1x512x1024xf32, #tpu.memory_space<vmem>>, vector<1x512x1024xf32>
      %get3A_9 = vector.shape_cast %get3A_8 : vector<1x512x1024xf32> to vector<512x1024xf32>
      %dot_general3A = arith.constant dense<0.000000e+00> : vector<256x512xf32>
      %dot_general3A_10 = tpu.matmul %get3A_4, %get3A_9, %dot_general3A {dimension_numbers = #tpu.dot_dimension_numbers<[1], [1], [0], [0], [0, 0, 1, 0], [], []>, transpose_lhs_hint = false} : vector<256x1024xf32>, vector<512x1024xf32>, vector<256x512xf32> -> vector<256x512xf32>
      %get3A_11 = arith.constant 0 : index
      %get3A_12 = arith.constant 0 : index
      %get3A_13 = arith.constant 0 : index
      %get3A_14 = vector.load %arg6[%get3A_11, %get3A_12, %get3A_13] : memref<1x512x1024xf32, #tpu.memory_space<vmem>>, vector<1x512x1024xf32>
      %get3A_15 = vector.shape_cast %get3A_14 : vector<1x512x1024xf32> to vector<512x1024xf32>
      %dot_general3A_16 = arith.constant dense<0.000000e+00> : vector<256x512xf32>
      %dot_general3A_17 = tpu.matmul %get3A_4, %get3A_15, %dot_general3A_16 {dimension_numbers = #tpu.dot_dimension_numbers<[1], [1], [0], [0], [0, 0, 1, 0], [], []>, transpose_lhs_hint = false} : vector<256x1024xf32>, vector<512x1024xf32>, vector<256x512xf32> -> vector<256x512xf32>
      %logistic3A = arith.negf %dot_general3A_10 : vector<256x512xf32>
      %logistic3A_18 = math.exp %logistic3A : vector<256x512xf32>
      %logistic3A_19 = arith.constant 1.000000e+00 : f32
      %logistic3A_20 = vector.broadcast %logistic3A_19 : f32 to vector<256x512xf32>
      %logistic3A_21 = arith.addf %logistic3A_20, %logistic3A_18 : vector<256x512xf32>
      %logistic3A_22 = arith.divf %logistic3A_20, %logistic3A_21 : vector<256x512xf32>
      %mul3A = arith.mulf %dot_general3A_10, %logistic3A_22 : vector<256x512xf32>
      %mul3A_23 = arith.mulf %mul3A, %dot_general3A_17 : vector<256x512xf32>
      %get3A_24 = arith.constant 0 : index
      %get3A_25 = arith.constant 0 : index
      %get3A_26 = arith.constant 0 : index
      %get3A_27 = vector.load %arg7[%get3A_24, %get3A_25, %get3A_26] : memref<1x1024x512xf32, #tpu.memory_space<vmem>>, vector<1x1024x512xf32>
      %get3A_28 = vector.shape_cast %get3A_27 : vector<1x1024x512xf32> to vector<1024x512xf32>
      %dot_general3A_29 = arith.constant dense<0.000000e+00> : vector<256x1024xf32>
      %dot_general3A_30 = tpu.matmul %mul3A_23, %get3A_28, %dot_general3A_29 {dimension_numbers = #tpu.dot_dimension_numbers<[1], [1], [0], [0], [0, 0, 1, 0], [], []>, transpose_lhs_hint = false} : vector<256x512xf32>, vector<1024x512xf32>, vector<256x1024xf32> -> vector<256x1024xf32>
      %eq3A = arith.constant 0 : i32
      %eq3A_31 = arith.cmpi eq, %arg1, %eq3A : i32
      %convert_element_type3A_32 = arith.extui %eq3A_31 : i1 to i32
      %cond3A_33 = arith.constant 0 : i32
      %cond3A_34 = arith.cmpi ne, %convert_element_type3A_32, %cond3A_33 : i32
      scf.if %cond3A_34 {
        %swap3A = arith.constant 0 : index
        %swap3A_44 = arith.constant 0 : index
        %swap3A_45 = vector.load %arg9[%swap3A, %swap3A_44] : memref<256x1024xf32, #tpu.memory_space<vmem>>, vector<256x1024xf32>
        tpu.vector_store %arg9[%swap3A, %swap3A_44], %dot_general3A_30 {strides = array<i32>} : memref<256x1024xf32, #tpu.memory_space<vmem>>, vector<256x1024xf32>,
      } else {
      }
      %gt3A = arith.constant 0 : i32
      %gt3A_35 = arith.cmpi sgt, %arg1, %gt3A : i32
      %convert_element_type3A_36 = arith.extui %gt3A_35 : i1 to i32
      %cond3A_37 = arith.constant 0 : i32
      %cond3A_38 = arith.cmpi ne, %convert_element_type3A_36, %cond3A_37 : i32
      scf.if %cond3A_38 {
        %get3A_44 = arith.constant 0 : index
        %get3A_45 = arith.constant 0 : index
        %get3A_46 = vector.load %arg9[%get3A_44, %get3A_45] : memref<256x1024xf32, #tpu.memory_space<vmem>>, vector<256x1024xf32>
        %add3A = arith.addf %get3A_46, %dot_general3A_30 : vector<256x1024xf32>
        %swap3A = arith.constant 0 : index
        %swap3A_47 = arith.constant 0 : index
        %swap3A_48 = vector.load %arg9[%swap3A, %swap3A_47] : memref<256x1024xf32, #tpu.memory_space<vmem>>, vector<256x1024xf32>
        tpu.vector_store %arg9[%swap3A, %swap3A_47], %add3A {strides = array<i32>} : memref<256x1024xf32, #tpu.memory_space<vmem>>, vector<256x1024xf32>,
      } else {
      }
      %eq3A_39 = arith.constant 1 : i32
      %eq3A_40 = arith.cmpi eq, %arg1, %eq3A_39 : i32
      %convert_element_type3A_41 = arith.extui %eq3A_40 : i1 to i32
      %cond3A_42 = arith.constant 0 : i32
      %cond3A_43 = arith.cmpi ne, %convert_element_type3A_41, %cond3A_42 : i32
      scf.if %cond3A_43 {
        %get3A_44 = arith.constant 0 : index
        %get3A_45 = arith.constant 0 : index
        %get3A_46 = vector.load %arg9[%get3A_44, %get3A_45] : memref<256x1024xf32, #tpu.memory_space<vmem>>, vector<256x1024xf32>
        %swap3A = arith.constant 0 : index
        %swap3A_47 = arith.constant 0 : index
        %swap3A_48 = vector.load %arg8[%swap3A, %swap3A_47] : memref<256x1024xf32, #tpu.memory_space<vmem>>, vector<256x1024xf32>
        tpu.vector_store %arg8[%swap3A, %swap3A_47], %get3A_46 {strides = array<i32>} : memref<256x1024xf32, #tpu.memory_space<vmem>>, vector<256x1024xf32>,
      } else {
      }
    } else {
    }
    return
  }
  func.func @transform_0(%arg0: i32, %arg1: i32, %arg2: memref<128xi32, #tpu.memory_space<smem>>, %arg3: memref<1xi32, #tpu.memory_space<smem>>) -> (i32, i32) {
    %c0_i32 = arith.constant 0 : i32
    %c0_i32_0 = arith.constant 0 : i32
    return %arg0, %c0_i32 : i32, i32
  }
  func.func @transform_1(%arg0: i32, %arg1: i32, %arg2: memref<128xi32, #tpu.memory_space<smem>>, %arg3: memref<1xi32, #tpu.memory_space<smem>>) -> (i32, i32, i32) {
    %get3A = arith.index_cast %arg0 : i32 to index
    %get3A_0 = memref.load %arg2[%get3A] : memref<128xi32, #tpu.memory_space<smem>>
    %c0_i32 = arith.constant 0 : i32
    %c0_i32_1 = arith.constant 0 : i32
    return %get3A_0, %arg1, %c0_i32 : i32, i32, i32
  }
  func.func @transform_2(%arg0: i32, %arg1: i32, %arg2: memref<128xi32, #tpu.memory_space<smem>>, %arg3: memref<1xi32, #tpu.memory_space<smem>>) -> (i32, i32, i32) {
    %get3A = arith.index_cast %arg0 : i32 to index
    %get3A_0 = memref.load %arg2[%get3A] : memref<128xi32, #tpu.memory_space<smem>>
    %add3A = arith.constant 2 : i32
    %add3A_1 = arith.addi %add3A, %arg1 : i32
    %c0_i32 = arith.constant 0 : i32
    %c0_i32_2 = arith.constant 0 : i32
    return %get3A_0, %add3A_1, %c0_i32 : i32, i32, i32
  }
  func.func @transform_3(%arg0: i32, %arg1: i32, %arg2: memref<128xi32, #tpu.memory_space<smem>>, %arg3: memref<1xi32, #tpu.memory_space<smem>>) -> (i32, i32, i32) {
    %get3A = arith.index_cast %arg0 : i32 to index
    %get3A_0 = memref.load %arg2[%get3A] : memref<128xi32, #tpu.memory_space<smem>>
    %c0_i32 = arith.constant 0 : i32
    %c0_i32_1 = arith.constant 0 : i32
    return %get3A_0, %c0_i32, %arg1 : i32, i32, i32
  }
  func.func @transform_4(%arg0: i32, %arg1: i32, %arg2: memref<128xi32, #tpu.memory_space<smem>>, %arg3: memref<1xi32, #tpu.memory_space<smem>>) -> (i32, i32) {
    %c0_i32 = arith.constant 0 : i32
    %c0_i32_0 = arith.constant 0 : i32
    return %arg0, %c0_i32 : i32, i32
  }
}

module attributes {stable_mosaic.version = 14 : i64} {
  func.func @_combine_w_body(%arg0: i32, %arg1: memref<512x1024xf32, #tpu.memory_space<vmem>>, %arg2: memref<512x1024xf32, #tpu.memory_space<vmem>>, %arg3: memref<512x2xf32, #tpu.memory_space<vmem>>, %arg4: memref<512x1024xf32, #tpu.memory_space<vmem>>) attributes {dimension_semantics = [#tpu.dimension_semantics<arbitrary>], iteration_bounds = array<i64: 4>, scalar_prefetch = 0 : i64, scratch_operands = 0 : i64, tpu.core_type = #tpu.core_type<tc>, window_params = [{transform_indices = @transform_0, window_bounds = array<i64: 512, 1024>}, {transform_indices = @transform_1, window_bounds = array<i64: 512, 1024>}, {transform_indices = @transform_2, window_bounds = array<i64: 512, 2>}, {transform_indices = @transform_3, window_bounds = array<i64: 512, 1024>}]} {
    %get3A = arith.constant 0 : index
    %get3A_0 = arith.constant 0 : index
    %get3A_1 = vector.load %arg3[%get3A, %get3A_0] : memref<512x2xf32, #tpu.memory_space<vmem>>, vector<512x2xf32>
    %get3A_2 = arith.constant 0 : index
    %get3A_3 = arith.constant 0 : index
    %get3A_4 = vector.load %arg1[%get3A_2, %get3A_3] : memref<512x1024xf32, #tpu.memory_space<vmem>>, vector<512x1024xf32>
    %slice3A = vector.extract_strided_slice %get3A_1 {offsets = [0, 0], sizes = [512, 1], strides = [1, 1]} : vector<512x2xf32> to vector<512x1xf32>
    %mul3A = vector.broadcast %slice3A : vector<512x1xf32> to vector<512x1024xf32>
    %mul3A_5 = arith.mulf %get3A_4, %mul3A : vector<512x1024xf32>
    %get3A_6 = arith.constant 0 : index
    %get3A_7 = arith.constant 0 : index
    %get3A_8 = vector.load %arg2[%get3A_6, %get3A_7] : memref<512x1024xf32, #tpu.memory_space<vmem>>, vector<512x1024xf32>
    %slice3A_9 = vector.extract_strided_slice %get3A_1 {offsets = [0, 1], sizes = [512, 1], strides = [1, 1]} : vector<512x2xf32> to vector<512x1xf32>
    %mul3A_10 = vector.broadcast %slice3A_9 : vector<512x1xf32> to vector<512x1024xf32>
    %mul3A_11 = arith.mulf %get3A_8, %mul3A_10 : vector<512x1024xf32>
    %add3A = arith.addf %mul3A_5, %mul3A_11 : vector<512x1024xf32>
    %swap3A = arith.constant 0 : index
    %swap3A_12 = arith.constant 0 : index
    %swap3A_13 = vector.load %arg4[%swap3A, %swap3A_12] : memref<512x1024xf32, #tpu.memory_space<vmem>>, vector<512x1024xf32>
    tpu.vector_store %arg4[%swap3A, %swap3A_12], %add3A {strides = array<i32>} : memref<512x1024xf32, #tpu.memory_space<vmem>>, vector<512x1024xf32>,
    return
  }
  func.func @transform_0(%arg0: i32) -> (i32, i32) {
    %c0_i32 = arith.constant 0 : i32
    %c0_i32_0 = arith.constant 0 : i32
    return %arg0, %c0_i32 : i32, i32
  }
  func.func @transform_1(%arg0: i32) -> (i32, i32) {
    %add3A = arith.constant 4 : i32
    %add3A_0 = arith.addi %arg0, %add3A : i32
    %c0_i32 = arith.constant 0 : i32
    %c0_i32_1 = arith.constant 0 : i32
    return %add3A_0, %c0_i32 : i32, i32
  }
  func.func @transform_2(%arg0: i32) -> (i32, i32) {
    %c0_i32 = arith.constant 0 : i32
    %c0_i32_0 = arith.constant 0 : i32
    return %arg0, %c0_i32 : i32, i32
  }
  func.func @transform_3(%arg0: i32) -> (i32, i32) {
    %c0_i32 = arith.constant 0 : i32
    %c0_i32_0 = arith.constant 0 : i32
    return %arg0, %c0_i32 : i32, i32
  }
}

</mosaic_0001>

<sc_bundles>
// kernel: kernel.10.cloned.1.call-start
scs
__scs_entry_jumppad:
0x0: {  	(pc) =	sbr.rel $0x88, $3  }
0x1: {  	(tag) =	ssettag $0x0;
	lr =	simm.s32 $0x1  }
0x2: {  	[smem:$0x3F9C] =	sst lr;
	_ =	strace $0xD0000000  }
0x3: {  	_ = 	snop  }
0x4: {  	_ = 	snop  }
0x5: {  	_ = 	snop  }
0x6: {  	_ = 	snop  }
0x7: {  	_ = 	snop  }
__scs_overlays_trampoline_lowered:
0x8: {  	[smem:$0x3FAB] =	sst s0  }
0x9: {  	[smem:$0x3FAC] =	sst s1  }
0xa: {  	[smem:$0x3FAD] =	sst s2  }
0xb: {  	[smem:$0x3FAE] =	sst s3  }
0xc: {  	[smem:$0x3FAF] =	sst s4  }
0xd: {  	[smem:$0x3FB0] =	sst s5  }
0xe: {  	[smem:$0x3FB1] =	sst s6  }
0xf: {  	[smem:$0x3FB2] =	sst s7  }
0x10: {  	[smem:$0x3FB3] =	sst s8  }
0x11: {  	[smem:$0x3FB4] =	sst s9;
	s0 =	simm.s32 @!p0 $0x0  }
0x12: {  	s1 =	sld [smem:$0x3F9A];
	s0 =	simm.s32 @p0 $0x1  }
0x13: {  	[smem:$0x3FB5] =	sst s0;
	s0 =	simm.s32 @!p1 $0x0  }
0x14: {  	s2 =	sld [smem:$0x3F99];
	s0 =	simm.s32 @p1 $0x1  }
0x15: {  	[smem:$0x3FB6] =	sst s0;
	s0 =	simm.s32 @!p2 $0x0  }
0x16: {  	s3 =	sld [smem:$0x3FDB];
	s0 =	simm.s32 @p2 $0x1  }
0x17: {  	s4 =	simm.s32 $0x1BF5;
	[smem:$0x3FB8] =	sst s0  }
0x18: {  	s0 =	sld [smem:$0x3F9B];
	_ =	swait.ge [sflag:s4], $0x0  }
0x19: {  	s7 =	sld [smem:$0x3F9C]  }
0x1a: {  	s8 =	sadd.s32 $0xFFFFE003, lr  }
0x1b: {  	s9 =	sadd.s32 $0xFFFFFEF7, lr;
	s5 =	simm.s32 $0xFFFFFFFF;
	p2 =	slt.u32 s8, $0xFFFFF086  }
0x1c: {  	p1 =	slt.u32 s9, $0xF7A;
	s5 =	simm.s32 @!p2 $0x0  }
0x1d: {  	s5 =	simm.s32 @p1 $0x1;
	p0 =	seq.s32 s7, s2  }
0x1e: {  	s7 =	smul.u32 @!p0 $0xF7A, s2;
	p2 =	seq.s32 @!p0 s5, $0x0  }
0x1f: {  	s9 =	smul.u32 $0xF7A, s1;
	s8 =	simm.s32 @!p0 $0x1BF5;
	p2 =	por !p2, p0  }
0x20: {  	[sflag:s8] =	ssyncset.s32 @!p0 $0xFFFFF086;
	s6 =	sadd.s32 @!p0 s3, s7;
	s7 =	simm.s32 @!p0 $0x108  }
0x21: {  	s3 =	sadd.s32 s3, s9;
	s6 =	sadd.s32 @!p0 $0x88, s6;
	s7 =	simm.s32 @p2 $0x1082  }
0x22: {  	[simem:s7], [sflag:s8] =	dma.local @!p0 [hbm:s6], $0xF7A  }
0x23: {  	s9 =	sor.u32 $0xD0000000, s2;
	s6 =	simm.s32 $0x108;
	_ =	swait.ge @!p0 [sflag:s8], $0x0  }
0x24: {  	s3 =	sadd.s32 $0x88, s3;
	s6 =	simm.s32 @!p1 $0x1082;
	[sflag:s4] =	ssyncset.s32 $0xFFFFF086  }
0x25: {  	[simem:s6], [sflag:s4] =	dma.local [hbm:s3], $0xF7A  }
0x26: {  	[smem:$0x3F9C] =	sst s1;
	(tag) =	ssettag s2;
	_ =	strace s9  }
0x27: {  	s1 =	sld [smem:$0x3FAC]  }
0x28: {  	s2 =	sld [smem:$0x3FAD]  }
0x29: {  	s4 =	sld [smem:$0x3FAF]  }
0x2a: {  	p0 =	seq.s32 s5, $0x0;
	s5 =	sld [smem:$0x3FB0]  }
0x2b: {  	s6 =	sld [smem:$0x3FB1]  }
0x2c: {  	s7 =	sld [smem:$0x3FB2]  }
0x2d: {  	s3 =	simm.s32 $0x108;
	s8 =	sld [smem:$0x3FB3]  }
0x2e: {  	s3 =	simm.s32 @!p0 $0x1082;
	s9 =	sld [smem:$0x3FB4]  }
0x2f: {  	lr =	sadd.s32 s0, s3;
	s0 =	sld [smem:$0x3FAB]  }
0x30: {  	s3 =	sld [smem:$0x3FAE]  }
0x31: {  	[smem:$0x3FB7] =	sst s10  }
0x32: {  	s10 =	sld [smem:$0x3FB5];
	_ =	sdelay $0x3  }
0x33: {  	p0 =	seq.s32 s10, $0x1;
	s10 =	sld [smem:$0x3FB7];
	_ =	sdelay $0x3  }
0x34: {  	[smem:$0x3FB7] =	sst s10  }
0x35: {  	s10 =	sld [smem:$0x3FB6];
	_ =	sdelay $0x3  }
0x36: {  	p1 =	seq.s32 s10, $0x1;
	s10 =	sld [smem:$0x3FB7];
	_ =	sdelay $0x3  }
0x37: {  	[smem:$0x3FB7] =	sst s10  }
0x38: {  	s10 =	sld [smem:$0x3FB8]  }
0x39: {  	_ = 	snop;
	(pc) =	sbr.ind lr, $3  }
0x3a: {  	_ = 	snop  }
0x3b: {  	_ = 	snop  }
0x3c: {  	p2 =	seq.s32 s10, $0x1;
	s10 =	sld [smem:$0x3FB7]  }
0x3d: {  	_ =	shalt  }
0x3e: {  	_ =	shalt  }
0x3f: {  	_ =	shalt  }
0x40: {  	_ =	shalt  }
0x41: {  	_ =	shalt  }
0x42: {  	_ =	shalt  }
0x43: {  	_ =	shalt  }
0x44: {  	_ =	shalt  }
0x45: {  	_ =	shalt  }
0x46: {  	_ =	shalt  }
0x47: {  	_ =	shalt  }
0x48: {  	_ =	shalt  }
0x49: {  	_ =	shalt  }
0x4a: {  	_ =	shalt  }
0x4b: {  	_ =	shalt  }
0x4c: {  	_ =	shalt  }
0x4d: {  	_ =	shalt  }
0x4e: {  	_ =	shalt  }
0x4f: {  	_ =	shalt  }
0x50: {  	_ =	shalt  }
0x51: {  	_ =	shalt  }
0x52: {  	_ =	shalt  }
0x53: {  	_ =	shalt  }
0x54: {  	_ =	shalt  }
0x55: {  	_ =	shalt  }
0x56: {  	_ =	shalt  }
0x57: {  	_ =	shalt  }
0x58: {  	_ =	shalt  }
0x59: {  	_ =	shalt  }
0x5a: {  	_ =	shalt  }
0x5b: {  	_ =	shalt  }
0x5c: {  	_ =	shalt  }
0x5d: {  	_ =	shalt  }
0x5e: {  	_ =	shalt  }
0x5f: {  	_ =	shalt  }
0x60: {  	_ =	shalt  }
0x61: {  	_ =	shalt  }
0x62: {  	_ =	shalt  }
0x63: {  	_ =	shalt  }
0x64: {  	_ =	shalt  }
0x65: {  	_ =	shalt  }
0x66: {  	_ =	shalt  }
0x67: {  	_ =	shalt  }
0x68: {  	_ =	shalt  }
0x69: {  	_ =	shalt  }
0x6a: {  	_ =	shalt  }
0x6b: {  	_ =	shalt  }
0x6c: {  	_ =	shalt  }
0x6d: {  	_ =	shalt  }
0x6e: {  	_ =	shalt  }
0x6f: {  	_ =	shalt  }
0x70: {  	_ =	shalt  }
0x71: {  	_ =	shalt  }
0x72: {  	_ =	shalt  }
0x73: {  	_ =	shalt  }
0x74: {  	_ =	shalt  }
0x75: {  	_ =	shalt  }
0x76: {  	_ =	shalt  }
0x77: {  	_ =	shalt  }
0x78: {  	_ =	shalt  }
0x79: {  	_ =	shalt  }
0x7a: {  	_ =	shalt  }
0x7b: {  	_ =	shalt  }
0x7c: {  	_ =	shalt  }
0x7d: {  	_ =	shalt  }
0x7e: {  	_ =	shalt  }
0x7f: {  	_ =	shalt  }
0x80: {  	_ =	shalt  }
0x81: {  	_ =	shalt  }
0x82: {  	_ =	shalt  }
0x83: {  	_ =	shalt  }
0x84: {  	_ =	shalt  }
0x85: {  	_ =	shalt  }
0x86: {  	_ =	shalt  }
0x87: {  	_ =	shalt  }
.Lfunc_end0:
.L_simem_size_0:
called_computation.1_lowered:
.L_overlay_start_0:
0x88: {  	s2 =	sld [smem:$0x3FD9]  }
0x89: {  	s3 =	sld [smem:$0x3FFE];
	_ =	sdelay $0x1  }
0x8a: {  	s1 =	srdreg.scid  }
0x8b: {  	s0 =	sand.u32 $0x1, s1  }
0x8c: {  	s17 =	sshll.u32 s0, $0xA;
	s2 =	sadd.s32 s3, s2  }
0x8d: {  	s2 =	sadd.s32 s2, s17  }
0x8e: {  	[smem:$0x3FC3] =	sst s2  }
0x8f: {  	_ = 	snop  }
0x90: {  	s2 =	sld [smem:$0x3FD0];
	(tm) =	ssettm $0x1  }
0x91: {  	s18 =	sld [smem:$0x3FFB];
	_ =	sdelay $0x3  }
0x92: {  	_ =	strace s18  }
0x93: {  	s3 =	sld [smem:$0x3FFC];
	_ =	sdelay $0x3  }
0x94: {  	_ =	strace s3  }
0x95: {  	s3 =	sld [smem:$0x3FFD];
	_ =	sdelay $0x3  }
0x96: {  	_ =	strace s3  }
0x97: {  	_ =	strace $0x8FFFFFFF  }
0x98: {  	s19 =	sld [smem:$0x3FDB];
	_ =	sdelay $0x1  }
0x99: {  	s4 =	simm.s32 $_scs_section_size  }
0x9a: {  	s5 =	simm.s32 $_size__tile_overlayer_lowered;
	s6 =	simm.s32 $_tile_overlayer_lowered  }
0x9b: {  	s22 =	simm.s32 $0x1BFF;
	s21 =	sshll.u32 s6, $0x1;
	s3 =	sadd.s32 s4, s19  }
0x9c: {  	s7 =	simm.s32 $0x0;
	s20 =	sshll.u32 s5, $0x1;
	s5 =	sadd.s32 s21, s3  }
0x9d: {  	[timem:s7], [sflag:s22] =	dma.local [hbm:s5], s20  }
0x9e: {  	_ =	swait.ge [sflag:s22], s20  }
0x9f: {  	s4 =	ssub.s32 $0x0, s20;
	[sflag:s22] =	ssyncset.done $0x0  }
0xa0: {  	[sflag:s22] =	ssyncadd.s32 s4;
	_ =	sdelay $0x1  }
0xa1: {  	s23 =	simm.s32 $0x1B8B  }
0xa2: {  	_ =	swait.ge [sflag:s23], $0x1  }
0xa3: {  	[sflag:s23] =	ssyncset.done $0x0  }
0xa4: {  	s25 =	simm.s32 $0x1B8E;
	s24 =	sld [smem:$0x3FFE];
	[sflag:s23] =	ssyncadd.s32 $0xFFFFFFFF  }
0xa5: {  	s26 =	simm.s32 $execute0_lowered;
	[smem:$0x3FD2] =	sst s25  }
0xa6: {  	s5 =	sshll.u32 s26, $0x1;
	_ =	strace $0x8000004D;
	[dreg:$0x1] =	wrdreg $0xFFFFFFFF  }
0xa7: {  	s28 =	simm.s32 $_size_execute0_lowered;
	s3 =	sadd.s32 s3, s5;
	[dreg:$0x0] =	wrdreg $0x0  }
0xa8: {  	s5 =	sshll.u32 s28, $0x1;
	[dreg:$0x2] =	wrdreg s3  }
0xa9: {  	[dreg:$0x3] =	wrdreg s5  }
0xaa: {  	[dreg:$0x4] =	wrdreg $0xC0  }
0xab: {  	_ =	task [dreg:s7], $0x5FFFF  }
0xac: {  	[dreg:$0x1] =	wrdreg $0xFFFFFFFF  }
0xad: {  	[dreg:$0x0] =	wrdreg $0x60  }
0xae: {  	[dreg:$0x2] =	wrdreg s24  }
0xaf: {  	[dreg:$0x3] =	wrdreg s2  }
0xb0: {  	[dreg:$0x4] =	wrdreg $0x9  }
0xb1: {  	_ =	task.clear_ibuf [dreg:s7], $0x5FFFF;
	_ =	strace $0x9000004D  }
0xb2: {  	s29 =	simm.s32 $0x9;
	_ =	strace $0x80000053  }
0xb3: {  	_ =	swait.ge [sflag:s29], $0x1  }
0xb4: {  	[sflag:s29] =	ssyncadd.s32 $0xFFFFFFFF  }
0xb5: {  	_ =	strace $0x90000053  }
0xb6: {  	_ =	sfence  }
0xb7: {  	s30 =	sld [smem:$0x0];
	_ =	sdelay $0x2  }
0xb8: {  	s31 =	sshll.u32 s1, $0xD;
	s1 =	sshrl.u32 s1, $0x2  }
0xb9: {  	s3 =	sand.u32 $0x4000, s31;
	s1 =	sadd.s32 s1, s30  }
0xba: {  	s0 =	sor.u32 s3, s0;
	s1 =	sshll.u32 s1, $0x11  }
0xbb: {  	s0 =	sor.u32 s1, s0  }
0xbc: {  	s0 =	sadd.s32 $0x8F2B, s0  }
0xbd: {  	[sflag:s0] =	ssyncadd.remote.s32 $0x1  }
0xbe: {  	_ =	sfence.sel $0xFFFF  }
0xbf: {  	[dreg:$0x0] =	wrdreg $0xFFFFFFFF;
	(pc) =	sbr.abs _section_cstart, $3  }
0xc0: {  	[dreg:$0x1] =	wrdreg $0xFFFFFFFF  }
0xc1: {  	_ =	task.clear_ibuf [dreg:s7], $0x2FFFF;
	_ =	strace $0x9FFFFFFF  }
0xc2: {  	(tm) =	ssettm $0x7FFFFFFF  }
0xc3: {  	_ =	shalt  }
tec
execute0_lowered:
.L_overlay_start_1:
0x0: {  	(tag) =	ssettag $0x1  }
0x1: {  	s0 =	rddreg [dreg:$0x0]  }
0x2: {  	s4 =	rddreg [dreg:$0x1]  }
0x3: {  	s2 =	srdreg.scid;
	s1 =	stileid.u32;
	s14 =	simm.s32 $0x1  }
0x4: {  	s15 =	simm.s32 $0x3;
	s16 =	simm.s32 $0x800;
	s17 =	simm.s32 $0x1000  }
0x5: {  	s18 =	simm.s32 $0x1800;
	s19 =	simm.s32 $0x2000;
	s20 =	simm.s32 $0x2800  }
0x6: {  	s21 =	simm.s32 $0x3000;
	s22 =	simm.s32 $0x3800;
	s23 =	simm.s32 $0x4000  }
0x7: {  	s24 =	simm.s32 $0x4800;
	s25 =	simm.s32 $0x5000;
	s26 =	simm.s32 $0x5800  }
0x8: {  	s28 =	simm.s32 $0x6000;
	s29 =	simm.s32 $0x6800;
	s30 =	simm.s32 $0x7000  }
0x9: {  	s31 =	simm.s32 $0x7800;
	s13 =	simm.s32 $0x8000;
	s5 =	sand.u32 $0x1, s2  }
0xa: {  	s2 =	simm.s32 $0x0;
	s6 =	sshll.u32 s1, $0x4;
	s9 =	sadd.s32 $0x1400, s0  }
0xb: {  	s10 =	sadd.s32 $0x1500, s0;
	s3 =	sshll.u32 s5, $0x8;
	[smem:$0x7FF] =	sst s2  }
0xc: {  	s5 =	ssub.s32 $0x2, s5;
	s6 =	sor.u32 s6, s3;
	_ =	strace $0x8000004E  }
0xd: {  	s3 =	sadd.s32 $0xC1400, s0;
	s8 =	sshrl.u32 s5, $0x1;
	s7 =	sadd.s32 s6, s0  }
0xe: {  	s6 =	sadd.s32 s4, s6;
	s4 =	sadd.s32 $0x1200, s0;
	s11 =	ssub.s32 s5, s8  }
0xf: {  	v2 =	vlaneseq.u32;
	s5 =	sadd.s32 $0xC1500, s0;
	s8 =	sadd.s32 $0x1300, s0;
	s7 =	sadd.s32 $0x1000, s7  }
0x10: {  	vm0 =	vmmov $0xffff;
	v1 =	vshrl.u32 v2, $0x3;
	[dreg:$0x4] =	wrdreg s6;
	s6 =	sadd.s32 $0xC1600, s0;
	s11 =	smax.u32 s11, $0x1  }
0x11: {  	v0 =	vand.u32 $0x7, v2;
	v2 =	vor.u32 $0x8, v2;
	v1 =	vmul.u32 $0x8, v1;
	[dreg:$0x3] =	wrdreg s7;
	s7 =	sadd.s32 $0xC1700, s0;
	s0 =	simm.s32 $0x5  }
.LBB2_1:
0x12: {  	_ =	strace $0x8000004F  }
0x13: {  	s1 =	rddreg [dreg:$0x3]  }
0x14: {  	[tilespmem:s13], [sflag:$0x1] =	stream.linear.gather [hbm4b:s1+s2], $0x80, $0x200038;
	[tilespmem:$0x8200] =	vst v63  }
0x15: {  	s12 =	rddreg [dreg:$0x4];
	s1 =	simm.s32 $0x8100  }
0x16: {  	[tilespmem:s1], [sflag:$0x3] =	stream.linear.gather [hbm4b:s12+s2], $0x80, $0x200038;
	[tilespmem:$0x8200] =	vst v63  }
0x17: {  	_ =	strace $0x9000004F  }
0x18: {  	_ =	strace $0x80000050  }
0x19: {  	_ =	swait.ge [sflag:s14], $0x80  }
0x1a: {  	[sflag:s14] =	ssyncset.done $0x0  }
0x1b: {  	[sflag:s14] =	ssyncadd.s32 $0xFFFFFF80  }
0x1c: {  	_ =	strace $0x90000050  }
0x1d: {  	_ =	strace $0x80000051  }
0x1e: {  	_ =	swait.ge [sflag:s15], $0x80  }
0x1f: {  	[sflag:s15] =	ssyncset.done $0x0  }
0x20: {  	[sflag:s15] =	ssyncadd.s32 $0xFFFFFF80  }
0x21: {  	_ =	strace $0x90000051  }
0x22: {  	_ =	strace $0x80000052  }
0x23: {  	v3 =	vld [tilespmem:$0x8000];
	_ =	sdelay $0x4  }
0x24: {  	v4 =	vshll.u32 v3, $0x3  }
0x25: {  	v3 =	vand.u32 $0x7, v3;
	v4 =	vand.u32 $0xFFFFFFC0, v4  }
0x26: {  	v3 =	vor.u32 v3, v4  }
0x27: {  	v4 =	vperm.xlane v3, v0;
	_ =	sdelay $0x1  }
0x28: {  	v4 =	vadd.s32 v1, v4;
	_ =	sdelay $0x4  }
0x29: {  	[tilespmem:s2], [sflag:$0x5] =	stream.indirect_vreg.gather [hbm4b:s3+s2], $0x80, v4, vm0, $0x2000b8;
	[tilespmem:$0x8200] =	vst v63  }
0x2a: {  	v3 =	vperm.xlane v3, v2  }
0x2b: {  	[tilespmem:s16], [sflag:$0x5] =	stream.indirect_vreg.gather [hbm4b:s5+s2], $0x80, v4, vm0, $0x2000b8;
	[tilespmem:$0x8200] =	vst v63  }
0x2c: {  	v3 =	vadd.s32 v1, v3  }
0x2d: {  	[tilespmem:s17], [sflag:$0x5] =	stream.indirect_vreg.gather [hbm4b:s6+s2], $0x80, v4, vm0, $0x2000b8;
	[tilespmem:$0x8200] =	vst v63  }
0x2e: {  	_ = 	snop  }
0x2f: {  	[tilespmem:s18], [sflag:$0x5] =	stream.indirect_vreg.gather [hbm4b:s7+s2], $0x80, v4, vm0, $0x2000b8;
	[tilespmem:$0x8200] =	vst v63  }
0x30: {  	_ = 	snop  }
0x31: {  	[tilespmem:s19], [sflag:$0x5] =	stream.indirect_vreg.gather [hbm4b:s3+s2], $0x80, v3, vm0, $0x2000b8;
	[tilespmem:$0x8200] =	vst v63  }
0x32: {  	_ = 	snop  }
0x33: {  	[tilespmem:s20], [sflag:$0x5] =	stream.indirect_vreg.gather [hbm4b:s5+s2], $0x80, v3, vm0, $0x2000b8;
	[tilespmem:$0x8200] =	vst v63  }
0x34: {  	_ = 	snop  }
0x35: {  	[tilespmem:s21], [sflag:$0x5] =	stream.indirect_vreg.gather [hbm4b:s6+s2], $0x80, v3, vm0, $0x2000b8;
	[tilespmem:$0x8200] =	vst v63  }
0x36: {  	_ = 	snop  }
0x37: {  	[tilespmem:s22], [sflag:$0x5] =	stream.indirect_vreg.gather [hbm4b:s7+s2], $0x80, v3, vm0, $0x2000b8;
	[tilespmem:$0x8200] =	vst v63  }
0x38: {  	v3 =	vld [tilespmem:$0x8010];
	_ =	sdelay $0x4  }
0x39: {  	v49 =	vshll.u32 v3, $0x3  }
0x3a: {  	v3 =	vand.u32 $0x7, v3;
	v4 =	vand.u32 $0xFFFFFFC0, v49  }
0x3b: {  	v3 =	vor.u32 v3, v4  }
0x3c: {  	v4 =	vperm.xlane v3, v0;
	_ =	sdelay $0x1  }
0x3d: {  	v4 =	vadd.s32 v1, v4;
	_ =	sdelay $0x4  }
0x3e: {  	[tilespmem:s23], [sflag:$0x5] =	stream.indirect_vreg.gather [hbm4b:s3+s2], $0x80, v4, vm0, $0x2000b8;
	[tilespmem:$0x8200] =	vst v63  }
0x3f: {  	v3 =	vperm.xlane v3, v2  }
0x40: {  	[tilespmem:s24], [sflag:$0x5] =	stream.indirect_vreg.gather [hbm4b:s5+s2], $0x80, v4, vm0, $0x2000b8;
	[tilespmem:$0x8200] =	vst v63  }
0x41: {  	v3 =	vadd.s32 v1, v3  }
0x42: {  	[tilespmem:s25], [sflag:$0x5] =	stream.indirect_vreg.gather [hbm4b:s6+s2], $0x80, v4, vm0, $0x2000b8;
	[tilespmem:$0x8200] =	vst v63  }
0x43: {  	_ = 	snop  }
0x44: {  	[tilespmem:s26], [sflag:$0x5] =	stream.indirect_vreg.gather [hbm4b:s7+s2], $0x80, v4, vm0, $0x2000b8;
	[tilespmem:$0x8200] =	vst v63  }
0x45: {  	_ = 	snop  }
0x46: {  	[tilespmem:s28], [sflag:$0x5] =	stream.indirect_vreg.gather [hbm4b:s3+s2], $0x80, v3, vm0, $0x2000b8;
	[tilespmem:$0x8200] =	vst v63  }
0x47: {  	_ = 	snop  }
0x48: {  	[tilespmem:s29], [sflag:$0x5] =	stream.indirect_vreg.gather [hbm4b:s5+s2], $0x80, v3, vm0, $0x2000b8;
	[tilespmem:$0x8200] =	vst v63  }
0x49: {  	_ = 	snop  }
0x4a: {  	[tilespmem:s30], [sflag:$0x5] =	stream.indirect_vreg.gather [hbm4b:s6+s2], $0x80, v3, vm0, $0x2000b8;
	[tilespmem:$0x8200] =	vst v63  }
0x4b: {  	_ = 	snop  }
0x4c: {  	[tilespmem:s31], [sflag:$0x5] =	stream.indirect_vreg.gather [hbm4b:s7+s2], $0x80, v3, vm0, $0x2000b8;
	[tilespmem:$0x8200] =	vst v63  }
0x4d: {  	_ =	swait.ge [sflag:s0], $0x8000  }
0x4e: {  	[sflag:s0] =	ssyncset.done $0x0  }
0x4f: {  	[sflag:s0] =	ssyncadd.s32 $0xFFFF8000  }
0x50: {  	v3 =	vld [tilespmem:$0x8100];
	_ =	sdelay $0x4  }
0x51: {  	v50 =	vshll.u32 v3, $0x3  }
0x52: {  	v3 =	vand.u32 $0x7, v3;
	v4 =	vand.u32 $0xFFFFFFC0, v50  }
0x53: {  	v3 =	vor.u32 v3, v4  }
0x54: {  	v4 =	vperm.xlane v3, v0;
	_ =	sdelay $0x1  }
0x55: {  	v4 =	vadd.s32 v1, v4;
	_ =	sdelay $0x4  }
0x56: {  	[hbm4b:s4+s2] =	stream.indirect_vreg.scatter [tilespmem:s2], [sflag:$0x5], $0x80, v4, vm0, $0x2000b8;
	[tilespmem:$0x8200] =	vst v63  }
0x57: {  	v3 =	vperm.xlane v3, v2  }
0x58: {  	[hbm4b:s8+s2] =	stream.indirect_vreg.scatter [tilespmem:s16], [sflag:$0x5], $0x80, v4, vm0, $0x2000b8;
	[tilespmem:$0x8200] =	vst v63  }
0x59: {  	v3 =	vadd.s32 v1, v3  }
0x5a: {  	[hbm4b:s9+s2] =	stream.indirect_vreg.scatter [tilespmem:s17], [sflag:$0x5], $0x80, v4, vm0, $0x2000b8;
	[tilespmem:$0x8200] =	vst v63  }
0x5b: {  	_ = 	snop  }
0x5c: {  	[hbm4b:s10+s2] =	stream.indirect_vreg.scatter [tilespmem:s18], [sflag:$0x5], $0x80, v4, vm0, $0x2000b8;
	[tilespmem:$0x8200] =	vst v63  }
0x5d: {  	_ = 	snop  }
0x5e: {  	[hbm4b:s4+s2] =	stream.indirect_vreg.scatter [tilespmem:s19], [sflag:$0x5], $0x80, v3, vm0, $0x2000b8;
	[tilespmem:$0x8200] =	vst v63  }
0x5f: {  	_ = 	snop  }
0x60: {  	[hbm4b:s8+s2] =	stream.indirect_vreg.scatter [tilespmem:s20], [sflag:$0x5], $0x80, v3, vm0, $0x2000b8;
	[tilespmem:$0x8200] =	vst v63  }
0x61: {  	_ = 	snop  }
0x62: {  	[hbm4b:s9+s2] =	stream.indirect_vreg.scatter [tilespmem:s21], [sflag:$0x5], $0x80, v3, vm0, $0x2000b8;
	[tilespmem:$0x8200] =	vst v63  }
0x63: {  	_ = 	snop  }
0x64: {  	[hbm4b:s10+s2] =	stream.indirect_vreg.scatter [tilespmem:s22], [sflag:$0x5], $0x80, v3, vm0, $0x2000b8;
	[tilespmem:$0x8200] =	vst v63  }
0x65: {  	v3 =	vld [tilespmem:$0x8110];
	_ =	sdelay $0x4  }
0x66: {  	v51 =	vshll.u32 v3, $0x3  }
0x67: {  	v3 =	vand.u32 $0x7, v3;
	v4 =	vand.u32 $0xFFFFFFC0, v51  }
0x68: {  	v3 =	vor.u32 v3, v4  }
0x69: {  	v4 =	vperm.xlane v3, v0;
	_ =	sdelay $0x1  }
0x6a: {  	v4 =	vadd.s32 v1, v4;
	_ =	sdelay $0x4  }
0x6b: {  	[hbm4b:s4+s2] =	stream.indirect_vreg.scatter [tilespmem:s23], [sflag:$0x5], $0x80, v4, vm0, $0x2000b8;
	[tilespmem:$0x8200] =	vst v63  }
0x6c: {  	v3 =	vperm.xlane v3, v2  }
0x6d: {  	[hbm4b:s8+s2] =	stream.indirect_vreg.scatter [tilespmem:s24], [sflag:$0x5], $0x80, v4, vm0, $0x2000b8;
	[tilespmem:$0x8200] =	vst v63  }
0x6e: {  	v3 =	vadd.s32 v1, v3  }
0x6f: {  	[hbm4b:s9+s2] =	stream.indirect_vreg.scatter [tilespmem:s25], [sflag:$0x5], $0x80, v4, vm0, $0x2000b8;
	[tilespmem:$0x8200] =	vst v63  }
0x70: {  	_ = 	snop  }
0x71: {  	[hbm4b:s10+s2] =	stream.indirect_vreg.scatter [tilespmem:s26], [sflag:$0x5], $0x80, v4, vm0, $0x2000b8;
	[tilespmem:$0x8200] =	vst v63  }
0x72: {  	_ = 	snop  }
0x73: {  	[hbm4b:s4+s2] =	stream.indirect_vreg.scatter [tilespmem:s28], [sflag:$0x5], $0x80, v3, vm0, $0x2000b8;
	[tilespmem:$0x8200] =	vst v63  }
0x74: {  	_ = 	snop  }
0x75: {  	[hbm4b:s8+s2] =	stream.indirect_vreg.scatter [tilespmem:s29], [sflag:$0x5], $0x80, v3, vm0, $0x2000b8;
	[tilespmem:$0x8200] =	vst v63  }
0x76: {  	_ = 	snop  }
0x77: {  	[hbm4b:s9+s2] =	stream.indirect_vreg.scatter [tilespmem:s30], [sflag:$0x5], $0x80, v3, vm0, $0x2000b8;
	[tilespmem:$0x8200] =	vst v63  }
0x78: {  	_ = 	snop  }
0x79: {  	[hbm4b:s10+s2] =	stream.indirect_vreg.scatter [tilespmem:s31], [sflag:$0x5], $0x80, v3, vm0, $0x2000b8;
	[tilespmem:$0x8200] =	vst v63  }
0x7a: {  	_ =	swait.ge [sflag:s0], $0x8000  }
0x7b: {  	[sflag:s0] =	ssyncset.done $0x0  }
0x7c: {  	[sflag:s0] =	ssyncadd.s32 $0xFFFF8000  }
0x7d: {  	v3 =	vld [tilespmem:$0x8020];
	_ =	sdelay $0x4  }
0x7e: {  	v52 =	vshll.u32 v3, $0x3  }
0x7f: {  	v3 =	vand.u32 $0x7, v3;
	v4 =	vand.u32 $0xFFFFFFC0, v52  }
0x80: {  	v3 =	vor.u32 v3, v4  }
0x81: {  	v4 =	vperm.xlane v3, v0;
	_ =	sdelay $0x1  }
0x82: {  	v4 =	vadd.s32 v1, v4;
	_ =	sdelay $0x4  }
0x83: {  	[tilespmem:s2], [sflag:$0x5] =	stream.indirect_vreg.gather [hbm4b:s3+s2], $0x80, v4, vm0, $0x2000b8;
	[tilespmem:$0x8200] =	vst v63  }
0x84: {  	v3 =	vperm.xlane v3, v2  }
0x85: {  	[tilespmem:s16], [sflag:$0x5] =	stream.indirect_vreg.gather [hbm4b:s5+s2], $0x80, v4, vm0, $0x2000b8;
	[tilespmem:$0x8200] =	vst v63  }
0x86: {  	v3 =	vadd.s32 v1, v3  }
0x87: {  	[tilespmem:s17], [sflag:$0x5] =	stream.indirect_vreg.gather [hbm4b:s6+s2], $0x80, v4, vm0, $0x2000b8;
	[tilespmem:$0x8200] =	vst v63  }
0x88: {  	_ = 	snop  }
0x89: {  	[tilespmem:s18], [sflag:$0x5] =	stream.indirect_vreg.gather [hbm4b:s7+s2], $0x80, v4, vm0, $0x2000b8;
	[tilespmem:$0x8200] =	vst v63  }
0x8a: {  	_ = 	snop  }
0x8b: {  	[tilespmem:s19], [sflag:$0x5] =	stream.indirect_vreg.gather [hbm4b:s3+s2], $0x80, v3, vm0, $0x2000b8;
	[tilespmem:$0x8200] =	vst v63  }
0x8c: {  	_ = 	snop  }
0x8d: {  	[tilespmem:s20], [sflag:$0x5] =	stream.indirect_vreg.gather [hbm4b:s5+s2], $0x80, v3, vm0, $0x2000b8;
	[tilespmem:$0x8200] =	vst v63  }
0x8e: {  	_ = 	snop  }
0x8f: {  	[tilespmem:s21], [sflag:$0x5] =	stream.indirect_vreg.gather [hbm4b:s6+s2], $0x80, v3, vm0, $0x2000b8;
	[tilespmem:$0x8200] =	vst v63  }
0x90: {  	_ = 	snop  }
0x91: {  	[tilespmem:s22], [sflag:$0x5] =	stream.indirect_vreg.gather [hbm4b:s7+s2], $0x80, v3, vm0, $0x2000b8;
	[tilespmem:$0x8200] =	vst v63  }
0x92: {  	v3 =	vld [tilespmem:$0x8030];
	_ =	sdelay $0x4  }
0x93: {  	v53 =	vshll.u32 v3, $0x3  }
0x94: {  	v3 =	vand.u32 $0x7, v3;
	v4 =	vand.u32 $0xFFFFFFC0, v53  }
0x95: {  	v3 =	vor.u32 v3, v4  }
0x96: {  	v4 =	vperm.xlane v3, v0;
	_ =	sdelay $0x1  }
0x97: {  	v4 =	vadd.s32 v1, v4;
	_ =	sdelay $0x4  }
0x98: {  	[tilespmem:s23], [sflag:$0x5] =	stream.indirect_vreg.gather [hbm4b:s3+s2], $0x80, v4, vm0, $0x2000b8;
	[tilespmem:$0x8200] =	vst v63  }
0x99: {  	v3 =	vperm.xlane v3, v2  }
0x9a: {  	[tilespmem:s24], [sflag:$0x5] =	stream.indirect_vreg.gather [hbm4b:s5+s2], $0x80, v4, vm0, $0x2000b8;
	[tilespmem:$0x8200] =	vst v63  }
0x9b: {  	v3 =	vadd.s32 v1, v3  }
0x9c: {  	[tilespmem:s25], [sflag:$0x5] =	stream.indirect_vreg.gather [hbm4b:s6+s2], $0x80, v4, vm0, $0x2000b8;
	[tilespmem:$0x8200] =	vst v63  }
0x9d: {  	_ = 	snop  }
0x9e: {  	[tilespmem:s26], [sflag:$0x5] =	stream.indirect_vreg.gather [hbm4b:s7+s2], $0x80, v4, vm0, $0x2000b8;
	[tilespmem:$0x8200] =	vst v63  }
0x9f: {  	_ = 	snop  }
0xa0: {  	[tilespmem:s28], [sflag:$0x5] =	stream.indirect_vreg.gather [hbm4b:s3+s2], $0x80, v3, vm0, $0x2000b8;
	[tilespmem:$0x8200] =	vst v63  }
0xa1: {  	_ = 	snop  }
0xa2: {  	[tilespmem:s29], [sflag:$0x5] =	stream.indirect_vreg.gather [hbm4b:s5+s2], $0x80, v3, vm0, $0x2000b8;
	[tilespmem:$0x8200] =	vst v63  }
0xa3: {  	_ = 	snop  }
0xa4: {  	[tilespmem:s30], [sflag:$0x5] =	stream.indirect_vreg.gather [hbm4b:s6+s2], $0x80, v3, vm0, $0x2000b8;
	[tilespmem:$0x8200] =	vst v63  }
0xa5: {  	_ = 	snop  }
0xa6: {  	[tilespmem:s31], [sflag:$0x5] =	stream.indirect_vreg.gather [hbm4b:s7+s2], $0x80, v3, vm0, $0x2000b8;
	[tilespmem:$0x8200] =	vst v63  }
0xa7: {  	_ =	swait.ge [sflag:s0], $0x8000  }
0xa8: {  	[sflag:s0] =	ssyncset.done $0x0  }
0xa9: {  	[sflag:s0] =	ssyncadd.s32 $0xFFFF8000  }
0xaa: {  	v3 =	vld [tilespmem:$0x8120];
	_ =	sdelay $0x4  }
0xab: {  	v54 =	vshll.u32 v3, $0x3  }
0xac: {  	v3 =	vand.u32 $0x7, v3;
	v4 =	vand.u32 $0xFFFFFFC0, v54  }
0xad: {  	v3 =	vor.u32 v3, v4  }
0xae: {  	v4 =	vperm.xlane v3, v0;
	_ =	sdelay $0x1  }
0xaf: {  	v4 =	vadd.s32 v1, v4;
	_ =	sdelay $0x4  }
0xb0: {  	[hbm4b:s4+s2] =	stream.indirect_vreg.scatter [tilespmem:s2], [sflag:$0x5], $0x80, v4, vm0, $0x2000b8;
	[tilespmem:$0x8200] =	vst v63  }
0xb1: {  	v3 =	vperm.xlane v3, v2  }
0xb2: {  	[hbm4b:s8+s2] =	stream.indirect_vreg.scatter [tilespmem:s16], [sflag:$0x5], $0x80, v4, vm0, $0x2000b8;
	[tilespmem:$0x8200] =	vst v63  }
0xb3: {  	v3 =	vadd.s32 v1, v3  }
0xb4: {  	[hbm4b:s9+s2] =	stream.indirect_vreg.scatter [tilespmem:s17], [sflag:$0x5], $0x80, v4, vm0, $0x2000b8;
	[tilespmem:$0x8200] =	vst v63  }
0xb5: {  	_ = 	snop  }
0xb6: {  	[hbm4b:s10+s2] =	stream.indirect_vreg.scatter [tilespmem:s18], [sflag:$0x5], $0x80, v4, vm0, $0x2000b8;
	[tilespmem:$0x8200] =	vst v63  }
0xb7: {  	_ = 	snop  }
0xb8: {  	[hbm4b:s4+s2] =	stream.indirect_vreg.scatter [tilespmem:s19], [sflag:$0x5], $0x80, v3, vm0, $0x2000b8;
	[tilespmem:$0x8200] =	vst v63  }
0xb9: {  	_ = 	snop  }
0xba: {  	[hbm4b:s8+s2] =	stream.indirect_vreg.scatter [tilespmem:s20], [sflag:$0x5], $0x80, v3, vm0, $0x2000b8;
	[tilespmem:$0x8200] =	vst v63  }
0xbb: {  	_ = 	snop  }
0xbc: {  	[hbm4b:s9+s2] =	stream.indirect_vreg.scatter [tilespmem:s21], [sflag:$0x5], $0x80, v3, vm0, $0x2000b8;
	[tilespmem:$0x8200] =	vst v63  }
0xbd: {  	_ = 	snop  }
0xbe: {  	[hbm4b:s10+s2] =	stream.indirect_vreg.scatter [tilespmem:s22], [sflag:$0x5], $0x80, v3, vm0, $0x2000b8;
	[tilespmem:$0x8200] =	vst v63  }
0xbf: {  	v3 =	vld [tilespmem:$0x8130];
	_ =	sdelay $0x4  }
0xc0: {  	v55 =	vshll.u32 v3, $0x3  }
0xc1: {  	v3 =	vand.u32 $0x7, v3;
	v4 =	vand.u32 $0xFFFFFFC0, v55  }
0xc2: {  	v3 =	vor.u32 v3, v4  }
0xc3: {  	v4 =	vperm.xlane v3, v0;
	_ =	sdelay $0x1  }
0xc4: {  	v4 =	vadd.s32 v1, v4;
	_ =	sdelay $0x4  }
0xc5: {  	[hbm4b:s4+s2] =	stream.indirect_vreg.scatter [tilespmem:s23], [sflag:$0x5], $0x80, v4, vm0, $0x2000b8;
	[tilespmem:$0x8200] =	vst v63  }
0xc6: {  	v3 =	vperm.xlane v3, v2  }
0xc7: {  	[hbm4b:s8+s2] =	stream.indirect_vreg.scatter [tilespmem:s24], [sflag:$0x5], $0x80, v4, vm0, $0x2000b8;
	[tilespmem:$0x8200] =	vst v63  }
0xc8: {  	v3 =	vadd.s32 v1, v3  }
0xc9: {  	[hbm4b:s9+s2] =	stream.indirect_vreg.scatter [tilespmem:s25], [sflag:$0x5], $0x80, v4, vm0, $0x2000b8;
	[tilespmem:$0x8200] =	vst v63  }
0xca: {  	_ = 	snop  }
0xcb: {  	[hbm4b:s10+s2] =	stream.indirect_vreg.scatter [tilespmem:s26], [sflag:$0x5], $0x80, v4, vm0, $0x2000b8;
	[tilespmem:$0x8200] =	vst v63  }
0xcc: {  	_ = 	snop  }
0xcd: {  	[hbm4b:s4+s2] =	stream.indirect_vreg.scatter [tilespmem:s28], [sflag:$0x5], $0x80, v3, vm0, $0x2000b8;
	[tilespmem:$0x8200] =	vst v63  }
0xce: {  	_ = 	snop  }
0xcf: {  	[hbm4b:s8+s2] =	stream.indirect_vreg.scatter [tilespmem:s29], [sflag:$0x5], $0x80, v3, vm0, $0x2000b8;
	[tilespmem:$0x8200] =	vst v63  }
0xd0: {  	_ = 	snop  }
0xd1: {  	[hbm4b:s9+s2] =	stream.indirect_vreg.scatter [tilespmem:s30], [sflag:$0x5], $0x80, v3, vm0, $0x2000b8;
	[tilespmem:$0x8200] =	vst v63  }
0xd2: {  	_ = 	snop  }
0xd3: {  	[hbm4b:s10+s2] =	stream.indirect_vreg.scatter [tilespmem:s31], [sflag:$0x5], $0x80, v3, vm0, $0x2000b8;
	[tilespmem:$0x8200] =	vst v63  }
0xd4: {  	_ =	swait.ge [sflag:s0], $0x8000  }
0xd5: {  	[sflag:s0] =	ssyncset.done $0x0  }
0xd6: {  	[sflag:s0] =	ssyncadd.s32 $0xFFFF8000  }
0xd7: {  	v3 =	vld [tilespmem:$0x8040];
	_ =	sdelay $0x4  }
0xd8: {  	v56 =	vshll.u32 v3, $0x3  }
0xd9: {  	v3 =	vand.u32 $0x7, v3;
	v4 =	vand.u32 $0xFFFFFFC0, v56  }
0xda: {  	v3 =	vor.u32 v3, v4  }
0xdb: {  	v4 =	vperm.xlane v3, v0;
	_ =	sdelay $0x1  }
0xdc: {  	v4 =	vadd.s32 v1, v4;
	_ =	sdelay $0x4  }
0xdd: {  	[tilespmem:s2], [sflag:$0x5] =	stream.indirect_vreg.gather [hbm4b:s3+s2], $0x80, v4, vm0, $0x2000b8;
	[tilespmem:$0x8200] =	vst v63  }
0xde: {  	v3 =	vperm.xlane v3, v2  }
0xdf: {  	[tilespmem:s16], [sflag:$0x5] =	stream.indirect_vreg.gather [hbm4b:s5+s2], $0x80, v4, vm0, $0x2000b8;
	[tilespmem:$0x8200] =	vst v63  }
0xe0: {  	v3 =	vadd.s32 v1, v3  }
0xe1: {  	[tilespmem:s17], [sflag:$0x5] =	stream.indirect_vreg.gather [hbm4b:s6+s2], $0x80, v4, vm0, $0x2000b8;
	[tilespmem:$0x8200] =	vst v63  }
0xe2: {  	_ = 	snop  }
0xe3: {  	[tilespmem:s18], [sflag:$0x5] =	stream.indirect_vreg.gather [hbm4b:s7+s2], $0x80, v4, vm0, $0x2000b8;
	[tilespmem:$0x8200] =	vst v63  }
0xe4: {  	_ = 	snop  }
0xe5: {  	[tilespmem:s19], [sflag:$0x5] =	stream.indirect_vreg.gather [hbm4b:s3+s2], $0x80, v3, vm0, $0x2000b8;
	[tilespmem:$0x8200] =	vst v63  }
0xe6: {  	_ = 	snop  }
0xe7: {  	[tilespmem:s20], [sflag:$0x5] =	stream.indirect_vreg.gather [hbm4b:s5+s2], $0x80, v3, vm0, $0x2000b8;
	[tilespmem:$0x8200] =	vst v63  }
0xe8: {  	_ = 	snop  }
0xe9: {  	[tilespmem:s21], [sflag:$0x5] =	stream.indirect_vreg.gather [hbm4b:s6+s2], $0x80, v3, vm0, $0x2000b8;
	[tilespmem:$0x8200] =	vst v63  }
0xea: {  	_ = 	snop  }
0xeb: {  	[tilespmem:s22], [sflag:$0x5] =	stream.indirect_vreg.gather [hbm4b:s7+s2], $0x80, v3, vm0, $0x2000b8;
	[tilespmem:$0x8200] =	vst v63  }
0xec: {  	v3 =	vld [tilespmem:$0x8050];
	_ =	sdelay $0x4  }
0xed: {  	v57 =	vshll.u32 v3, $0x3  }
0xee: {  	v3 =	vand.u32 $0x7, v3;
	v4 =	vand.u32 $0xFFFFFFC0, v57  }
0xef: {  	v3 =	vor.u32 v3, v4  }
0xf0: {  	v4 =	vperm.xlane v3, v0;
	_ =	sdelay $0x1  }
0xf1: {  	v4 =	vadd.s32 v1, v4;
	_ =	sdelay $0x4  }
0xf2: {  	[tilespmem:s23], [sflag:$0x5] =	stream.indirect_vreg.gather [hbm4b:s3+s2], $0x80, v4, vm0, $0x2000b8;
	[tilespmem:$0x8200] =	vst v63  }
0xf3: {  	v3 =	vperm.xlane v3, v2  }
0xf4: {  	[tilespmem:s24], [sflag:$0x5] =	stream.indirect_vreg.gather [hbm4b:s5+s2], $0x80, v4, vm0, $0x2000b8;
	[tilespmem:$0x8200] =	vst v63  }
0xf5: {  	v3 =	vadd.s32 v1, v3  }
0xf6: {  	[tilespmem:s25], [sflag:$0x5] =	stream.indirect_vreg.gather [hbm4b:s6+s2], $0x80, v4, vm0, $0x2000b8;
	[tilespmem:$0x8200] =	vst v63  }
0xf7: {  	_ = 	snop  }
0xf8: {  	[tilespmem:s26], [sflag:$0x5] =	stream.indirect_vreg.gather [hbm4b:s7+s2], $0x80, v4, vm0, $0x2000b8;
	[tilespmem:$0x8200] =	vst v63  }
0xf9: {  	_ = 	snop  }
0xfa: {  	[tilespmem:s28], [sflag:$0x5] =	stream.indirect_vreg.gather [hbm4b:s3+s2], $0x80, v3, vm0, $0x2000b8;
	[tilespmem:$0x8200] =	vst v63  }
0xfb: {  	_ = 	snop  }
0xfc: {  	[tilespmem:s29], [sflag:$0x5] =	stream.indirect_vreg.gather [hbm4b:s5+s2], $0x80, v3, vm0, $0x2000b8;
	[tilespmem:$0x8200] =	vst v63  }
0xfd: {  	_ = 	snop  }
0xfe: {  	[tilespmem:s30], [sflag:$0x5] =	stream.indirect_vreg.gather [hbm4b:s6+s2], $0x80, v3, vm0, $0x2000b8;
	[tilespmem:$0x8200] =	vst v63  }
0xff: {  	_ = 	snop  }
0x100: {  	[tilespmem:s31], [sflag:$0x5] =	stream.indirect_vreg.gather [hbm4b:s7+s2], $0x80, v3, vm0, $0x2000b8;
	[tilespmem:$0x8200] =	vst v63  }
0x101: {  	_ =	swait.ge [sflag:s0], $0x8000  }
0x102: {  	[sflag:s0] =	ssyncset.done $0x0  }
0x103: {  	[sflag:s0] =	ssyncadd.s32 $0xFFFF8000  }
0x104: {  	v3 =	vld [tilespmem:$0x8140];
	_ =	sdelay $0x4  }
0x105: {  	v58 =	vshll.u32 v3, $0x3  }
0x106: {  	v3 =	vand.u32 $0x7, v3;
	v4 =	vand.u32 $0xFFFFFFC0, v58  }
0x107: {  	v3 =	vor.u32 v3, v4  }
0x108: {  	v4 =	vperm.xlane v3, v0;
	_ =	sdelay $0x1  }
0x109: {  	v4 =	vadd.s32 v1, v4;
	_ =	sdelay $0x4  }
0x10a: {  	[hbm4b:s4+s2] =	stream.indirect_vreg.scatter [tilespmem:s2], [sflag:$0x5], $0x80, v4, vm0, $0x2000b8;
	[tilespmem:$0x8200] =	vst v63  }
0x10b: {  	v3 =	vperm.xlane v3, v2  }
0x10c: {  	[hbm4b:s8+s2] =	stream.indirect_vreg.scatter [tilespmem:s16], [sflag:$0x5], $0x80, v4, vm0, $0x2000b8;
	[tilespmem:$0x8200] =	vst v63  }
0x10d: {  	v3 =	vadd.s32 v1, v3  }
0x10e: {  	[hbm4b:s9+s2] =	stream.indirect_vreg.scatter [tilespmem:s17], [sflag:$0x5], $0x80, v4, vm0, $0x2000b8;
	[tilespmem:$0x8200] =	vst v63  }
0x10f: {  	_ = 	snop  }
0x110: {  	[hbm4b:s10+s2] =	stream.indirect_vreg.scatter [tilespmem:s18], [sflag:$0x5], $0x80, v4, vm0, $0x2000b8;
	[tilespmem:$0x8200] =	vst v63  }
0x111: {  	_ = 	snop  }
0x112: {  	[hbm4b:s4+s2] =	stream.indirect_vreg.scatter [tilespmem:s19], [sflag:$0x5], $0x80, v3, vm0, $0x2000b8;
	[tilespmem:$0x8200] =	vst v63  }
0x113: {  	_ = 	snop  }
0x114: {  	[hbm4b:s8+s2] =	stream.indirect_vreg.scatter [tilespmem:s20], [sflag:$0x5], $0x80, v3, vm0, $0x2000b8;
	[tilespmem:$0x8200] =	vst v63  }
0x115: {  	_ = 	snop  }
0x116: {  	[hbm4b:s9+s2] =	stream.indirect_vreg.scatter [tilespmem:s21], [sflag:$0x5], $0x80, v3, vm0, $0x2000b8;
	[tilespmem:$0x8200] =	vst v63  }
0x117: {  	_ = 	snop  }
0x118: {  	[hbm4b:s10+s2] =	stream.indirect_vreg.scatter [tilespmem:s22], [sflag:$0x5], $0x80, v3, vm0, $0x2000b8;
	[tilespmem:$0x8200] =	vst v63  }
0x119: {  	v3 =	vld [tilespmem:$0x8150];
	_ =	sdelay $0x4  }
0x11a: {  	v59 =	vshll.u32 v3, $0x3  }
0x11b: {  	v3 =	vand.u32 $0x7, v3;
	v4 =	vand.u32 $0xFFFFFFC0, v59  }
0x11c: {  	v3 =	vor.u32 v3, v4  }
0x11d: {  	v4 =	vperm.xlane v3, v0;
	_ =	sdelay $0x1  }
0x11e: {  	v4 =	vadd.s32 v1, v4;
	_ =	sdelay $0x4  }
0x11f: {  	[hbm4b:s4+s2] =	stream.indirect_vreg.scatter [tilespmem:s23], [sflag:$0x5], $0x80, v4, vm0, $0x2000b8;
	[tilespmem:$0x8200] =	vst v63  }
0x120: {  	v3 =	vperm.xlane v3, v2  }
0x121: {  	[hbm4b:s8+s2] =	stream.indirect_vreg.scatter [tilespmem:s24], [sflag:$0x5], $0x80, v4, vm0, $0x2000b8;
	[tilespmem:$0x8200] =	vst v63  }
0x122: {  	v3 =	vadd.s32 v1, v3  }
0x123: {  	[hbm4b:s9+s2] =	stream.indirect_vreg.scatter [tilespmem:s25], [sflag:$0x5], $0x80, v4, vm0, $0x2000b8;
	[tilespmem:$0x8200] =	vst v63  }
0x124: {  	_ = 	snop  }
0x125: {  	[hbm4b:s10+s2] =	stream.indirect_vreg.scatter [tilespmem:s26], [sflag:$0x5], $0x80, v4, vm0, $0x2000b8;
	[tilespmem:$0x8200] =	vst v63  }
0x126: {  	_ = 	snop  }
0x127: {  	[hbm4b:s4+s2] =	stream.indirect_vreg.scatter [tilespmem:s28], [sflag:$0x5], $0x80, v3, vm0, $0x2000b8;
	[tilespmem:$0x8200] =	vst v63  }
0x128: {  	_ = 	snop  }
0x129: {  	[hbm4b:s8+s2] =	stream.indirect_vreg.scatter [tilespmem:s29], [sflag:$0x5], $0x80, v3, vm0, $0x2000b8;
	[tilespmem:$0x8200] =	vst v63  }
0x12a: {  	_ = 	snop  }
0x12b: {  	[hbm4b:s9+s2] =	stream.indirect_vreg.scatter [tilespmem:s30], [sflag:$0x5], $0x80, v3, vm0, $0x2000b8;
	[tilespmem:$0x8200] =	vst v63  }
0x12c: {  	_ = 	snop  }
0x12d: {  	[hbm4b:s10+s2] =	stream.indirect_vreg.scatter [tilespmem:s31], [sflag:$0x5], $0x80, v3, vm0, $0x2000b8;
	[tilespmem:$0x8200] =	vst v63  }
0x12e: {  	_ =	swait.ge [sflag:s0], $0x8000  }
0x12f: {  	[sflag:s0] =	ssyncset.done $0x0  }
0x130: {  	[sflag:s0] =	ssyncadd.s32 $0xFFFF8000  }
0x131: {  	v3 =	vld [tilespmem:$0x8060];
	_ =	sdelay $0x4  }
0x132: {  	v60 =	vshll.u32 v3, $0x3  }
0x133: {  	v3 =	vand.u32 $0x7, v3;
	v4 =	vand.u32 $0xFFFFFFC0, v60  }
0x134: {  	v3 =	vor.u32 v3, v4  }
0x135: {  	v4 =	vperm.xlane v3, v0;
	_ =	sdelay $0x1  }
0x136: {  	v4 =	vadd.s32 v1, v4;
	_ =	sdelay $0x4  }
0x137: {  	[tilespmem:s2], [sflag:$0x5] =	stream.indirect_vreg.gather [hbm4b:s3+s2], $0x80, v4, vm0, $0x2000b8;
	[tilespmem:$0x8200] =	vst v63  }
0x138: {  	v3 =	vperm.xlane v3, v2  }
0x139: {  	[tilespmem:s16], [sflag:$0x5] =	stream.indirect_vreg.gather [hbm4b:s5+s2], $0x80, v4, vm0, $0x2000b8;
	[tilespmem:$0x8200] =	vst v63  }
0x13a: {  	v3 =	vadd.s32 v1, v3  }
0x13b: {  	[tilespmem:s17], [sflag:$0x5] =	stream.indirect_vreg.gather [hbm4b:s6+s2], $0x80, v4, vm0, $0x2000b8;
	[tilespmem:$0x8200] =	vst v63  }
0x13c: {  	_ = 	snop  }
0x13d: {  	[tilespmem:s18], [sflag:$0x5] =	stream.indirect_vreg.gather [hbm4b:s7+s2], $0x80, v4, vm0, $0x2000b8;
	[tilespmem:$0x8200] =	vst v63  }
0x13e: {  	_ = 	snop  }
0x13f: {  	[tilespmem:s19], [sflag:$0x5] =	stream.indirect_vreg.gather [hbm4b:s3+s2], $0x80, v3, vm0, $0x2000b8;
	[tilespmem:$0x8200] =	vst v63  }
0x140: {  	_ = 	snop  }
0x141: {  	[tilespmem:s20], [sflag:$0x5] =	stream.indirect_vreg.gather [hbm4b:s5+s2], $0x80, v3, vm0, $0x2000b8;
	[tilespmem:$0x8200] =	vst v63  }
0x142: {  	_ = 	snop  }
0x143: {  	[tilespmem:s21], [sflag:$0x5] =	stream.indirect_vreg.gather [hbm4b:s6+s2], $0x80, v3, vm0, $0x2000b8;
	[tilespmem:$0x8200] =	vst v63  }
0x144: {  	_ = 	snop  }
0x145: {  	[tilespmem:s22], [sflag:$0x5] =	stream.indirect_vreg.gather [hbm4b:s7+s2], $0x80, v3, vm0, $0x2000b8;
	[tilespmem:$0x8200] =	vst v63  }
0x146: {  	v3 =	vld [tilespmem:$0x8070];
	_ =	sdelay $0x4  }
0x147: {  	v61 =	vshll.u32 v3, $0x3  }
0x148: {  	v3 =	vand.u32 $0x7, v3;
	v4 =	vand.u32 $0xFFFFFFC0, v61  }
0x149: {  	v3 =	vor.u32 v3, v4  }
0x14a: {  	v4 =	vperm.xlane v3, v0;
	_ =	sdelay $0x1  }
0x14b: {  	v4 =	vadd.s32 v1, v4;
	_ =	sdelay $0x4  }
0x14c: {  	[tilespmem:s23], [sflag:$0x5] =	stream.indirect_vreg.gather [hbm4b:s3+s2], $0x80, v4, vm0, $0x2000b8;
	[tilespmem:$0x8200] =	vst v63  }
0x14d: {  	v3 =	vperm.xlane v3, v2  }
0x14e: {  	[tilespmem:s24], [sflag:$0x5] =	stream.indirect_vreg.gather [hbm4b:s5+s2], $0x80, v4, vm0, $0x2000b8;
	[tilespmem:$0x8200] =	vst v63  }
0x14f: {  	v3 =	vadd.s32 v1, v3  }
0x150: {  	[tilespmem:s25], [sflag:$0x5] =	stream.indirect_vreg.gather [hbm4b:s6+s2], $0x80, v4, vm0, $0x2000b8;
	[tilespmem:$0x8200] =	vst v63  }
0x151: {  	_ = 	snop  }
0x152: {  	[tilespmem:s26], [sflag:$0x5] =	stream.indirect_vreg.gather [hbm4b:s7+s2], $0x80, v4, vm0, $0x2000b8;
	[tilespmem:$0x8200] =	vst v63  }
0x153: {  	_ = 	snop  }
0x154: {  	[tilespmem:s28], [sflag:$0x5] =	stream.indirect_vreg.gather [hbm4b:s3+s2], $0x80, v3, vm0, $0x2000b8;
	[tilespmem:$0x8200] =	vst v63  }
0x155: {  	_ = 	snop  }
0x156: {  	[tilespmem:s29], [sflag:$0x5] =	stream.indirect_vreg.gather [hbm4b:s5+s2], $0x80, v3, vm0, $0x2000b8;
	[tilespmem:$0x8200] =	vst v63  }
0x157: {  	_ = 	snop  }
0x158: {  	[tilespmem:s30], [sflag:$0x5] =	stream.indirect_vreg.gather [hbm4b:s6+s2], $0x80, v3, vm0, $0x2000b8;
	[tilespmem:$0x8200] =	vst v63  }
0x159: {  	_ = 	snop  }
0x15a: {  	[tilespmem:s31], [sflag:$0x5] =	stream.indirect_vreg.gather [hbm4b:s7+s2], $0x80, v3, vm0, $0x2000b8;
	[tilespmem:$0x8200] =	vst v63  }
0x15b: {  	_ =	swait.ge [sflag:s0], $0x8000  }
0x15c: {  	[sflag:s0] =	ssyncset.done $0x0  }
0x15d: {  	[sflag:s0] =	ssyncadd.s32 $0xFFFF8000  }
0x15e: {  	v3 =	vld [tilespmem:$0x8160];
	_ =	sdelay $0x4  }
0x15f: {  	v62 =	vshll.u32 v3, $0x3  }
0x160: {  	v3 =	vand.u32 $0x7, v3;
	v4 =	vand.u32 $0xFFFFFFC0, v62  }
0x161: {  	v3 =	vor.u32 v3, v4  }
0x162: {  	v4 =	vperm.xlane v3, v0;
	_ =	sdelay $0x1  }
0x163: {  	v4 =	vadd.s32 v1, v4;
	_ =	sdelay $0x4  }
0x164: {  	[hbm4b:s4+s2] =	stream.indirect_vreg.scatter [tilespmem:s2], [sflag:$0x5], $0x80, v4, vm0, $0x2000b8;
	[tilespmem:$0x8200] =	vst v63  }
0x165: {  	v3 =	vperm.xlane v3, v2  }
0x166: {  	[hbm4b:s8+s2] =	stream.indirect_vreg.scatter [tilespmem:s16], [sflag:$0x5], $0x80, v4, vm0, $0x2000b8;
	[tilespmem:$0x8200] =	vst v63  }
0x167: {  	v3 =	vadd.s32 v1, v3  }
0x168: {  	[hbm4b:s9+s2] =	stream.indirect_vreg.scatter [tilespmem:s17], [sflag:$0x5], $0x80, v4, vm0, $0x2000b8;
	[tilespmem:$0x8200] =	vst v63  }
0x169: {  	_ = 	snop  }
0x16a: {  	[hbm4b:s10+s2] =	stream.indirect_vreg.scatter [tilespmem:s18], [sflag:$0x5], $0x80, v4, vm0, $0x2000b8;
	[tilespmem:$0x8200] =	vst v63  }
0x16b: {  	_ = 	snop  }
0x16c: {  	[hbm4b:s4+s2] =	stream.indirect_vreg.scatter [tilespmem:s19], [sflag:$0x5], $0x80, v3, vm0, $0x2000b8;
	[tilespmem:$0x8200] =	vst v63  }
0x16d: {  	_ = 	snop  }
0x16e: {  	[hbm4b:s8+s2] =	stream.indirect_vreg.scatter [tilespmem:s20], [sflag:$0x5], $0x80, v3, vm0, $0x2000b8;
	[tilespmem:$0x8200] =	vst v63  }
0x16f: {  	_ = 	snop  }
0x170: {  	[hbm4b:s9+s2] =	stream.indirect_vreg.scatter [tilespmem:s21], [sflag:$0x5], $0x80, v3, vm0, $0x2000b8;
	[tilespmem:$0x8200] =	vst v63  }
0x171: {  	_ = 	snop  }
0x172: {  	[hbm4b:s10+s2] =	stream.indirect_vreg.scatter [tilespmem:s22], [sflag:$0x5], $0x80, v3, vm0, $0x2000b8;
	[tilespmem:$0x8200] =	vst v63  }
0x173: {  	v3 =	vld [tilespmem:$0x8170];
	_ =	sdelay $0x4  }
0x174: {  	v63 =	vshll.u32 v3, $0x3  }
0x175: {  	v3 =	vand.u32 $0x7, v3;
	v4 =	vand.u32 $0xFFFFFFC0, v63  }
0x176: {  	v3 =	vor.u32 v3, v4  }
0x177: {  	v4 =	vperm.xlane v3, v0;
	_ =	sdelay $0x1  }
0x178: {  	v4 =	vadd.s32 v1, v4;
	_ =	sdelay $0x4  }
0x179: {  	[hbm4b:s4+s2] =	stream.indirect_vreg.scatter [tilespmem:s23], [sflag:$0x5], $0x80, v4, vm0, $0x2000b8;
	[tilespmem:$0x8200] =	vst v63  }
0x17a: {  	v3 =	vperm.xlane v3, v2  }
0x17b: {  	[hbm4b:s8+s2] =	stream.indirect_vreg.scatter [tilespmem:s24], [sflag:$0x5], $0x80, v4, vm0, $0x2000b8;
	[tilespmem:$0x8200] =	vst v63  }
0x17c: {  	v3 =	vadd.s32 v1, v3  }
0x17d: {  	[hbm4b:s9+s2] =	stream.indirect_vreg.scatter [tilespmem:s25], [sflag:$0x5], $0x80, v4, vm0, $0x2000b8;
	[tilespmem:$0x8200] =	vst v63  }
0x17e: {  	_ = 	snop  }
0x17f: {  	[hbm4b:s10+s2] =	stream.indirect_vreg.scatter [tilespmem:s26], [sflag:$0x5], $0x80, v4, vm0, $0x2000b8;
	[tilespmem:$0x8200] =	vst v63  }
0x180: {  	_ = 	snop  }
0x181: {  	[hbm4b:s4+s2] =	stream.indirect_vreg.scatter [tilespmem:s28], [sflag:$0x5], $0x80, v3, vm0, $0x2000b8;
	[tilespmem:$0x8200] =	vst v63  }
0x182: {  	_ = 	snop  }
0x183: {  	[hbm4b:s8+s2] =	stream.indirect_vreg.scatter [tilespmem:s29], [sflag:$0x5], $0x80, v3, vm0, $0x2000b8;
	[tilespmem:$0x8200] =	vst v63  }
0x184: {  	_ = 	snop  }
0x185: {  	[hbm4b:s9+s2] =	stream.indirect_vreg.scatter [tilespmem:s30], [sflag:$0x5], $0x80, v3, vm0, $0x2000b8;
	[tilespmem:$0x8200] =	vst v63  }
0x186: {  	p0 =	sne.s32 s11, $0x1  }
0x187: {  	[hbm4b:s10+s2] =	stream.indirect_vreg.scatter [tilespmem:s31], [sflag:$0x5], $0x80, v3, vm0, $0x2000b8;
	[tilespmem:$0x8200] =	vst v63  }
.Ltmp0:
0x188: {  	_ = 	snop;
	(pc) =	sbr.rel @p0 .LBB2_1-.Ltmp0, $4  }
0x189: {  	_ =	swait.ge [sflag:s0], $0x8000  }
0x18a: {  	[sflag:s0] =	ssyncset.done $0x0  }
0x18b: {  	[sflag:s0] =	ssyncadd.s32 $0xFFFF8000  }
0x18c: {  	s11 =	sadd.s32 $0xFFFFFFFF, s11;
	_ =	strace $0x90000052  }
0x18d: {  	_ =	sfence.sel $0x180000  }
0x18e: {  	[bflag:$0x0] =	sbarrier.arrive $0xFFFF  }
0x18f: {  	_ =	strace $0x9000004E  }
0x190: {  	s0 =	stileid.u32;
	[bflag:$0x2] =	sbarrier.arrive $0xFFFF  }
0x191: {  	p0 =	sne.s32 s0, $0x0;
	s0 =	rddreg [dreg:$0x2]  }
0x192: {  	s0 =	sadd.s32 @!p0 $0x100000, s0  }
0x193: {  	[sflag:s0] =	ssyncadd.tile.s32 @!p0 $0x1;
	_ =	shalt  }
.Lfunc_end2:
_tile_overlayer_lowered:
.L_overlay_start_2:
0x194: {  	(tag) =	ssettag $0x2  }
0x195: {  	s0 =	rddreg [dreg:$0x0];
	s2 =	stileid.u32  }
0x196: {  	s1 =	rddreg [dreg:$0x1];
	p0 =	sne.s32 s2, $0x0  }
0x197: {  	s3 =	rddreg [dreg:$0x2];
	[bflag:$0x3] =	sbarrier.arrive $0xFFFF;
	s2 =	simm.s32 @!p0 $0x1C01  }
0x198: {  	[timem:s3], [sflag:s2] =	dma.local @!p0 [hbm:s0], s1  }
0x199: {  	s0 =	simm.s32 @!p0 $0x1  }
0x19a: {  	_ =	swait.ge @!p0 [sflag:s0], s1  }
0x19b: {  	s1 =	ssub.s32 @!p0 $0x0, s1;
	[sflag:s0] =	ssyncset.done @!p0 $0x0  }
0x19c: {  	[sflag:s0] =	ssyncadd.s32 @!p0 s1  }
0x19d: {  	[bflag:$0x3] =	sbarrier.arrive $0xFFFF  }
0x19e: {  	_ =	shalt  }

// kernel: kernel.7.cloned.1.call-start
scs
__scs_entry_jumppad:
0x0: {  	(pc) =	sbr.rel $0x88, $3  }
0x1: {  	(tag) =	ssettag $0x0;
	lr =	simm.s32 $0x1  }
0x2: {  	[smem:$0x3F9C] =	sst lr;
	_ =	strace $0xD0000000  }
0x3: {  	_ = 	snop  }
0x4: {  	_ = 	snop  }
0x5: {  	_ = 	snop  }
0x6: {  	_ = 	snop  }
0x7: {  	_ = 	snop  }
__scs_overlays_trampoline_lowered:
0x8: {  	[smem:$0x3FAB] =	sst s0  }
0x9: {  	[smem:$0x3FAC] =	sst s1  }
0xa: {  	[smem:$0x3FAD] =	sst s2  }
0xb: {  	[smem:$0x3FAE] =	sst s3  }
0xc: {  	[smem:$0x3FAF] =	sst s4  }
0xd: {  	[smem:$0x3FB0] =	sst s5  }
0xe: {  	[smem:$0x3FB1] =	sst s6  }
0xf: {  	[smem:$0x3FB2] =	sst s7  }
0x10: {  	[smem:$0x3FB3] =	sst s8  }
0x11: {  	[smem:$0x3FB4] =	sst s9;
	s0 =	simm.s32 @!p0 $0x0  }
0x12: {  	s1 =	sld [smem:$0x3F9A];
	s0 =	simm.s32 @p0 $0x1  }
0x13: {  	[smem:$0x3FB5] =	sst s0;
	s0 =	simm.s32 @!p1 $0x0  }
0x14: {  	s2 =	sld [smem:$0x3F99];
	s0 =	simm.s32 @p1 $0x1  }
0x15: {  	[smem:$0x3FB6] =	sst s0;
	s0 =	simm.s32 @!p2 $0x0  }
0x16: {  	s3 =	sld [smem:$0x3FDB];
	s0 =	simm.s32 @p2 $0x1  }
0x17: {  	s4 =	simm.s32 $0x1BF5;
	[smem:$0x3FB8] =	sst s0  }
0x18: {  	s0 =	sld [smem:$0x3F9B];
	_ =	swait.ge [sflag:s4], $0x0  }
0x19: {  	s7 =	sld [smem:$0x3F9C]  }
0x1a: {  	s8 =	sadd.s32 $0xFFFFE003, lr  }
0x1b: {  	s9 =	sadd.s32 $0xFFFFFEF7, lr;
	s5 =	simm.s32 $0xFFFFFFFF;
	p2 =	slt.u32 s8, $0xFFFFF086  }
0x1c: {  	p1 =	slt.u32 s9, $0xF7A;
	s5 =	simm.s32 @!p2 $0x0  }
0x1d: {  	s5 =	simm.s32 @p1 $0x1;
	p0 =	seq.s32 s7, s2  }
0x1e: {  	s7 =	smul.u32 @!p0 $0xF7A, s2;
	p2 =	seq.s32 @!p0 s5, $0x0  }
0x1f: {  	s9 =	smul.u32 $0xF7A, s1;
	s8 =	simm.s32 @!p0 $0x1BF5;
	p2 =	por !p2, p0  }
0x20: {  	[sflag:s8] =	ssyncset.s32 @!p0 $0xFFFFF086;
	s6 =	sadd.s32 @!p0 s3, s7;
	s7 =	simm.s32 @!p0 $0x108  }
0x21: {  	s3 =	sadd.s32 s3, s9;
	s6 =	sadd.s32 @!p0 $0x88, s6;
	s7 =	simm.s32 @p2 $0x1082  }
0x22: {  	[simem:s7], [sflag:s8] =	dma.local @!p0 [hbm:s6], $0xF7A  }
0x23: {  	s9 =	sor.u32 $0xD0000000, s2;
	s6 =	simm.s32 $0x108;
	_ =	swait.ge @!p0 [sflag:s8], $0x0  }
0x24: {  	s3 =	sadd.s32 $0x88, s3;
	s6 =	simm.s32 @!p1 $0x1082;
	[sflag:s4] =	ssyncset.s32 $0xFFFFF086  }
0x25: {  	[simem:s6], [sflag:s4] =	dma.local [hbm:s3], $0xF7A  }
0x26: {  	[smem:$0x3F9C] =	sst s1;
	(tag) =	ssettag s2;
	_ =	strace s9  }
0x27: {  	s1 =	sld [smem:$0x3FAC]  }
0x28: {  	s2 =	sld [smem:$0x3FAD]  }
0x29: {  	s4 =	sld [smem:$0x3FAF]  }
0x2a: {  	p0 =	seq.s32 s5, $0x0;
	s5 =	sld [smem:$0x3FB0]  }
0x2b: {  	s6 =	sld [smem:$0x3FB1]  }
0x2c: {  	s7 =	sld [smem:$0x3FB2]  }
0x2d: {  	s3 =	simm.s32 $0x108;
	s8 =	sld [smem:$0x3FB3]  }
0x2e: {  	s3 =	simm.s32 @!p0 $0x1082;
	s9 =	sld [smem:$0x3FB4]  }
0x2f: {  	lr =	sadd.s32 s0, s3;
	s0 =	sld [smem:$0x3FAB]  }
0x30: {  	s3 =	sld [smem:$0x3FAE]  }
0x31: {  	[smem:$0x3FB7] =	sst s10  }
0x32: {  	s10 =	sld [smem:$0x3FB5];
	_ =	sdelay $0x3  }
0x33: {  	p0 =	seq.s32 s10, $0x1;
	s10 =	sld [smem:$0x3FB7];
	_ =	sdelay $0x3  }
0x34: {  	[smem:$0x3FB7] =	sst s10  }
0x35: {  	s10 =	sld [smem:$0x3FB6];
	_ =	sdelay $0x3  }
0x36: {  	p1 =	seq.s32 s10, $0x1;
	s10 =	sld [smem:$0x3FB7];
	_ =	sdelay $0x3  }
0x37: {  	[smem:$0x3FB7] =	sst s10  }
0x38: {  	s10 =	sld [smem:$0x3FB8]  }
0x39: {  	_ = 	snop;
	(pc) =	sbr.ind lr, $3  }
0x3a: {  	_ = 	snop  }
0x3b: {  	_ = 	snop  }
0x3c: {  	p2 =	seq.s32 s10, $0x1;
	s10 =	sld [smem:$0x3FB7]  }
0x3d: {  	_ =	shalt  }
0x3e: {  	_ =	shalt  }
0x3f: {  	_ =	shalt  }
0x40: {  	_ =	shalt  }
0x41: {  	_ =	shalt  }
0x42: {  	_ =	shalt  }
0x43: {  	_ =	shalt  }
0x44: {  	_ =	shalt  }
0x45: {  	_ =	shalt  }
0x46: {  	_ =	shalt  }
0x47: {  	_ =	shalt  }
0x48: {  	_ =	shalt  }
0x49: {  	_ =	shalt  }
0x4a: {  	_ =	shalt  }
0x4b: {  	_ =	shalt  }
0x4c: {  	_ =	shalt  }
0x4d: {  	_ =	shalt  }
0x4e: {  	_ =	shalt  }
0x4f: {  	_ =	shalt  }
0x50: {  	_ =	shalt  }
0x51: {  	_ =	shalt  }
0x52: {  	_ =	shalt  }
0x53: {  	_ =	shalt  }
0x54: {  	_ =	shalt  }
0x55: {  	_ =	shalt  }
0x56: {  	_ =	shalt  }
0x57: {  	_ =	shalt  }
0x58: {  	_ =	shalt  }
0x59: {  	_ =	shalt  }
0x5a: {  	_ =	shalt  }
0x5b: {  	_ =	shalt  }
0x5c: {  	_ =	shalt  }
0x5d: {  	_ =	shalt  }
0x5e: {  	_ =	shalt  }
0x5f: {  	_ =	shalt  }
0x60: {  	_ =	shalt  }
0x61: {  	_ =	shalt  }
0x62: {  	_ =	shalt  }
0x63: {  	_ =	shalt  }
0x64: {  	_ =	shalt  }
0x65: {  	_ =	shalt  }
0x66: {  	_ =	shalt  }
0x67: {  	_ =	shalt  }
0x68: {  	_ =	shalt  }
0x69: {  	_ =	shalt  }
0x6a: {  	_ =	shalt  }
0x6b: {  	_ =	shalt  }
0x6c: {  	_ =	shalt  }
0x6d: {  	_ =	shalt  }
0x6e: {  	_ =	shalt  }
0x6f: {  	_ =	shalt  }
0x70: {  	_ =	shalt  }
0x71: {  	_ =	shalt  }
0x72: {  	_ =	shalt  }
0x73: {  	_ =	shalt  }
0x74: {  	_ =	shalt  }
0x75: {  	_ =	shalt  }
0x76: {  	_ =	shalt  }
0x77: {  	_ =	shalt  }
0x78: {  	_ =	shalt  }
0x79: {  	_ =	shalt  }
0x7a: {  	_ =	shalt  }
0x7b: {  	_ =	shalt  }
0x7c: {  	_ =	shalt  }
0x7d: {  	_ =	shalt  }
0x7e: {  	_ =	shalt  }
0x7f: {  	_ =	shalt  }
0x80: {  	_ =	shalt  }
0x81: {  	_ =	shalt  }
0x82: {  	_ =	shalt  }
0x83: {  	_ =	shalt  }
0x84: {  	_ =	shalt  }
0x85: {  	_ =	shalt  }
0x86: {  	_ =	shalt  }
0x87: {  	_ =	shalt  }
.Lfunc_end0:
.L_simem_size_0:
called_computation_lowered:
.L_overlay_start_0:
0x88: {  	s2 =	sld [smem:$0x3FD9]  }
0x89: {  	s3 =	sld [smem:$0x3FFE];
	_ =	sdelay $0x1  }
0x8a: {  	s1 =	srdreg.scid  }
0x8b: {  	s0 =	sand.u32 $0x1, s1  }
0x8c: {  	s17 =	sshll.u32 s0, $0xA;
	s2 =	sadd.s32 s3, s2  }
0x8d: {  	s2 =	sadd.s32 s2, s17  }
0x8e: {  	[smem:$0x3FC3] =	sst s2  }
0x8f: {  	_ = 	snop  }
0x90: {  	s2 =	sld [smem:$0x3FC9]  }
0x91: {  	s18 =	sld [smem:$0x3FD0];
	(tm) =	ssettm $0x1  }
0x92: {  	s4 =	sld [smem:$0x3FFB];
	_ =	sdelay $0x3  }
0x93: {  	_ =	strace s4  }
0x94: {  	s4 =	sld [smem:$0x3FFC];
	_ =	sdelay $0x3  }
0x95: {  	_ =	strace s4  }
0x96: {  	s4 =	sld [smem:$0x3FFD];
	_ =	sdelay $0x3  }
0x97: {  	_ =	strace s4  }
0x98: {  	_ =	strace $0x8FFFFFFF  }
0x99: {  	s19 =	sld [smem:$0x3FDB];
	_ =	sdelay $0x1  }
0x9a: {  	s5 =	simm.s32 $_scs_section_size  }
0x9b: {  	s6 =	simm.s32 $_size__tile_overlayer_lowered;
	s7 =	simm.s32 $_tile_overlayer_lowered  }
0x9c: {  	s22 =	simm.s32 $0x1BFF;
	s21 =	sshll.u32 s7, $0x1;
	s4 =	sadd.s32 s5, s19  }
0x9d: {  	s8 =	simm.s32 $0x0;
	s20 =	sshll.u32 s6, $0x1;
	s6 =	sadd.s32 s21, s4  }
0x9e: {  	[timem:s8], [sflag:s22] =	dma.local [hbm:s6], s20  }
0x9f: {  	_ =	swait.ge [sflag:s22], s20  }
0xa0: {  	s5 =	ssub.s32 $0x0, s20;
	[sflag:s22] =	ssyncset.done $0x0  }
0xa1: {  	[sflag:s22] =	ssyncadd.s32 s5;
	_ =	sdelay $0x1  }
0xa2: {  	s23 =	simm.s32 $0x1B8B  }
0xa3: {  	_ =	swait.ge [sflag:s23], $0x1  }
0xa4: {  	[sflag:s23] =	ssyncset.done $0x0  }
0xa5: {  	s25 =	simm.s32 $0x1B8E;
	s24 =	sld [smem:$0x3FFE];
	[sflag:s23] =	ssyncadd.s32 $0xFFFFFFFF  }
0xa6: {  	s26 =	simm.s32 $execute0_lowered;
	[smem:$0x3FD2] =	sst s25  }
0xa7: {  	s6 =	sshll.u32 s26, $0x1;
	_ =	strace $0x80000046;
	[dreg:$0x1] =	wrdreg $0xFFFFFFFF  }
0xa8: {  	s28 =	simm.s32 $_size_execute0_lowered;
	s4 =	sadd.s32 s4, s6;
	[dreg:$0x0] =	wrdreg $0x0  }
0xa9: {  	s6 =	sshll.u32 s28, $0x1;
	[dreg:$0x2] =	wrdreg s4  }
0xaa: {  	[dreg:$0x3] =	wrdreg s6  }
0xab: {  	[dreg:$0x4] =	wrdreg $0xC0  }
0xac: {  	_ =	task [dreg:s8], $0x5FFFF  }
0xad: {  	[dreg:$0x1] =	wrdreg $0xFFFFFFFF  }
0xae: {  	[dreg:$0x0] =	wrdreg $0x60  }
0xaf: {  	[dreg:$0x2] =	wrdreg s2  }
0xb0: {  	[dreg:$0x3] =	wrdreg s18  }
0xb1: {  	[dreg:$0x4] =	wrdreg s24  }
0xb2: {  	[dreg:$0x5] =	wrdreg $0x9  }
0xb3: {  	_ =	task.clear_ibuf [dreg:s8], $0x6FFFF;
	_ =	strace $0x90000046  }
0xb4: {  	s29 =	simm.s32 $0x9;
	_ =	strace $0x8000004C  }
0xb5: {  	_ =	swait.ge [sflag:s29], $0x1  }
0xb6: {  	[sflag:s29] =	ssyncadd.s32 $0xFFFFFFFF  }
0xb7: {  	_ =	strace $0x9000004C  }
0xb8: {  	_ =	sfence  }
0xb9: {  	s30 =	sld [smem:$0x0];
	_ =	sdelay $0x2  }
0xba: {  	s31 =	sshll.u32 s1, $0xD;
	s1 =	sshrl.u32 s1, $0x2  }
0xbb: {  	s3 =	sand.u32 $0x4000, s31;
	s1 =	sadd.s32 s1, s30  }
0xbc: {  	s0 =	sor.u32 s3, s0;
	s1 =	sshll.u32 s1, $0x11  }
0xbd: {  	s0 =	sor.u32 s1, s0  }
0xbe: {  	s0 =	sadd.s32 $0x8F2B, s0  }
0xbf: {  	[sflag:s0] =	ssyncadd.remote.s32 $0x1  }
0xc0: {  	_ =	sfence.sel $0xFFFF  }
0xc1: {  	[dreg:$0x0] =	wrdreg $0xFFFFFFFF;
	(pc) =	sbr.abs _section_cstart, $3  }
0xc2: {  	[dreg:$0x1] =	wrdreg $0xFFFFFFFF  }
0xc3: {  	_ =	task.clear_ibuf [dreg:s8], $0x2FFFF;
	_ =	strace $0x9FFFFFFF  }
0xc4: {  	(tm) =	ssettm $0x7FFFFFFF  }
0xc5: {  	_ =	shalt  }
tec
execute0_lowered:
.L_overlay_start_1:
0x0: {  	(tag) =	ssettag $0x1  }
0x1: {  	s1 =	rddreg [dreg:$0x0]  }
0x2: {  	s0 =	rddreg [dreg:$0x1]  }
0x3: {  	s10 =	rddreg [dreg:$0x2];
	s4 =	srdreg.scid;
	s3 =	simm.s32 $0x0  }
0x4: {  	s2 =	stileid.u32;
	s14 =	simm.s32 $0x1;
	s15 =	simm.s32 $0x3  }
0x5: {  	s16 =	simm.s32 $0x800;
	s17 =	simm.s32 $0x1000;
	s18 =	simm.s32 $0x1800  }
0x6: {  	s19 =	simm.s32 $0x2000;
	s20 =	simm.s32 $0x2800;
	s21 =	simm.s32 $0x3000  }
0x7: {  	s22 =	simm.s32 $0x3800;
	s23 =	simm.s32 $0x4000;
	s24 =	simm.s32 $0x4800  }
0x8: {  	s28 =	simm.s32 $0x6000;
	s29 =	simm.s32 $0x6800;
	s30 =	simm.s32 $0x7000  }
0x9: {  	s31 =	simm.s32 $0x7800;
	s13 =	simm.s32 $0x8000;
	s4 =	sand.u32 $0x1, s4  }
0xa: {  	[smem:$0x7FF] =	sst s3;
	s6 =	sshll.u32 s2, $0x4;
	s8 =	sadd.s32 $0x1300, s10  }
0xb: {  	s9 =	sadd.s32 $0x1400, s10;
	s5 =	sshll.u32 s4, $0x8;
	_ =	strace $0x80000047  }
0xc: {  	s7 =	ssub.s32 $0x2, s4;
	s4 =	sadd.s32 $0x1200, s10;
	s5 =	sor.u32 s6, s5  }
0xd: {  	s25 =	sshrl.u32 s7, $0x1;
	s6 =	sadd.s32 s5, s10;
	s0 =	sadd.s32 s0, s5  }
0xe: {  	s11 =	ssub.s32 s7, s25;
	s5 =	sadd.s32 $0x100, s1;
	s7 =	sadd.s32 $0x300, s1  }
0xf: {  	v2 =	vlaneseq.u32;
	s10 =	sadd.s32 $0x1500, s10;
	s25 =	simm.s32 $0x5000;
	[dreg:$0x4] =	wrdreg s0  }
0x10: {  	vm0 =	vmmov $0xffff;
	v1 =	vshrl.u32 v2, $0x3;
	s26 =	sadd.s32 $0x1000, s6;
	s6 =	sadd.s32 $0x200, s1;
	s11 =	smax.u32 s11, $0x1  }
0x11: {  	v0 =	vand.u32 $0x7, v2;
	v2 =	vor.u32 $0x8, v2;
	v1 =	vmul.u32 $0x8, v1;
	s0 =	simm.s32 $0x5;
	[dreg:$0x5] =	wrdreg s26;
	s26 =	simm.s32 $0x5800  }
.LBB2_1:
0x12: {  	_ =	strace $0x80000048  }
0x13: {  	s2 =	rddreg [dreg:$0x4]  }
0x14: {  	[tilespmem:s13], [sflag:$0x1] =	stream.linear.gather [hbm4b:s2+s3], $0x80, $0x200038;
	[tilespmem:$0x8200] =	vst v63  }
0x15: {  	s12 =	rddreg [dreg:$0x5];
	s2 =	simm.s32 $0x8100  }
0x16: {  	[tilespmem:s2], [sflag:$0x3] =	stream.linear.gather [hbm4b:s12+s3], $0x80, $0x200038;
	[tilespmem:$0x8200] =	vst v63  }
0x17: {  	_ =	strace $0x90000048  }
0x18: {  	_ =	strace $0x80000049  }
0x19: {  	_ =	swait.ge [sflag:s14], $0x80  }
0x1a: {  	[sflag:s14] =	ssyncset.done $0x0  }
0x1b: {  	[sflag:s14] =	ssyncadd.s32 $0xFFFFFF80  }
0x1c: {  	_ =	strace $0x90000049  }
0x1d: {  	_ =	strace $0x8000004A  }
0x1e: {  	_ =	swait.ge [sflag:s15], $0x80  }
0x1f: {  	[sflag:s15] =	ssyncset.done $0x0  }
0x20: {  	[sflag:s15] =	ssyncadd.s32 $0xFFFFFF80  }
0x21: {  	_ =	strace $0x9000004A  }
0x22: {  	_ =	strace $0x8000004B  }
0x23: {  	v3 =	vld [tilespmem:$0x8000];
	_ =	sdelay $0x4  }
0x24: {  	v4 =	vshll.u32 v3, $0x3  }
0x25: {  	v3 =	vand.u32 $0x7, v3;
	v4 =	vand.u32 $0xFFFFFFC0, v4  }
0x26: {  	v3 =	vor.u32 v3, v4  }
0x27: {  	v4 =	vperm.xlane v3, v0;
	_ =	sdelay $0x1  }
0x28: {  	v4 =	vadd.s32 v1, v4;
	_ =	sdelay $0x4  }
0x29: {  	[tilespmem:s3], [sflag:$0x5] =	stream.indirect_vreg.gather [hbm4b:s1+s3], $0x80, v4, vm0, $0x2000b8;
	[tilespmem:$0x8200] =	vst v63  }
0x2a: {  	v3 =	vperm.xlane v3, v2  }
0x2b: {  	[tilespmem:s16], [sflag:$0x5] =	stream.indirect_vreg.gather [hbm4b:s5+s3], $0x80, v4, vm0, $0x2000b8;
	[tilespmem:$0x8200] =	vst v63  }
0x2c: {  	v3 =	vadd.s32 v1, v3  }
0x2d: {  	[tilespmem:s17], [sflag:$0x5] =	stream.indirect_vreg.gather [hbm4b:s6+s3], $0x80, v4, vm0, $0x2000b8;
	[tilespmem:$0x8200] =	vst v63  }
0x2e: {  	_ = 	snop  }
0x2f: {  	[tilespmem:s18], [sflag:$0x5] =	stream.indirect_vreg.gather [hbm4b:s7+s3], $0x80, v4, vm0, $0x2000b8;
	[tilespmem:$0x8200] =	vst v63  }
0x30: {  	_ = 	snop  }
0x31: {  	[tilespmem:s19], [sflag:$0x5] =	stream.indirect_vreg.gather [hbm4b:s1+s3], $0x80, v3, vm0, $0x2000b8;
	[tilespmem:$0x8200] =	vst v63  }
0x32: {  	_ = 	snop  }
0x33: {  	[tilespmem:s20], [sflag:$0x5] =	stream.indirect_vreg.gather [hbm4b:s5+s3], $0x80, v3, vm0, $0x2000b8;
	[tilespmem:$0x8200] =	vst v63  }
0x34: {  	_ = 	snop  }
0x35: {  	[tilespmem:s21], [sflag:$0x5] =	stream.indirect_vreg.gather [hbm4b:s6+s3], $0x80, v3, vm0, $0x2000b8;
	[tilespmem:$0x8200] =	vst v63  }
0x36: {  	_ = 	snop  }
0x37: {  	[tilespmem:s22], [sflag:$0x5] =	stream.indirect_vreg.gather [hbm4b:s7+s3], $0x80, v3, vm0, $0x2000b8;
	[tilespmem:$0x8200] =	vst v63  }
0x38: {  	v3 =	vld [tilespmem:$0x8010];
	_ =	sdelay $0x4  }
0x39: {  	v49 =	vshll.u32 v3, $0x3  }
0x3a: {  	v3 =	vand.u32 $0x7, v3;
	v4 =	vand.u32 $0xFFFFFFC0, v49  }
0x3b: {  	v3 =	vor.u32 v3, v4  }
0x3c: {  	v4 =	vperm.xlane v3, v0;
	_ =	sdelay $0x1  }
0x3d: {  	v4 =	vadd.s32 v1, v4;
	_ =	sdelay $0x4  }
0x3e: {  	[tilespmem:s23], [sflag:$0x5] =	stream.indirect_vreg.gather [hbm4b:s1+s3], $0x80, v4, vm0, $0x2000b8;
	[tilespmem:$0x8200] =	vst v63  }
0x3f: {  	v3 =	vperm.xlane v3, v2  }
0x40: {  	[tilespmem:s24], [sflag:$0x5] =	stream.indirect_vreg.gather [hbm4b:s5+s3], $0x80, v4, vm0, $0x2000b8;
	[tilespmem:$0x8200] =	vst v63  }
0x41: {  	v3 =	vadd.s32 v1, v3  }
0x42: {  	[tilespmem:s25], [sflag:$0x5] =	stream.indirect_vreg.gather [hbm4b:s6+s3], $0x80, v4, vm0, $0x2000b8;
	[tilespmem:$0x8200] =	vst v63  }
0x43: {  	_ = 	snop  }
0x44: {  	[tilespmem:s26], [sflag:$0x5] =	stream.indirect_vreg.gather [hbm4b:s7+s3], $0x80, v4, vm0, $0x2000b8;
	[tilespmem:$0x8200] =	vst v63  }
0x45: {  	_ = 	snop  }
0x46: {  	[tilespmem:s28], [sflag:$0x5] =	stream.indirect_vreg.gather [hbm4b:s1+s3], $0x80, v3, vm0, $0x2000b8;
	[tilespmem:$0x8200] =	vst v63  }
0x47: {  	_ = 	snop  }
0x48: {  	[tilespmem:s29], [sflag:$0x5] =	stream.indirect_vreg.gather [hbm4b:s5+s3], $0x80, v3, vm0, $0x2000b8;
	[tilespmem:$0x8200] =	vst v63  }
0x49: {  	_ = 	snop  }
0x4a: {  	[tilespmem:s30], [sflag:$0x5] =	stream.indirect_vreg.gather [hbm4b:s6+s3], $0x80, v3, vm0, $0x2000b8;
	[tilespmem:$0x8200] =	vst v63  }
0x4b: {  	_ = 	snop  }
0x4c: {  	[tilespmem:s31], [sflag:$0x5] =	stream.indirect_vreg.gather [hbm4b:s7+s3], $0x80, v3, vm0, $0x2000b8;
	[tilespmem:$0x8200] =	vst v63  }
0x4d: {  	_ =	swait.ge [sflag:s0], $0x8000  }
0x4e: {  	[sflag:s0] =	ssyncset.done $0x0  }
0x4f: {  	[sflag:s0] =	ssyncadd.s32 $0xFFFF8000  }
0x50: {  	v3 =	vld [tilespmem:$0x8100];
	_ =	sdelay $0x4  }
0x51: {  	v50 =	vshll.u32 v3, $0x3  }
0x52: {  	v3 =	vand.u32 $0x7, v3;
	v4 =	vand.u32 $0xFFFFFFC0, v50  }
0x53: {  	v3 =	vor.u32 v3, v4  }
0x54: {  	v4 =	vperm.xlane v3, v0;
	_ =	sdelay $0x1  }
0x55: {  	v4 =	vadd.s32 v1, v4;
	_ =	sdelay $0x4  }
0x56: {  	[hbm4b:s4+s3] =	stream.indirect_vreg.scatter [tilespmem:s3], [sflag:$0x5], $0x80, v4, vm0, $0x2000b8;
	[tilespmem:$0x8200] =	vst v63  }
0x57: {  	v3 =	vperm.xlane v3, v2  }
0x58: {  	[hbm4b:s8+s3] =	stream.indirect_vreg.scatter [tilespmem:s16], [sflag:$0x5], $0x80, v4, vm0, $0x2000b8;
	[tilespmem:$0x8200] =	vst v63  }
0x59: {  	v3 =	vadd.s32 v1, v3  }
0x5a: {  	[hbm4b:s9+s3] =	stream.indirect_vreg.scatter [tilespmem:s17], [sflag:$0x5], $0x80, v4, vm0, $0x2000b8;
	[tilespmem:$0x8200] =	vst v63  }
0x5b: {  	_ = 	snop  }
0x5c: {  	[hbm4b:s10+s3] =	stream.indirect_vreg.scatter [tilespmem:s18], [sflag:$0x5], $0x80, v4, vm0, $0x2000b8;
	[tilespmem:$0x8200] =	vst v63  }
0x5d: {  	_ = 	snop  }
0x5e: {  	[hbm4b:s4+s3] =	stream.indirect_vreg.scatter [tilespmem:s19], [sflag:$0x5], $0x80, v3, vm0, $0x2000b8;
	[tilespmem:$0x8200] =	vst v63  }
0x5f: {  	_ = 	snop  }
0x60: {  	[hbm4b:s8+s3] =	stream.indirect_vreg.scatter [tilespmem:s20], [sflag:$0x5], $0x80, v3, vm0, $0x2000b8;
	[tilespmem:$0x8200] =	vst v63  }
0x61: {  	_ = 	snop  }
0x62: {  	[hbm4b:s9+s3] =	stream.indirect_vreg.scatter [tilespmem:s21], [sflag:$0x5], $0x80, v3, vm0, $0x2000b8;
	[tilespmem:$0x8200] =	vst v63  }
0x63: {  	_ = 	snop  }
0x64: {  	[hbm4b:s10+s3] =	stream.indirect_vreg.scatter [tilespmem:s22], [sflag:$0x5], $0x80, v3, vm0, $0x2000b8;
	[tilespmem:$0x8200] =	vst v63  }
0x65: {  	v3 =	vld [tilespmem:$0x8110];
	_ =	sdelay $0x4  }
0x66: {  	v51 =	vshll.u32 v3, $0x3  }
0x67: {  	v3 =	vand.u32 $0x7, v3;
	v4 =	vand.u32 $0xFFFFFFC0, v51  }
0x68: {  	v3 =	vor.u32 v3, v4  }
0x69: {  	v4 =	vperm.xlane v3, v0;
	_ =	sdelay $0x1  }
0x6a: {  	v4 =	vadd.s32 v1, v4;
	_ =	sdelay $0x4  }
0x6b: {  	[hbm4b:s4+s3] =	stream.indirect_vreg.scatter [tilespmem:s23], [sflag:$0x5], $0x80, v4, vm0, $0x2000b8;
	[tilespmem:$0x8200] =	vst v63  }
0x6c: {  	v3 =	vperm.xlane v3, v2  }
0x6d: {  	[hbm4b:s8+s3] =	stream.indirect_vreg.scatter [tilespmem:s24], [sflag:$0x5], $0x80, v4, vm0, $0x2000b8;
	[tilespmem:$0x8200] =	vst v63  }
0x6e: {  	v3 =	vadd.s32 v1, v3  }
0x6f: {  	[hbm4b:s9+s3] =	stream.indirect_vreg.scatter [tilespmem:s25], [sflag:$0x5], $0x80, v4, vm0, $0x2000b8;
	[tilespmem:$0x8200] =	vst v63  }
0x70: {  	_ = 	snop  }
0x71: {  	[hbm4b:s10+s3] =	stream.indirect_vreg.scatter [tilespmem:s26], [sflag:$0x5], $0x80, v4, vm0, $0x2000b8;
	[tilespmem:$0x8200] =	vst v63  }
0x72: {  	_ = 	snop  }
0x73: {  	[hbm4b:s4+s3] =	stream.indirect_vreg.scatter [tilespmem:s28], [sflag:$0x5], $0x80, v3, vm0, $0x2000b8;
	[tilespmem:$0x8200] =	vst v63  }
0x74: {  	_ = 	snop  }
0x75: {  	[hbm4b:s8+s3] =	stream.indirect_vreg.scatter [tilespmem:s29], [sflag:$0x5], $0x80, v3, vm0, $0x2000b8;
	[tilespmem:$0x8200] =	vst v63  }
0x76: {  	_ = 	snop  }
0x77: {  	[hbm4b:s9+s3] =	stream.indirect_vreg.scatter [tilespmem:s30], [sflag:$0x5], $0x80, v3, vm0, $0x2000b8;
	[tilespmem:$0x8200] =	vst v63  }
0x78: {  	_ = 	snop  }
0x79: {  	[hbm4b:s10+s3] =	stream.indirect_vreg.scatter [tilespmem:s31], [sflag:$0x5], $0x80, v3, vm0, $0x2000b8;
	[tilespmem:$0x8200] =	vst v63  }
0x7a: {  	_ =	swait.ge [sflag:s0], $0x8000  }
0x7b: {  	[sflag:s0] =	ssyncset.done $0x0  }
0x7c: {  	[sflag:s0] =	ssyncadd.s32 $0xFFFF8000  }
0x7d: {  	v3 =	vld [tilespmem:$0x8020];
	_ =	sdelay $0x4  }
0x7e: {  	v52 =	vshll.u32 v3, $0x3  }
0x7f: {  	v3 =	vand.u32 $0x7, v3;
	v4 =	vand.u32 $0xFFFFFFC0, v52  }
0x80: {  	v3 =	vor.u32 v3, v4  }
0x81: {  	v4 =	vperm.xlane v3, v0;
	_ =	sdelay $0x1  }
0x82: {  	v4 =	vadd.s32 v1, v4;
	_ =	sdelay $0x4  }
0x83: {  	[tilespmem:s3], [sflag:$0x5] =	stream.indirect_vreg.gather [hbm4b:s1+s3], $0x80, v4, vm0, $0x2000b8;
	[tilespmem:$0x8200] =	vst v63  }
0x84: {  	v3 =	vperm.xlane v3, v2  }
0x85: {  	[tilespmem:s16], [sflag:$0x5] =	stream.indirect_vreg.gather [hbm4b:s5+s3], $0x80, v4, vm0, $0x2000b8;
	[tilespmem:$0x8200] =	vst v63  }
0x86: {  	v3 =	vadd.s32 v1, v3  }
0x87: {  	[tilespmem:s17], [sflag:$0x5] =	stream.indirect_vreg.gather [hbm4b:s6+s3], $0x80, v4, vm0, $0x2000b8;
	[tilespmem:$0x8200] =	vst v63  }
0x88: {  	_ = 	snop  }
0x89: {  	[tilespmem:s18], [sflag:$0x5] =	stream.indirect_vreg.gather [hbm4b:s7+s3], $0x80, v4, vm0, $0x2000b8;
	[tilespmem:$0x8200] =	vst v63  }
0x8a: {  	_ = 	snop  }
0x8b: {  	[tilespmem:s19], [sflag:$0x5] =	stream.indirect_vreg.gather [hbm4b:s1+s3], $0x80, v3, vm0, $0x2000b8;
	[tilespmem:$0x8200] =	vst v63  }
0x8c: {  	_ = 	snop  }
0x8d: {  	[tilespmem:s20], [sflag:$0x5] =	stream.indirect_vreg.gather [hbm4b:s5+s3], $0x80, v3, vm0, $0x2000b8;
	[tilespmem:$0x8200] =	vst v63  }
0x8e: {  	_ = 	snop  }
0x8f: {  	[tilespmem:s21], [sflag:$0x5] =	stream.indirect_vreg.gather [hbm4b:s6+s3], $0x80, v3, vm0, $0x2000b8;
	[tilespmem:$0x8200] =	vst v63  }
0x90: {  	_ = 	snop  }
0x91: {  	[tilespmem:s22], [sflag:$0x5] =	stream.indirect_vreg.gather [hbm4b:s7+s3], $0x80, v3, vm0, $0x2000b8;
	[tilespmem:$0x8200] =	vst v63  }
0x92: {  	v3 =	vld [tilespmem:$0x8030];
	_ =	sdelay $0x4  }
0x93: {  	v53 =	vshll.u32 v3, $0x3  }
0x94: {  	v3 =	vand.u32 $0x7, v3;
	v4 =	vand.u32 $0xFFFFFFC0, v53  }
0x95: {  	v3 =	vor.u32 v3, v4  }
0x96: {  	v4 =	vperm.xlane v3, v0;
	_ =	sdelay $0x1  }
0x97: {  	v4 =	vadd.s32 v1, v4;
	_ =	sdelay $0x4  }
0x98: {  	[tilespmem:s23], [sflag:$0x5] =	stream.indirect_vreg.gather [hbm4b:s1+s3], $0x80, v4, vm0, $0x2000b8;
	[tilespmem:$0x8200] =	vst v63  }
0x99: {  	v3 =	vperm.xlane v3, v2  }
0x9a: {  	[tilespmem:s24], [sflag:$0x5] =	stream.indirect_vreg.gather [hbm4b:s5+s3], $0x80, v4, vm0, $0x2000b8;
	[tilespmem:$0x8200] =	vst v63  }
0x9b: {  	v3 =	vadd.s32 v1, v3  }
0x9c: {  	[tilespmem:s25], [sflag:$0x5] =	stream.indirect_vreg.gather [hbm4b:s6+s3], $0x80, v4, vm0, $0x2000b8;
	[tilespmem:$0x8200] =	vst v63  }
0x9d: {  	_ = 	snop  }
0x9e: {  	[tilespmem:s26], [sflag:$0x5] =	stream.indirect_vreg.gather [hbm4b:s7+s3], $0x80, v4, vm0, $0x2000b8;
	[tilespmem:$0x8200] =	vst v63  }
0x9f: {  	_ = 	snop  }
0xa0: {  	[tilespmem:s28], [sflag:$0x5] =	stream.indirect_vreg.gather [hbm4b:s1+s3], $0x80, v3, vm0, $0x2000b8;
	[tilespmem:$0x8200] =	vst v63  }
0xa1: {  	_ = 	snop  }
0xa2: {  	[tilespmem:s29], [sflag:$0x5] =	stream.indirect_vreg.gather [hbm4b:s5+s3], $0x80, v3, vm0, $0x2000b8;
	[tilespmem:$0x8200] =	vst v63  }
0xa3: {  	_ = 	snop  }
0xa4: {  	[tilespmem:s30], [sflag:$0x5] =	stream.indirect_vreg.gather [hbm4b:s6+s3], $0x80, v3, vm0, $0x2000b8;
	[tilespmem:$0x8200] =	vst v63  }
0xa5: {  	_ = 	snop  }
0xa6: {  	[tilespmem:s31], [sflag:$0x5] =	stream.indirect_vreg.gather [hbm4b:s7+s3], $0x80, v3, vm0, $0x2000b8;
	[tilespmem:$0x8200] =	vst v63  }
0xa7: {  	_ =	swait.ge [sflag:s0], $0x8000  }
0xa8: {  	[sflag:s0] =	ssyncset.done $0x0  }
0xa9: {  	[sflag:s0] =	ssyncadd.s32 $0xFFFF8000  }
0xaa: {  	v3 =	vld [tilespmem:$0x8120];
	_ =	sdelay $0x4  }
0xab: {  	v54 =	vshll.u32 v3, $0x3  }
0xac: {  	v3 =	vand.u32 $0x7, v3;
	v4 =	vand.u32 $0xFFFFFFC0, v54  }
0xad: {  	v3 =	vor.u32 v3, v4  }
0xae: {  	v4 =	vperm.xlane v3, v0;
	_ =	sdelay $0x1  }
0xaf: {  	v4 =	vadd.s32 v1, v4;
	_ =	sdelay $0x4  }
0xb0: {  	[hbm4b:s4+s3] =	stream.indirect_vreg.scatter [tilespmem:s3], [sflag:$0x5], $0x80, v4, vm0, $0x2000b8;
	[tilespmem:$0x8200] =	vst v63  }
0xb1: {  	v3 =	vperm.xlane v3, v2  }
0xb2: {  	[hbm4b:s8+s3] =	stream.indirect_vreg.scatter [tilespmem:s16], [sflag:$0x5], $0x80, v4, vm0, $0x2000b8;
	[tilespmem:$0x8200] =	vst v63  }
0xb3: {  	v3 =	vadd.s32 v1, v3  }
0xb4: {  	[hbm4b:s9+s3] =	stream.indirect_vreg.scatter [tilespmem:s17], [sflag:$0x5], $0x80, v4, vm0, $0x2000b8;
	[tilespmem:$0x8200] =	vst v63  }
0xb5: {  	_ = 	snop  }
0xb6: {  	[hbm4b:s10+s3] =	stream.indirect_vreg.scatter [tilespmem:s18], [sflag:$0x5], $0x80, v4, vm0, $0x2000b8;
	[tilespmem:$0x8200] =	vst v63  }
0xb7: {  	_ = 	snop  }
0xb8: {  	[hbm4b:s4+s3] =	stream.indirect_vreg.scatter [tilespmem:s19], [sflag:$0x5], $0x80, v3, vm0, $0x2000b8;
	[tilespmem:$0x8200] =	vst v63  }
0xb9: {  	_ = 	snop  }
0xba: {  	[hbm4b:s8+s3] =	stream.indirect_vreg.scatter [tilespmem:s20], [sflag:$0x5], $0x80, v3, vm0, $0x2000b8;
	[tilespmem:$0x8200] =	vst v63  }
0xbb: {  	_ = 	snop  }
0xbc: {  	[hbm4b:s9+s3] =	stream.indirect_vreg.scatter [tilespmem:s21], [sflag:$0x5], $0x80, v3, vm0, $0x2000b8;
	[tilespmem:$0x8200] =	vst v63  }
0xbd: {  	_ = 	snop  }
0xbe: {  	[hbm4b:s10+s3] =	stream.indirect_vreg.scatter [tilespmem:s22], [sflag:$0x5], $0x80, v3, vm0, $0x2000b8;
	[tilespmem:$0x8200] =	vst v63  }
0xbf: {  	v3 =	vld [tilespmem:$0x8130];
	_ =	sdelay $0x4  }
0xc0: {  	v55 =	vshll.u32 v3, $0x3  }
0xc1: {  	v3 =	vand.u32 $0x7, v3;
	v4 =	vand.u32 $0xFFFFFFC0, v55  }
0xc2: {  	v3 =	vor.u32 v3, v4  }
0xc3: {  	v4 =	vperm.xlane v3, v0;
	_ =	sdelay $0x1  }
0xc4: {  	v4 =	vadd.s32 v1, v4;
	_ =	sdelay $0x4  }
0xc5: {  	[hbm4b:s4+s3] =	stream.indirect_vreg.scatter [tilespmem:s23], [sflag:$0x5], $0x80, v4, vm0, $0x2000b8;
	[tilespmem:$0x8200] =	vst v63  }
0xc6: {  	v3 =	vperm.xlane v3, v2  }
0xc7: {  	[hbm4b:s8+s3] =	stream.indirect_vreg.scatter [tilespmem:s24], [sflag:$0x5], $0x80, v4, vm0, $0x2000b8;
	[tilespmem:$0x8200] =	vst v63  }
0xc8: {  	v3 =	vadd.s32 v1, v3  }
0xc9: {  	[hbm4b:s9+s3] =	stream.indirect_vreg.scatter [tilespmem:s25], [sflag:$0x5], $0x80, v4, vm0, $0x2000b8;
	[tilespmem:$0x8200] =	vst v63  }
0xca: {  	_ = 	snop  }
0xcb: {  	[hbm4b:s10+s3] =	stream.indirect_vreg.scatter [tilespmem:s26], [sflag:$0x5], $0x80, v4, vm0, $0x2000b8;
	[tilespmem:$0x8200] =	vst v63  }
0xcc: {  	_ = 	snop  }
0xcd: {  	[hbm4b:s4+s3] =	stream.indirect_vreg.scatter [tilespmem:s28], [sflag:$0x5], $0x80, v3, vm0, $0x2000b8;
	[tilespmem:$0x8200] =	vst v63  }
0xce: {  	_ = 	snop  }
0xcf: {  	[hbm4b:s8+s3] =	stream.indirect_vreg.scatter [tilespmem:s29], [sflag:$0x5], $0x80, v3, vm0, $0x2000b8;
	[tilespmem:$0x8200] =	vst v63  }
0xd0: {  	_ = 	snop  }
0xd1: {  	[hbm4b:s9+s3] =	stream.indirect_vreg.scatter [tilespmem:s30], [sflag:$0x5], $0x80, v3, vm0, $0x2000b8;
	[tilespmem:$0x8200] =	vst v63  }
0xd2: {  	_ = 	snop  }
0xd3: {  	[hbm4b:s10+s3] =	stream.indirect_vreg.scatter [tilespmem:s31], [sflag:$0x5], $0x80, v3, vm0, $0x2000b8;
	[tilespmem:$0x8200] =	vst v63  }
0xd4: {  	_ =	swait.ge [sflag:s0], $0x8000  }
0xd5: {  	[sflag:s0] =	ssyncset.done $0x0  }
0xd6: {  	[sflag:s0] =	ssyncadd.s32 $0xFFFF8000  }
0xd7: {  	v3 =	vld [tilespmem:$0x8040];
	_ =	sdelay $0x4  }
0xd8: {  	v56 =	vshll.u32 v3, $0x3  }
0xd9: {  	v3 =	vand.u32 $0x7, v3;
	v4 =	vand.u32 $0xFFFFFFC0, v56  }
0xda: {  	v3 =	vor.u32 v3, v4  }
0xdb: {  	v4 =	vperm.xlane v3, v0;
	_ =	sdelay $0x1  }
0xdc: {  	v4 =	vadd.s32 v1, v4;
	_ =	sdelay $0x4  }
0xdd: {  	[tilespmem:s3], [sflag:$0x5] =	stream.indirect_vreg.gather [hbm4b:s1+s3], $0x80, v4, vm0, $0x2000b8;
	[tilespmem:$0x8200] =	vst v63  }
0xde: {  	v3 =	vperm.xlane v3, v2  }
0xdf: {  	[tilespmem:s16], [sflag:$0x5] =	stream.indirect_vreg.gather [hbm4b:s5+s3], $0x80, v4, vm0, $0x2000b8;
	[tilespmem:$0x8200] =	vst v63  }
0xe0: {  	v3 =	vadd.s32 v1, v3  }
0xe1: {  	[tilespmem:s17], [sflag:$0x5] =	stream.indirect_vreg.gather [hbm4b:s6+s3], $0x80, v4, vm0, $0x2000b8;
	[tilespmem:$0x8200] =	vst v63  }
0xe2: {  	_ = 	snop  }
0xe3: {  	[tilespmem:s18], [sflag:$0x5] =	stream.indirect_vreg.gather [hbm4b:s7+s3], $0x80, v4, vm0, $0x2000b8;
	[tilespmem:$0x8200] =	vst v63  }
0xe4: {  	_ = 	snop  }
0xe5: {  	[tilespmem:s19], [sflag:$0x5] =	stream.indirect_vreg.gather [hbm4b:s1+s3], $0x80, v3, vm0, $0x2000b8;
	[tilespmem:$0x8200] =	vst v63  }
0xe6: {  	_ = 	snop  }
0xe7: {  	[tilespmem:s20], [sflag:$0x5] =	stream.indirect_vreg.gather [hbm4b:s5+s3], $0x80, v3, vm0, $0x2000b8;
	[tilespmem:$0x8200] =	vst v63  }
0xe8: {  	_ = 	snop  }
0xe9: {  	[tilespmem:s21], [sflag:$0x5] =	stream.indirect_vreg.gather [hbm4b:s6+s3], $0x80, v3, vm0, $0x2000b8;
	[tilespmem:$0x8200] =	vst v63  }
0xea: {  	_ = 	snop  }
0xeb: {  	[tilespmem:s22], [sflag:$0x5] =	stream.indirect_vreg.gather [hbm4b:s7+s3], $0x80, v3, vm0, $0x2000b8;
	[tilespmem:$0x8200] =	vst v63  }
0xec: {  	v3 =	vld [tilespmem:$0x8050];
	_ =	sdelay $0x4  }
0xed: {  	v57 =	vshll.u32 v3, $0x3  }
0xee: {  	v3 =	vand.u32 $0x7, v3;
	v4 =	vand.u32 $0xFFFFFFC0, v57  }
0xef: {  	v3 =	vor.u32 v3, v4  }
0xf0: {  	v4 =	vperm.xlane v3, v0;
	_ =	sdelay $0x1  }
0xf1: {  	v4 =	vadd.s32 v1, v4;
	_ =	sdelay $0x4  }
0xf2: {  	[tilespmem:s23], [sflag:$0x5] =	stream.indirect_vreg.gather [hbm4b:s1+s3], $0x80, v4, vm0, $0x2000b8;
	[tilespmem:$0x8200] =	vst v63  }
0xf3: {  	v3 =	vperm.xlane v3, v2  }
0xf4: {  	[tilespmem:s24], [sflag:$0x5] =	stream.indirect_vreg.gather [hbm4b:s5+s3], $0x80, v4, vm0, $0x2000b8;
	[tilespmem:$0x8200] =	vst v63  }
0xf5: {  	v3 =	vadd.s32 v1, v3  }
0xf6: {  	[tilespmem:s25], [sflag:$0x5] =	stream.indirect_vreg.gather [hbm4b:s6+s3], $0x80, v4, vm0, $0x2000b8;
	[tilespmem:$0x8200] =	vst v63  }
0xf7: {  	_ = 	snop  }
0xf8: {  	[tilespmem:s26], [sflag:$0x5] =	stream.indirect_vreg.gather [hbm4b:s7+s3], $0x80, v4, vm0, $0x2000b8;
	[tilespmem:$0x8200] =	vst v63  }
0xf9: {  	_ = 	snop  }
0xfa: {  	[tilespmem:s28], [sflag:$0x5] =	stream.indirect_vreg.gather [hbm4b:s1+s3], $0x80, v3, vm0, $0x2000b8;
	[tilespmem:$0x8200] =	vst v63  }
0xfb: {  	_ = 	snop  }
0xfc: {  	[tilespmem:s29], [sflag:$0x5] =	stream.indirect_vreg.gather [hbm4b:s5+s3], $0x80, v3, vm0, $0x2000b8;
	[tilespmem:$0x8200] =	vst v63  }
0xfd: {  	_ = 	snop  }
0xfe: {  	[tilespmem:s30], [sflag:$0x5] =	stream.indirect_vreg.gather [hbm4b:s6+s3], $0x80, v3, vm0, $0x2000b8;
	[tilespmem:$0x8200] =	vst v63  }
0xff: {  	_ = 	snop  }
0x100: {  	[tilespmem:s31], [sflag:$0x5] =	stream.indirect_vreg.gather [hbm4b:s7+s3], $0x80, v3, vm0, $0x2000b8;
	[tilespmem:$0x8200] =	vst v63  }
0x101: {  	_ =	swait.ge [sflag:s0], $0x8000  }
0x102: {  	[sflag:s0] =	ssyncset.done $0x0  }
0x103: {  	[sflag:s0] =	ssyncadd.s32 $0xFFFF8000  }
0x104: {  	v3 =	vld [tilespmem:$0x8140];
	_ =	sdelay $0x4  }
0x105: {  	v58 =	vshll.u32 v3, $0x3  }
0x106: {  	v3 =	vand.u32 $0x7, v3;
	v4 =	vand.u32 $0xFFFFFFC0, v58  }
0x107: {  	v3 =	vor.u32 v3, v4  }
0x108: {  	v4 =	vperm.xlane v3, v0;
	_ =	sdelay $0x1  }
0x109: {  	v4 =	vadd.s32 v1, v4;
	_ =	sdelay $0x4  }
0x10a: {  	[hbm4b:s4+s3] =	stream.indirect_vreg.scatter [tilespmem:s3], [sflag:$0x5], $0x80, v4, vm0, $0x2000b8;
	[tilespmem:$0x8200] =	vst v63  }
0x10b: {  	v3 =	vperm.xlane v3, v2  }
0x10c: {  	[hbm4b:s8+s3] =	stream.indirect_vreg.scatter [tilespmem:s16], [sflag:$0x5], $0x80, v4, vm0, $0x2000b8;
	[tilespmem:$0x8200] =	vst v63  }
0x10d: {  	v3 =	vadd.s32 v1, v3  }
0x10e: {  	[hbm4b:s9+s3] =	stream.indirect_vreg.scatter [tilespmem:s17], [sflag:$0x5], $0x80, v4, vm0, $0x2000b8;
	[tilespmem:$0x8200] =	vst v63  }
0x10f: {  	_ = 	snop  }
0x110: {  	[hbm4b:s10+s3] =	stream.indirect_vreg.scatter [tilespmem:s18], [sflag:$0x5], $0x80, v4, vm0, $0x2000b8;
	[tilespmem:$0x8200] =	vst v63  }
0x111: {  	_ = 	snop  }
0x112: {  	[hbm4b:s4+s3] =	stream.indirect_vreg.scatter [tilespmem:s19], [sflag:$0x5], $0x80, v3, vm0, $0x2000b8;
	[tilespmem:$0x8200] =	vst v63  }
0x113: {  	_ = 	snop  }
0x114: {  	[hbm4b:s8+s3] =	stream.indirect_vreg.scatter [tilespmem:s20], [sflag:$0x5], $0x80, v3, vm0, $0x2000b8;
	[tilespmem:$0x8200] =	vst v63  }
0x115: {  	_ = 	snop  }
0x116: {  	[hbm4b:s9+s3] =	stream.indirect_vreg.scatter [tilespmem:s21], [sflag:$0x5], $0x80, v3, vm0, $0x2000b8;
	[tilespmem:$0x8200] =	vst v63  }
0x117: {  	_ = 	snop  }
0x118: {  	[hbm4b:s10+s3] =	stream.indirect_vreg.scatter [tilespmem:s22], [sflag:$0x5], $0x80, v3, vm0, $0x2000b8;
	[tilespmem:$0x8200] =	vst v63  }
0x119: {  	v3 =	vld [tilespmem:$0x8150];
	_ =	sdelay $0x4  }
0x11a: {  	v59 =	vshll.u32 v3, $0x3  }
0x11b: {  	v3 =	vand.u32 $0x7, v3;
	v4 =	vand.u32 $0xFFFFFFC0, v59  }
0x11c: {  	v3 =	vor.u32 v3, v4  }
0x11d: {  	v4 =	vperm.xlane v3, v0;
	_ =	sdelay $0x1  }
0x11e: {  	v4 =	vadd.s32 v1, v4;
	_ =	sdelay $0x4  }
0x11f: {  	[hbm4b:s4+s3] =	stream.indirect_vreg.scatter [tilespmem:s23], [sflag:$0x5], $0x80, v4, vm0, $0x2000b8;
	[tilespmem:$0x8200] =	vst v63  }
0x120: {  	v3 =	vperm.xlane v3, v2  }
0x121: {  	[hbm4b:s8+s3] =	stream.indirect_vreg.scatter [tilespmem:s24], [sflag:$0x5], $0x80, v4, vm0, $0x2000b8;
	[tilespmem:$0x8200] =	vst v63  }
0x122: {  	v3 =	vadd.s32 v1, v3  }
0x123: {  	[hbm4b:s9+s3] =	stream.indirect_vreg.scatter [tilespmem:s25], [sflag:$0x5], $0x80, v4, vm0, $0x2000b8;
	[tilespmem:$0x8200] =	vst v63  }
0x124: {  	_ = 	snop  }
0x125: {  	[hbm4b:s10+s3] =	stream.indirect_vreg.scatter [tilespmem:s26], [sflag:$0x5], $0x80, v4, vm0, $0x2000b8;
	[tilespmem:$0x8200] =	vst v63  }
0x126: {  	_ = 	snop  }
0x127: {  	[hbm4b:s4+s3] =	stream.indirect_vreg.scatter [tilespmem:s28], [sflag:$0x5], $0x80, v3, vm0, $0x2000b8;
	[tilespmem:$0x8200] =	vst v63  }
0x128: {  	_ = 	snop  }
0x129: {  	[hbm4b:s8+s3] =	stream.indirect_vreg.scatter [tilespmem:s29], [sflag:$0x5], $0x80, v3, vm0, $0x2000b8;
	[tilespmem:$0x8200] =	vst v63  }
0x12a: {  	_ = 	snop  }
0x12b: {  	[hbm4b:s9+s3] =	stream.indirect_vreg.scatter [tilespmem:s30], [sflag:$0x5], $0x80, v3, vm0, $0x2000b8;
	[tilespmem:$0x8200] =	vst v63  }
0x12c: {  	_ = 	snop  }
0x12d: {  	[hbm4b:s10+s3] =	stream.indirect_vreg.scatter [tilespmem:s31], [sflag:$0x5], $0x80, v3, vm0, $0x2000b8;
	[tilespmem:$0x8200] =	vst v63  }
0x12e: {  	_ =	swait.ge [sflag:s0], $0x8000  }
0x12f: {  	[sflag:s0] =	ssyncset.done $0x0  }
0x130: {  	[sflag:s0] =	ssyncadd.s32 $0xFFFF8000  }
0x131: {  	v3 =	vld [tilespmem:$0x8060];
	_ =	sdelay $0x4  }
0x132: {  	v60 =	vshll.u32 v3, $0x3  }
0x133: {  	v3 =	vand.u32 $0x7, v3;
	v4 =	vand.u32 $0xFFFFFFC0, v60  }
0x134: {  	v3 =	vor.u32 v3, v4  }
0x135: {  	v4 =	vperm.xlane v3, v0;
	_ =	sdelay $0x1  }
0x136: {  	v4 =	vadd.s32 v1, v4;
	_ =	sdelay $0x4  }
0x137: {  	[tilespmem:s3], [sflag:$0x5] =	stream.indirect_vreg.gather [hbm4b:s1+s3], $0x80, v4, vm0, $0x2000b8;
	[tilespmem:$0x8200] =	vst v63  }
0x138: {  	v3 =	vperm.xlane v3, v2  }
0x139: {  	[tilespmem:s16], [sflag:$0x5] =	stream.indirect_vreg.gather [hbm4b:s5+s3], $0x80, v4, vm0, $0x2000b8;
	[tilespmem:$0x8200] =	vst v63  }
0x13a: {  	v3 =	vadd.s32 v1, v3  }
0x13b: {  	[tilespmem:s17], [sflag:$0x5] =	stream.indirect_vreg.gather [hbm4b:s6+s3], $0x80, v4, vm0, $0x2000b8;
	[tilespmem:$0x8200] =	vst v63  }
0x13c: {  	_ = 	snop  }
0x13d: {  	[tilespmem:s18], [sflag:$0x5] =	stream.indirect_vreg.gather [hbm4b:s7+s3], $0x80, v4, vm0, $0x2000b8;
	[tilespmem:$0x8200] =	vst v63  }
0x13e: {  	_ = 	snop  }
0x13f: {  	[tilespmem:s19], [sflag:$0x5] =	stream.indirect_vreg.gather [hbm4b:s1+s3], $0x80, v3, vm0, $0x2000b8;
	[tilespmem:$0x8200] =	vst v63  }
0x140: {  	_ = 	snop  }
0x141: {  	[tilespmem:s20], [sflag:$0x5] =	stream.indirect_vreg.gather [hbm4b:s5+s3], $0x80, v3, vm0, $0x2000b8;
	[tilespmem:$0x8200] =	vst v63  }
0x142: {  	_ = 	snop  }
0x143: {  	[tilespmem:s21], [sflag:$0x5] =	stream.indirect_vreg.gather [hbm4b:s6+s3], $0x80, v3, vm0, $0x2000b8;
	[tilespmem:$0x8200] =	vst v63  }
0x144: {  	_ = 	snop  }
0x145: {  	[tilespmem:s22], [sflag:$0x5] =	stream.indirect_vreg.gather [hbm4b:s7+s3], $0x80, v3, vm0, $0x2000b8;
	[tilespmem:$0x8200] =	vst v63  }
0x146: {  	v3 =	vld [tilespmem:$0x8070];
	_ =	sdelay $0x4  }
0x147: {  	v61 =	vshll.u32 v3, $0x3  }
0x148: {  	v3 =	vand.u32 $0x7, v3;
	v4 =	vand.u32 $0xFFFFFFC0, v61  }
0x149: {  	v3 =	vor.u32 v3, v4  }
0x14a: {  	v4 =	vperm.xlane v3, v0;
	_ =	sdelay $0x1  }
0x14b: {  	v4 =	vadd.s32 v1, v4;
	_ =	sdelay $0x4  }
0x14c: {  	[tilespmem:s23], [sflag:$0x5] =	stream.indirect_vreg.gather [hbm4b:s1+s3], $0x80, v4, vm0, $0x2000b8;
	[tilespmem:$0x8200] =	vst v63  }
0x14d: {  	v3 =	vperm.xlane v3, v2  }
0x14e: {  	[tilespmem:s24], [sflag:$0x5] =	stream.indirect_vreg.gather [hbm4b:s5+s3], $0x80, v4, vm0, $0x2000b8;
	[tilespmem:$0x8200] =	vst v63  }
0x14f: {  	v3 =	vadd.s32 v1, v3  }
0x150: {  	[tilespmem:s25], [sflag:$0x5] =	stream.indirect_vreg.gather [hbm4b:s6+s3], $0x80, v4, vm0, $0x2000b8;
	[tilespmem:$0x8200] =	vst v63  }
0x151: {  	_ = 	snop  }
0x152: {  	[tilespmem:s26], [sflag:$0x5] =	stream.indirect_vreg.gather [hbm4b:s7+s3], $0x80, v4, vm0, $0x2000b8;
	[tilespmem:$0x8200] =	vst v63  }
0x153: {  	_ = 	snop  }
0x154: {  	[tilespmem:s28], [sflag:$0x5] =	stream.indirect_vreg.gather [hbm4b:s1+s3], $0x80, v3, vm0, $0x2000b8;
	[tilespmem:$0x8200] =	vst v63  }
0x155: {  	_ = 	snop  }
0x156: {  	[tilespmem:s29], [sflag:$0x5] =	stream.indirect_vreg.gather [hbm4b:s5+s3], $0x80, v3, vm0, $0x2000b8;
	[tilespmem:$0x8200] =	vst v63  }
0x157: {  	_ = 	snop  }
0x158: {  	[tilespmem:s30], [sflag:$0x5] =	stream.indirect_vreg.gather [hbm4b:s6+s3], $0x80, v3, vm0, $0x2000b8;
	[tilespmem:$0x8200] =	vst v63  }
0x159: {  	_ = 	snop  }
0x15a: {  	[tilespmem:s31], [sflag:$0x5] =	stream.indirect_vreg.gather [hbm4b:s7+s3], $0x80, v3, vm0, $0x2000b8;
	[tilespmem:$0x8200] =	vst v63  }
0x15b: {  	_ =	swait.ge [sflag:s0], $0x8000  }
0x15c: {  	[sflag:s0] =	ssyncset.done $0x0  }
0x15d: {  	[sflag:s0] =	ssyncadd.s32 $0xFFFF8000  }
0x15e: {  	v3 =	vld [tilespmem:$0x8160];
	_ =	sdelay $0x4  }
0x15f: {  	v62 =	vshll.u32 v3, $0x3  }
0x160: {  	v3 =	vand.u32 $0x7, v3;
	v4 =	vand.u32 $0xFFFFFFC0, v62  }
0x161: {  	v3 =	vor.u32 v3, v4  }
0x162: {  	v4 =	vperm.xlane v3, v0;
	_ =	sdelay $0x1  }
0x163: {  	v4 =	vadd.s32 v1, v4;
	_ =	sdelay $0x4  }
0x164: {  	[hbm4b:s4+s3] =	stream.indirect_vreg.scatter [tilespmem:s3], [sflag:$0x5], $0x80, v4, vm0, $0x2000b8;
	[tilespmem:$0x8200] =	vst v63  }
0x165: {  	v3 =	vperm.xlane v3, v2  }
0x166: {  	[hbm4b:s8+s3] =	stream.indirect_vreg.scatter [tilespmem:s16], [sflag:$0x5], $0x80, v4, vm0, $0x2000b8;
	[tilespmem:$0x8200] =	vst v63  }
0x167: {  	v3 =	vadd.s32 v1, v3  }
0x168: {  	[hbm4b:s9+s3] =	stream.indirect_vreg.scatter [tilespmem:s17], [sflag:$0x5], $0x80, v4, vm0, $0x2000b8;
	[tilespmem:$0x8200] =	vst v63  }
0x169: {  	_ = 	snop  }
0x16a: {  	[hbm4b:s10+s3] =	stream.indirect_vreg.scatter [tilespmem:s18], [sflag:$0x5], $0x80, v4, vm0, $0x2000b8;
	[tilespmem:$0x8200] =	vst v63  }
0x16b: {  	_ = 	snop  }
0x16c: {  	[hbm4b:s4+s3] =	stream.indirect_vreg.scatter [tilespmem:s19], [sflag:$0x5], $0x80, v3, vm0, $0x2000b8;
	[tilespmem:$0x8200] =	vst v63  }
0x16d: {  	_ = 	snop  }
0x16e: {  	[hbm4b:s8+s3] =	stream.indirect_vreg.scatter [tilespmem:s20], [sflag:$0x5], $0x80, v3, vm0, $0x2000b8;
	[tilespmem:$0x8200] =	vst v63  }
0x16f: {  	_ = 	snop  }
0x170: {  	[hbm4b:s9+s3] =	stream.indirect_vreg.scatter [tilespmem:s21], [sflag:$0x5], $0x80, v3, vm0, $0x2000b8;
	[tilespmem:$0x8200] =	vst v63  }
0x171: {  	_ = 	snop  }
0x172: {  	[hbm4b:s10+s3] =	stream.indirect_vreg.scatter [tilespmem:s22], [sflag:$0x5], $0x80, v3, vm0, $0x2000b8;
	[tilespmem:$0x8200] =	vst v63  }
0x173: {  	v3 =	vld [tilespmem:$0x8170];
	_ =	sdelay $0x4  }
0x174: {  	v63 =	vshll.u32 v3, $0x3  }
0x175: {  	v3 =	vand.u32 $0x7, v3;
	v4 =	vand.u32 $0xFFFFFFC0, v63  }
0x176: {  	v3 =	vor.u32 v3, v4  }
0x177: {  	v4 =	vperm.xlane v3, v0;
	_ =	sdelay $0x1  }
0x178: {  	v4 =	vadd.s32 v1, v4;
	_ =	sdelay $0x4  }
0x179: {  	[hbm4b:s4+s3] =	stream.indirect_vreg.scatter [tilespmem:s23], [sflag:$0x5], $0x80, v4, vm0, $0x2000b8;
	[tilespmem:$0x8200] =	vst v63  }
0x17a: {  	v3 =	vperm.xlane v3, v2  }
0x17b: {  	[hbm4b:s8+s3] =	stream.indirect_vreg.scatter [tilespmem:s24], [sflag:$0x5], $0x80, v4, vm0, $0x2000b8;
	[tilespmem:$0x8200] =	vst v63  }
0x17c: {  	v3 =	vadd.s32 v1, v3  }
0x17d: {  	[hbm4b:s9+s3] =	stream.indirect_vreg.scatter [tilespmem:s25], [sflag:$0x5], $0x80, v4, vm0, $0x2000b8;
	[tilespmem:$0x8200] =	vst v63  }
0x17e: {  	_ = 	snop  }
0x17f: {  	[hbm4b:s10+s3] =	stream.indirect_vreg.scatter [tilespmem:s26], [sflag:$0x5], $0x80, v4, vm0, $0x2000b8;
	[tilespmem:$0x8200] =	vst v63  }
0x180: {  	_ = 	snop  }
0x181: {  	[hbm4b:s4+s3] =	stream.indirect_vreg.scatter [tilespmem:s28], [sflag:$0x5], $0x80, v3, vm0, $0x2000b8;
	[tilespmem:$0x8200] =	vst v63  }
0x182: {  	_ = 	snop  }
0x183: {  	[hbm4b:s8+s3] =	stream.indirect_vreg.scatter [tilespmem:s29], [sflag:$0x5], $0x80, v3, vm0, $0x2000b8;
	[tilespmem:$0x8200] =	vst v63  }
0x184: {  	_ = 	snop  }
0x185: {  	[hbm4b:s9+s3] =	stream.indirect_vreg.scatter [tilespmem:s30], [sflag:$0x5], $0x80, v3, vm0, $0x2000b8;
	[tilespmem:$0x8200] =	vst v63  }
0x186: {  	p0 =	sne.s32 s11, $0x1  }
0x187: {  	[hbm4b:s10+s3] =	stream.indirect_vreg.scatter [tilespmem:s31], [sflag:$0x5], $0x80, v3, vm0, $0x2000b8;
	[tilespmem:$0x8200] =	vst v63  }
.Ltmp0:
0x188: {  	_ = 	snop;
	(pc) =	sbr.rel @p0 .LBB2_1-.Ltmp0, $4  }
0x189: {  	_ =	swait.ge [sflag:s0], $0x8000  }
0x18a: {  	[sflag:s0] =	ssyncset.done $0x0  }
0x18b: {  	[sflag:s0] =	ssyncadd.s32 $0xFFFF8000  }
0x18c: {  	s11 =	sadd.s32 $0xFFFFFFFF, s11;
	_ =	strace $0x9000004B  }
0x18d: {  	_ =	sfence.sel $0x180000  }
0x18e: {  	[bflag:$0x0] =	sbarrier.arrive $0xFFFF  }
0x18f: {  	_ =	strace $0x90000047  }
0x190: {  	s0 =	stileid.u32;
	[bflag:$0x2] =	sbarrier.arrive $0xFFFF  }
0x191: {  	p0 =	sne.s32 s0, $0x0;
	s0 =	rddreg [dreg:$0x3]  }
0x192: {  	s0 =	sadd.s32 @!p0 $0x100000, s0  }
0x193: {  	[sflag:s0] =	ssyncadd.tile.s32 @!p0 $0x1;
	_ =	shalt  }
.Lfunc_end2:
_tile_overlayer_lowered:
.L_overlay_start_2:
0x194: {  	(tag) =	ssettag $0x2  }
0x195: {  	s0 =	rddreg [dreg:$0x0];
	s2 =	stileid.u32  }
0x196: {  	s1 =	rddreg [dreg:$0x1];
	p0 =	sne.s32 s2, $0x0  }
0x197: {  	s3 =	rddreg [dreg:$0x2];
	[bflag:$0x3] =	sbarrier.arrive $0xFFFF;
	s2 =	simm.s32 @!p0 $0x1C01  }
0x198: {  	[timem:s3], [sflag:s2] =	dma.local @!p0 [hbm:s0], s1  }
0x199: {  	s0 =	simm.s32 @!p0 $0x1  }
0x19a: {  	_ =	swait.ge @!p0 [sflag:s0], s1  }
0x19b: {  	s1 =	ssub.s32 @!p0 $0x0, s1;
	[sflag:s0] =	ssyncset.done @!p0 $0x0  }
0x19c: {  	[sflag:s0] =	ssyncadd.s32 @!p0 s1  }
0x19d: {  	[bflag:$0x3] =	sbarrier.arrive $0xFFFF  }
0x19e: {  	_ =	shalt  }

</sc_bundles>
